<compile_context>
chip_gen: v7x
topology: tpu7x:2x2x1
jax: 0.10.2.dev20260603
libtpu: 0.0.44.dev20260713+nightly
codegen_flags: <defaults>
</compile_context>

<pallas_src>
import functools

import jax
import jax.numpy as jnp
from jax import lax
from jax.experimental import pallas as pl
from jax.experimental.pallas import tpu as pltpu
from jax.experimental.pallas import tpu_sc as plsc

_N, _E, _H = 10000, 320000, 128
_G, _NGF = 8, 32
_EPS = 1e-5
_INV = (1.0 + _EPS) ** -0.5

_NC, _NS = 2, 16
_NT = _NC * _NS
_EPT = -(-_E // _NT // 128) * 128
_NCH = _EPT // 128
_RPT = 624
_REM = _N - _NS * _RPT
_ACC_ROWS = _N + 8

_BR = 2000
_NB = _N // _BR



def _sc_degree(dst_ch, ones_rows, zeros_deg):
    mesh = plsc.VectorSubcoreMesh(core_axis_name="c", subcore_axis_name="s")

    @functools.partial(
        pl.kernel,
        out_type=jax.ShapeDtypeStruct((_NC, _N, 128), jnp.float32),
        mesh=mesh,
        scratch_types=[
            pltpu.VMEM((_NCH, 128), jnp.int32),
            pltpu.VMEM((128, 128), jnp.float32),
            pltpu.VMEM_SHARED((_ACC_ROWS, 128), jnp.float32),
        ],
    )
    def k(dst_hbm, ones_hbm, zero_hbm, out_hbm, dst_v, ones_v, acc_sh):
        c = lax.axis_index("c")
        s = lax.axis_index("s")
        t = c * _NS + s
        base = s * _RPT
        pltpu.sync_copy(zero_hbm.at[pl.ds(base, _RPT)],
                        acc_sh.at[pl.ds(base, _RPT)])

        @pl.when(s == 0)
        def _():
            pltpu.sync_copy(zero_hbm.at[pl.ds(_NS * _RPT, _REM + 8)],
                            acc_sh.at[pl.ds(_NS * _RPT, _REM + 8)])

        pltpu.sync_copy(ones_hbm, ones_v)
        pltpu.sync_copy(dst_hbm.at[t], dst_v)
        plsc.subcore_barrier()

        def body(j, carry):
            pltpu.sync_copy(ones_v, acc_sh.at[dst_v.at[j]], add=True)
            return carry

        lax.fori_loop(0, _NCH, body, 0)
        plsc.subcore_barrier()
        pltpu.sync_copy(acc_sh.at[pl.ds(base, _RPT)],
                        out_hbm.at[c, pl.ds(base, _RPT)])

        @pl.when(s == 0)
        def _():
            pltpu.sync_copy(acc_sh.at[pl.ds(_NS * _RPT, _REM)],
                            out_hbm.at[c, pl.ds(_NS * _RPT, _REM)])

    return k(dst_ch, ones_rows, zeros_deg)


def _sc_scatter(u, src_ch, dst_ch, zrow):
    mesh = plsc.VectorSubcoreMesh(core_axis_name="c", subcore_axis_name="s")

    @functools.partial(
        pl.kernel,
        out_type=jax.ShapeDtypeStruct((_NC, _N, _H), jnp.float32),
        mesh=mesh,
        scratch_types=[
            pltpu.VMEM((_NCH, 128), jnp.int32),
            pltpu.VMEM((_NCH, 128), jnp.int32),
            pltpu.VMEM((128, _H), jnp.float32),
            pltpu.VMEM_SHARED((_ACC_ROWS, _H), jnp.float32),
            pltpu.SemaphoreType.DMA,
        ],
    )
    def k(u_hbm, src_hbm, dst_hbm, zrow_hbm, out_hbm,
          src_v, dst_v, rows_v, acc_sh, sem):
        c = lax.axis_index("c")
        s = lax.axis_index("s")
        t = c * _NS + s
        base = s * _RPT
        pltpu.sync_copy(u_hbm.at[pl.ds(base, _RPT)],
                        acc_sh.at[pl.ds(base, _RPT)])

        @pl.when(s == 0)
        def _():
            pltpu.sync_copy(u_hbm.at[pl.ds(_NS * _RPT, _REM)],
                            acc_sh.at[pl.ds(_NS * _RPT, _REM)])
            pltpu.sync_copy(zrow_hbm, acc_sh.at[pl.ds(_N, 8)])

        pltpu.sync_copy(src_hbm.at[t], src_v)
        pltpu.sync_copy(dst_hbm.at[t], dst_v)
        plsc.subcore_barrier()

        def body(j, carry):
            pltpu.async_copy(u_hbm.at[src_v.at[j]], rows_v, sem).wait()
            pltpu.sync_copy(rows_v, acc_sh.at[dst_v.at[j]], add=True)
            return carry

        lax.fori_loop(0, _NCH, body, 0)
        plsc.subcore_barrier()
        pltpu.sync_copy(acc_sh.at[pl.ds(base, _RPT)],
                        out_hbm.at[c, pl.ds(base, _RPT)])

        @pl.when(s == 0)
        def _():
            pltpu.sync_copy(acc_sh.at[pl.ds(_NS * _RPT, _REM)],
                            out_hbm.at[c, pl.ds(_NS * _RPT, _REM)])

    return k(u, src_ch, dst_ch, zrow)



def _row_spec():
    return pl.BlockSpec((_BR, _H), lambda i: (i, 0))


def _full_spec(shape):
    return pl.BlockSpec(shape, lambda i: tuple(0 for _ in shape))


def _tc_encoder(x, W, b, g, beta):
    def body(x_ref, W_ref, b_ref, g_ref, beta_ref, h_ref):
        h = jnp.dot(x_ref[...], W_ref[...],
                    preferred_element_type=jnp.float32) + b_ref[...]
        h_ref[...] = jnp.maximum(g_ref[...] * _INV * h + beta_ref[...], 0.0)

    return pl.pallas_call(
        body,
        grid=(_NB,),
        in_specs=[
            pl.BlockSpec((_BR, x.shape[1]), lambda i: (i, 0)),
            _full_spec((x.shape[1], _H)),
            _full_spec((1, _H)),
            _full_spec((1, _H)),
            _full_spec((1, _H)),
        ],
        out_specs=_row_spec(),
        out_shape=jax.ShapeDtypeStruct((_N, _H), jnp.float32),
    )(x, W, b.reshape(1, _H), g.reshape(1, _H), beta.reshape(1, _H))


def _tc_first(h, deg0, deg1, W):
    def body(h_ref, d0_ref, d1_ref, W_ref, u_ref, dis_ref):
        deg = d0_ref[:, 0:1] + d1_ref[:, 0:1] + 1.0
        dis = lax.rsqrt(deg)
        u_ref[...] = jnp.dot(dis * h_ref[...], W_ref[...],
                             preferred_element_type=jnp.float32)
        dis_ref[...] = dis

    return pl.pallas_call(
        body,
        grid=(_NB,),
        in_specs=[
            _row_spec(),
            pl.BlockSpec((_BR, 128), lambda i: (i, 0)),
            pl.BlockSpec((_BR, 128), lambda i: (i, 0)),
            _full_spec((_H, _H)),
        ],
        out_specs=[_row_spec(), pl.BlockSpec((_BR, 1), lambda i: (i, 0))],
        out_shape=[
            jax.ShapeDtypeStruct((_N, _H), jnp.float32),
            jax.ShapeDtypeStruct((_N, 1), jnp.float32),
        ],
    )(h, deg0, deg1, W)


def _tc_mid(a0, a1, u_in, dis, b, g, beta, W_next, h_res=None, want_h=False):
    def body(*refs):
        idx = 8
        a0_ref, a1_ref, u_in_ref, dis_ref, b_ref, g_ref, beta_ref, W_ref = \
            refs[:8]
        if h_res is not None:
            res_ref = refs[idx]
            idx += 1
        u_ref = refs[idx]
        idx += 1
        d = dis_ref[...]
        hpre = d * (a0_ref[...] + a1_ref[...] - u_in_ref[...]) + b_ref[...]
        h = jnp.maximum(g_ref[...] * _INV * hpre + beta_ref[...], 0.0)
        if h_res is not None:
            h = h + res_ref[...]
        u_ref[...] = jnp.dot(d * h, W_ref[...],
                             preferred_element_type=jnp.float32)
        if want_h:
            refs[idx][...] = h

    in_specs = [
        _row_spec(), _row_spec(), _row_spec(),
        pl.BlockSpec((_BR, 1), lambda i: (i, 0)),
        _full_spec((1, _H)), _full_spec((1, _H)), _full_spec((1, _H)),
        _full_spec((_H, _H)),
    ]
    args = [a0, a1, u_in, dis, b.reshape(1, _H), g.reshape(1, _H),
            beta.reshape(1, _H), W_next]
    if h_res is not None:
        in_specs.append(_row_spec())
        args.append(h_res)
    out_specs = [_row_spec()]
    out_shape = [jax.ShapeDtypeStruct((_N, _H), jnp.float32)]
    if want_h:
        out_specs.append(_row_spec())
        out_shape.append(jax.ShapeDtypeStruct((_N, _H), jnp.float32))

    return pl.pallas_call(
        body,
        grid=(_NB,),
        in_specs=in_specs,
        out_specs=out_specs,
        out_shape=out_shape,
    )(*args)


def _tc_final(a0, a1, u_in, dis, b, g, beta, batch2d, gf,
              f1W, f1b, b1g, b1b, f2W, f2b, b2g, b2b, f3W, f3b):
    nin = 3 * _H + _NGF

    def body(a0_ref, a1_ref, u_in_ref, dis_ref, b_ref, g_ref, beta_ref,
             batch_ref,
             gf_ref, f1W_ref, f1b_ref, b1g_ref, b1b_ref, f2W_ref, f2b_ref,
             b2g_ref, b2b_ref, f3W_ref, f3b_ref, out_ref,
             ssum, smax, scnt):
        i = pl.program_id(0)

        @pl.when(i == 0)
        def _():
            ssum[...] = jnp.zeros_like(ssum)
            smax[...] = jnp.full_like(smax, -jnp.inf)
            scnt[...] = jnp.zeros_like(scnt)

        d = dis_ref[...]
        hpre = d * (a0_ref[...] + a1_ref[...] - u_in_ref[...]) + b_ref[...]
        h = jnp.maximum(g_ref[...] * _INV * hpre + beta_ref[...], 0.0)
        bb = batch_ref[...]
        for seg in range(_G):
            m = bb == seg
            hm = jnp.where(m, h, -jnp.inf)
            smax[seg:seg + 1, :] = jnp.maximum(
                smax[seg:seg + 1, :], jnp.max(hm, axis=0, keepdims=True))
            hs = jnp.where(m, h, 0.0)
            ssum[seg:seg + 1, :] += jnp.sum(hs, axis=0, keepdims=True)
            cnt = jnp.sum(jnp.where(m, 1.0, 0.0), axis=0, keepdims=True)
            scnt[seg:seg + 1, :] += cnt

        @pl.when(i == _NB - 1)
        def _():
            sums = ssum[...]
            mean = sums / jnp.maximum(scnt[...], 1.0)
            z = jnp.concatenate([mean, smax[...], sums, gf_ref[...]], axis=1)
            z = jnp.dot(z, f1W_ref[...],
                        preferred_element_type=jnp.float32) + f1b_ref[...]
            z = jnp.maximum(b1g_ref[...] * _INV * z + b1b_ref[...], 0.0)
            z = jnp.dot(z, f2W_ref[...],
                        preferred_element_type=jnp.float32) + f2b_ref[...]
            z = jnp.maximum(b2g_ref[...] * _INV * z + b2b_ref[...], 0.0)
            out_ref[...] = jnp.dot(
                z, f3W_ref[...],
                preferred_element_type=jnp.float32) + f3b_ref[...]

    c_out = f3W.shape[1]
    return pl.pallas_call(
        body,
        grid=(_NB,),
        in_specs=[
            _row_spec(), _row_spec(), _row_spec(),
            pl.BlockSpec((_BR, 1), lambda i: (i, 0)),
            _full_spec((1, _H)), _full_spec((1, _H)), _full_spec((1, _H)),
            pl.BlockSpec((_BR, 1), lambda i: (i, 0)),
            _full_spec((_G, _NGF)),
            _full_spec((nin, 2 * _H)), _full_spec((1, 2 * _H)),
            _full_spec((1, 2 * _H)), _full_spec((1, 2 * _H)),
            _full_spec((2 * _H, _H)), _full_spec((1, _H)),
            _full_spec((1, _H)), _full_spec((1, _H)),
            _full_spec((_H, c_out)), _full_spec((1, c_out)),
        ],
        out_specs=_full_spec((_G, c_out)),
        out_shape=jax.ShapeDtypeStruct((_G, c_out), jnp.float32),
        scratch_shapes=[
            pltpu.VMEM((_G, _H), jnp.float32),
            pltpu.VMEM((_G, _H), jnp.float32),
            pltpu.VMEM((_G, _H), jnp.float32),
        ],
    )(a0, a1, u_in, dis, b.reshape(1, _H), g.reshape(1, _H),
      beta.reshape(1, _H),
      batch2d, gf, f1W, f1b.reshape(1, 2 * _H), b1g.reshape(1, 2 * _H),
      b1b.reshape(1, 2 * _H), f2W, f2b.reshape(1, _H), b2g.reshape(1, _H),
      b2b.reshape(1, _H), f3W, f3b.reshape(1, c_out))



def kernel(x, edge_index, batch, graph_features, enc_W, enc_b, enc_g, enc_beta,
           conv_W, conv_b, conv_g, conv_beta, fc1_W, fc1_b, bn1_g, bn1_beta,
           fc2_W, fc2_b, bn2_g, bn2_beta, fc3_W, fc3_b):
    src = edge_index[0]
    dst = edge_index[1]
    pad = _NT * _EPT - _E
    src_ch = jnp.concatenate(
        [src, jnp.zeros((pad,), jnp.int32)]).reshape(_NT, _NCH, 128)
    dst_ch = jnp.concatenate(
        [dst, jnp.full((pad,), _N, jnp.int32)]).reshape(_NT, _NCH, 128)
    ones_rows = jnp.ones((128, 128), jnp.float32)
    zeros_deg = jnp.zeros((_ACC_ROWS, 128), jnp.float32)
    zrow = jnp.zeros((8, _H), jnp.float32)
    batch2d = batch.reshape(_N, 1)
    gf = graph_features.reshape(_G, _NGF)

    degp = _sc_degree(dst_ch, ones_rows, zeros_deg)
    hA = _tc_encoder(x, enc_W, enc_b, enc_g, enc_beta)
    u0, dis = _tc_first(hA, degp[0], degp[1], conv_W[0])

    a = _sc_scatter(u0, src_ch, dst_ch, zrow)
    u1 = _tc_mid(a[0], a[1], u0, dis, conv_b[0], conv_g[0], conv_beta[0],
                 conv_W[1])[0]
    a = _sc_scatter(u1, src_ch, dst_ch, zrow)
    u2, h2 = _tc_mid(a[0], a[1], u1, dis, conv_b[1], conv_g[1], conv_beta[1],
                     conv_W[2], want_h=True)
    a = _sc_scatter(u2, src_ch, dst_ch, zrow)
    u3 = _tc_mid(a[0], a[1], u2, dis, conv_b[2], conv_g[2], conv_beta[2],
                 conv_W[3], h_res=h2)[0]
    a = _sc_scatter(u3, src_ch, dst_ch, zrow)
    return _tc_final(a[0], a[1], u3, dis, conv_b[3], conv_g[3], conv_beta[3],
                     batch2d, gf, fc1_W, fc1_b, bn1_g, bn1_beta,
                     fc2_W, fc2_b, bn2_g, bn2_beta, fc3_W, fc3_b)

# --- scband reference (transcript-rebuilt; emitter-appended) ---
"""Pipeline reference for scband-address-aware-gnn-34428457844762 (READ-ONLY COPY).

The authoritative reference and input builder live on the scoring server;
editing this copy changes nothing except your own understanding.
"""

import jax, jax.numpy as jnp
import numpy as np

N, E, F_IN, H, G, NGF, C, L = 10000, 320000, 128, 128, 8, 32, 2, 4
EPS = 1e-5


def _bn(h, g, b):
    # eval-mode BatchNorm with running_mean=0, running_var=1
    return g * h / jnp.sqrt(1.0 + EPS) + b


def _gcn(h, src, dst, norm, W, b, n):
    m = (h @ W)[src] * norm[:, None]
    out = jnp.zeros((n, W.shape[1]), dtype=h.dtype).at[dst].add(m)
    return out + b


def setup_inputs(seed: int = 0):
    key = jax.random.key(seed)
    ks = jax.random.split(key, 12)
    x = jax.random.normal(ks[0], (N, F_IN), dtype=jnp.float32)
    edge_index = jax.random.randint(ks[1], (2, E), 0, N, dtype=jnp.int32)
    batch = jnp.sort(jax.random.randint(ks[2], (N,), 0, G, dtype=jnp.int32)).at[-1].set(G - 1)
    graph_features = jax.random.normal(ks[3], (G * NGF,), dtype=jnp.float32)
    return {
        'x': x, 'edge_index': edge_index, 'batch': batch, 'graph_features': graph_features,
        'enc_W': jax.random.normal(ks[4], (F_IN, H), dtype=jnp.float32) * 0.05,
        'enc_b': jnp.zeros((H,), jnp.float32),
        'enc_g': jnp.ones((H,), jnp.float32),
        'enc_beta': jnp.zeros((H,), jnp.float32),
        'conv_W': jax.random.normal(ks[5], (L, H, H), dtype=jnp.float32) * 0.05,
        'conv_b': jnp.zeros((L, H), jnp.float32),
        'conv_g': jnp.ones((L, H), jnp.float32),
        'conv_beta': jnp.zeros((L, H), jnp.float32),
        'fc1_W': jax.random.normal(ks[6], (3 * H + NGF, 2 * H), dtype=jnp.float32) * 0.05,
        'fc1_b': jnp.zeros((2 * H,), jnp.float32),
        'bn1_g': jnp.ones((2 * H,), jnp.float32),
        'bn1_beta': jnp.zeros((2 * H,), jnp.float32),
        'fc2_W': jax.random.normal(ks[7], (2 * H, H), dtype=jnp.float32) * 0.05,
        'fc2_b': jnp.zeros((H,), jnp.float32),
        'bn2_g': jnp.ones((H,), jnp.float32),
        'bn2_beta': jnp.zeros((H,), jnp.float32),
        'fc3_W': jax.random.normal(ks[8], (H, C), dtype=jnp.float32) * 0.05,
        'fc3_b': jnp.zeros((C,), jnp.float32),
    }


def reference(x, edge_index, batch, graph_features, enc_W, enc_b, enc_g, enc_beta,
              conv_W, conv_b, conv_g, conv_beta, fc1_W, fc1_b, bn1_g, bn1_beta,
              fc2_W, fc2_b, bn2_g, bn2_beta, fc3_W, fc3_b):
    n = x.shape[0]
    loop = jnp.arange(n, dtype=edge_index.dtype)
    src = jnp.concatenate([edge_index[0], loop])
    dst = jnp.concatenate([edge_index[1], loop])
    deg = jnp.zeros((n,), jnp.float32).at[dst].add(1.0)
    dis = jnp.where(deg > 0, 1.0 / jnp.sqrt(deg), 0.0)
    norm = dis[src] * dis[dst]
    # node encoder (dropout is identity in eval)
    h = jax.nn.relu(_bn(x @ enc_W + enc_b, enc_g, enc_beta))
    for i in range(L):
        h_in = h
        h = _gcn(h, src, dst, norm, conv_W[i], conv_b[i], n)
        h = jax.nn.relu(_bn(h, conv_g[i], conv_beta[i]))
        if i > 0 and i % 2 == 0:
            h = h + h_in
    num_graphs = graph_features.shape[0] // NGF
    seg_sum = jax.ops.segment_sum(h, batch, num_segments=num_graphs)
    counts = jax.ops.segment_sum(jnp.ones((n,), jnp.float32), batch, num_segments=num_graphs)
    seg_mean = seg_sum / jnp.maximum(counts, 1.0)[:, None]
    seg_max = jax.ops.segment_max(h, batch, num_segments=num_graphs)
    gf = graph_features.reshape(num_graphs, -1)
    z = jnp.concatenate([seg_mean, seg_max, seg_sum, gf], axis=1)
    z = jax.nn.relu(_bn(z @ fc1_W + fc1_b, bn1_g, bn1_beta))
    z = jax.nn.relu(_bn(z @ fc2_W + fc2_b, bn2_g, bn2_beta))
    z = z @ fc3_W + fc3_b
    return z

if __name__ == "__main__":
    import jax
    _d = setup_inputs()
    print(jax.jit(kernel)(*tuple(_d.values())))

</pallas_src>

<mosaic_0001>
#map = affine_map<(d0, d1) -> (0, 0)>
#map1 = affine_map<(d0, d1) -> (0, 0, 0)>
module attributes {stable_mosaic.version = 14 : i64} {
  func.func @k(%arg0: i32, %arg1: i32, %arg2: memref<10000x128xf32, #tpu.memory_space<hbm>>, %arg3: memref<32x79x128xi32, #tpu.memory_space<hbm>>, %arg4: memref<32x79x128xi32, #tpu.memory_space<hbm>>, %arg5: memref<8x128xf32, #tpu.memory_space<hbm>>, %arg6: memref<2x10000x128xf32, #tpu.memory_space<hbm>>, %arg7: memref<79x128xi32, #tpu.memory_space<vmem>>, %arg8: memref<79x128xi32, #tpu.memory_space<vmem>>, %arg9: memref<128x128xf32, #tpu.memory_space<vmem>>, %arg10: memref<10008x128xf32, #tpu.memory_space<vmem_shared>>, %arg11: memref<!tpu.dma_semaphore, #tpu.memory_space<semaphore_mem>>) attributes {dimension_semantics = [#tpu.dimension_semantics<core_parallel>, #tpu.dimension_semantics<subcore_parallel>], iteration_bounds = array<i64: 2, 16>, scalar_prefetch = 0 : i64, scratch_operands = 5 : i64, tpu.core_type = #tpu.core_type<sc_vector_subcore>, window_params = [{transform_indices = #map}, {transform_indices = #map1}, {transform_indices = #map1}, {transform_indices = #map}, {transform_indices = #map1}]} {
    %mul3A = arith.constant 16 : i32
    %mul3A_0 = arith.muli %arg0, %mul3A : i32
    %add3A = arith.addi %mul3A_0, %arg1 : i32
    %mul3A_1 = arith.constant 624 : i32
    %mul3A_2 = arith.muli %arg1, %mul3A_1 : i32
    "tpu.region"() ({
      %run_scoped3A = tpu.sem_alloc : memref<!tpu.dma_semaphore, #tpu.memory_space<semaphore_mem>>
      %dma_start3A = arith.constant 0 : i32
      %dma_start3A_16 = tpu.memref_slice %arg10[%mul3A_2, %dma_start3A] : memref<10008x128xf32, #tpu.memory_space<vmem_shared>> -> memref<624x128xf32, #tpu.memory_space<vmem_shared>>
      %dma_start3A_17 = arith.constant 0 : i32
      %dma_start3A_18 = tpu.memref_slice %arg2[%mul3A_2, %dma_start3A_17] : memref<10000x128xf32, #tpu.memory_space<hbm>> -> memref<624x128xf32, #tpu.memory_space<hbm>>
      tpu.enqueue_dma source(%dma_start3A_18 : memref<624x128xf32, #tpu.memory_space<hbm>>) target(%dma_start3A_16 : memref<624x128xf32, #tpu.memory_space<vmem_shared>>) target_semaphore(%run_scoped3A : memref<!tpu.dma_semaphore, #tpu.memory_space<semaphore_mem>>)
      %dma_wait3A = arith.constant 0 : i32
      %dma_wait3A_19 = tpu.memref_slice %arg10[%mul3A_2, %dma_wait3A] : memref<10008x128xf32, #tpu.memory_space<vmem_shared>> -> memref<624x128xf32, #tpu.memory_space<vmem_shared>>
      %dma_wait3A_20 = arith.constant 0 : i32
      %dma_wait3A_21 = tpu.memref_slice %arg2[%mul3A_2, %dma_wait3A_20] : memref<10000x128xf32, #tpu.memory_space<hbm>> -> memref<624x128xf32, #tpu.memory_space<hbm>>
      tpu.wait_dma2 semaphore(%run_scoped3A : memref<!tpu.dma_semaphore, #tpu.memory_space<semaphore_mem>>) src(%dma_wait3A_21 : memref<624x128xf32, #tpu.memory_space<hbm>>) dst(%dma_wait3A_19 : memref<624x128xf32, #tpu.memory_space<vmem_shared>>)
      tpu.yield
    }) : () -> ()
    %eq3A = arith.constant 0 : i32
    %eq3A_3 = arith.cmpi eq, %arg1, %eq3A : i32
    %convert_element_type3A = arith.extui %eq3A_3 : i1 to i32
    %cond3A = arith.constant 0 : i32
    %cond3A_4 = arith.cmpi ne, %convert_element_type3A, %cond3A : i32
    scf.if %cond3A_4 {
      "tpu.region"() ({
        %run_scoped3A = tpu.sem_alloc : memref<!tpu.dma_semaphore, #tpu.memory_space<semaphore_mem>>
        %dma_start3A = arith.constant 9984 : i32
        %dma_start3A_16 = arith.constant 0 : i32
        %dma_start3A_17 = tpu.memref_slice %arg10[%dma_start3A, %dma_start3A_16] : memref<10008x128xf32, #tpu.memory_space<vmem_shared>> -> memref<16x128xf32, #tpu.memory_space<vmem_shared>>
        %dma_start3A_18 = arith.constant 9984 : i32
        %dma_start3A_19 = arith.constant 0 : i32
        %dma_start3A_20 = tpu.memref_slice %arg2[%dma_start3A_18, %dma_start3A_19] : memref<10000x128xf32, #tpu.memory_space<hbm>> -> memref<16x128xf32, #tpu.memory_space<hbm>>
        tpu.enqueue_dma source(%dma_start3A_20 : memref<16x128xf32, #tpu.memory_space<hbm>>) target(%dma_start3A_17 : memref<16x128xf32, #tpu.memory_space<vmem_shared>>) target_semaphore(%run_scoped3A : memref<!tpu.dma_semaphore, #tpu.memory_space<semaphore_mem>>)
        %dma_wait3A = arith.constant 9984 : i32
        %dma_wait3A_21 = arith.constant 0 : i32
        %dma_wait3A_22 = tpu.memref_slice %arg10[%dma_wait3A, %dma_wait3A_21] : memref<10008x128xf32, #tpu.memory_space<vmem_shared>> -> memref<16x128xf32, #tpu.memory_space<vmem_shared>>
        %dma_wait3A_23 = arith.constant 9984 : i32
        %dma_wait3A_24 = arith.constant 0 : i32
        %dma_wait3A_25 = tpu.memref_slice %arg2[%dma_wait3A_23, %dma_wait3A_24] : memref<10000x128xf32, #tpu.memory_space<hbm>> -> memref<16x128xf32, #tpu.memory_space<hbm>>
        tpu.wait_dma2 semaphore(%run_scoped3A : memref<!tpu.dma_semaphore, #tpu.memory_space<semaphore_mem>>) src(%dma_wait3A_25 : memref<16x128xf32, #tpu.memory_space<hbm>>) dst(%dma_wait3A_22 : memref<16x128xf32, #tpu.memory_space<vmem_shared>>)
        tpu.yield
      }) : () -> ()
      "tpu.region"() ({
        %run_scoped3A = tpu.sem_alloc : memref<!tpu.dma_semaphore, #tpu.memory_space<semaphore_mem>>
        %dma_start3A = arith.constant 10000 : i32
        %dma_start3A_16 = arith.constant 0 : i32
        %dma_start3A_17 = tpu.memref_slice %arg10[%dma_start3A, %dma_start3A_16] : memref<10008x128xf32, #tpu.memory_space<vmem_shared>> -> memref<8x128xf32, #tpu.memory_space<vmem_shared>>
        tpu.enqueue_dma source(%arg5 : memref<8x128xf32, #tpu.memory_space<hbm>>) target(%dma_start3A_17 : memref<8x128xf32, #tpu.memory_space<vmem_shared>>) target_semaphore(%run_scoped3A : memref<!tpu.dma_semaphore, #tpu.memory_space<semaphore_mem>>)
        %dma_wait3A = arith.constant 10000 : i32
        %dma_wait3A_18 = arith.constant 0 : i32
        %dma_wait3A_19 = tpu.memref_slice %arg10[%dma_wait3A, %dma_wait3A_18] : memref<10008x128xf32, #tpu.memory_space<vmem_shared>> -> memref<8x128xf32, #tpu.memory_space<vmem_shared>>
        tpu.wait_dma2 semaphore(%run_scoped3A : memref<!tpu.dma_semaphore, #tpu.memory_space<semaphore_mem>>) src(%arg5 : memref<8x128xf32, #tpu.memory_space<hbm>>) dst(%dma_wait3A_19 : memref<8x128xf32, #tpu.memory_space<vmem_shared>>)
        tpu.yield
      }) : () -> ()
    } else {
    }
    "tpu.region"() ({
      %run_scoped3A = tpu.sem_alloc : memref<!tpu.dma_semaphore, #tpu.memory_space<semaphore_mem>>
      %dma_start3A = arith.constant 0 : i32
      %dma_start3A_16 = arith.constant 0 : i32
      %dma_start3A_17 = tpu.memref_slice %arg3[%add3A, %dma_start3A, %dma_start3A_16] : memref<32x79x128xi32, #tpu.memory_space<hbm>> -> memref<1x79x128xi32, #tpu.memory_space<hbm>>
      %dma_start3A_18 = tpu.memref_squeeze %dma_start3A_17 : memref<1x79x128xi32, #tpu.memory_space<hbm>> -> memref<79x128xi32, #tpu.memory_space<hbm>>
      %dma_start3A_19 = arith.constant 0 : i32
      %dma_start3A_20 = arith.constant 0 : i32
      %dma_start3A_21 = tpu.memref_slice %arg3[%add3A, %dma_start3A_19, %dma_start3A_20] : memref<32x79x128xi32, #tpu.memory_space<hbm>> -> memref<1x79x128xi32, #tpu.memory_space<hbm>>
      %dma_start3A_22 = tpu.memref_squeeze %dma_start3A_21 : memref<1x79x128xi32, #tpu.memory_space<hbm>> -> memref<79x128xi32, #tpu.memory_space<hbm>>
      tpu.enqueue_dma source(%dma_start3A_22 : memref<79x128xi32, #tpu.memory_space<hbm>>) target(%arg7 : memref<79x128xi32, #tpu.memory_space<vmem>>) target_semaphore(%run_scoped3A : memref<!tpu.dma_semaphore, #tpu.memory_space<semaphore_mem>>)
      %dma_wait3A = arith.constant 0 : i32
      %dma_wait3A_23 = arith.constant 0 : i32
      %dma_wait3A_24 = tpu.memref_slice %arg3[%add3A, %dma_wait3A, %dma_wait3A_23] : memref<32x79x128xi32, #tpu.memory_space<hbm>> -> memref<1x79x128xi32, #tpu.memory_space<hbm>>
      %dma_wait3A_25 = tpu.memref_squeeze %dma_wait3A_24 : memref<1x79x128xi32, #tpu.memory_space<hbm>> -> memref<79x128xi32, #tpu.memory_space<hbm>>
      %dma_wait3A_26 = arith.constant 0 : i32
      %dma_wait3A_27 = arith.constant 0 : i32
      %dma_wait3A_28 = tpu.memref_slice %arg3[%add3A, %dma_wait3A_26, %dma_wait3A_27] : memref<32x79x128xi32, #tpu.memory_space<hbm>> -> memref<1x79x128xi32, #tpu.memory_space<hbm>>
      %dma_wait3A_29 = tpu.memref_squeeze %dma_wait3A_28 : memref<1x79x128xi32, #tpu.memory_space<hbm>> -> memref<79x128xi32, #tpu.memory_space<hbm>>
      tpu.wait_dma2 semaphore(%run_scoped3A : memref<!tpu.dma_semaphore, #tpu.memory_space<semaphore_mem>>) src(%dma_wait3A_29 : memref<79x128xi32, #tpu.memory_space<hbm>>) dst(%arg7 : memref<79x128xi32, #tpu.memory_space<vmem>>)
      tpu.yield
    }) : () -> ()
    "tpu.region"() ({
      %run_scoped3A = tpu.sem_alloc : memref<!tpu.dma_semaphore, #tpu.memory_space<semaphore_mem>>
      %dma_start3A = arith.constant 0 : i32
      %dma_start3A_16 = arith.constant 0 : i32
      %dma_start3A_17 = tpu.memref_slice %arg4[%add3A, %dma_start3A, %dma_start3A_16] : memref<32x79x128xi32, #tpu.memory_space<hbm>> -> memref<1x79x128xi32, #tpu.memory_space<hbm>>
      %dma_start3A_18 = tpu.memref_squeeze %dma_start3A_17 : memref<1x79x128xi32, #tpu.memory_space<hbm>> -> memref<79x128xi32, #tpu.memory_space<hbm>>
      %dma_start3A_19 = arith.constant 0 : i32
      %dma_start3A_20 = arith.constant 0 : i32
      %dma_start3A_21 = tpu.memref_slice %arg4[%add3A, %dma_start3A_19, %dma_start3A_20] : memref<32x79x128xi32, #tpu.memory_space<hbm>> -> memref<1x79x128xi32, #tpu.memory_space<hbm>>
      %dma_start3A_22 = tpu.memref_squeeze %dma_start3A_21 : memref<1x79x128xi32, #tpu.memory_space<hbm>> -> memref<79x128xi32, #tpu.memory_space<hbm>>
      tpu.enqueue_dma source(%dma_start3A_22 : memref<79x128xi32, #tpu.memory_space<hbm>>) target(%arg8 : memref<79x128xi32, #tpu.memory_space<vmem>>) target_semaphore(%run_scoped3A : memref<!tpu.dma_semaphore, #tpu.memory_space<semaphore_mem>>)
      %dma_wait3A = arith.constant 0 : i32
      %dma_wait3A_23 = arith.constant 0 : i32
      %dma_wait3A_24 = tpu.memref_slice %arg4[%add3A, %dma_wait3A, %dma_wait3A_23] : memref<32x79x128xi32, #tpu.memory_space<hbm>> -> memref<1x79x128xi32, #tpu.memory_space<hbm>>
      %dma_wait3A_25 = tpu.memref_squeeze %dma_wait3A_24 : memref<1x79x128xi32, #tpu.memory_space<hbm>> -> memref<79x128xi32, #tpu.memory_space<hbm>>
      %dma_wait3A_26 = arith.constant 0 : i32
      %dma_wait3A_27 = arith.constant 0 : i32
      %dma_wait3A_28 = tpu.memref_slice %arg4[%add3A, %dma_wait3A_26, %dma_wait3A_27] : memref<32x79x128xi32, #tpu.memory_space<hbm>> -> memref<1x79x128xi32, #tpu.memory_space<hbm>>
      %dma_wait3A_29 = tpu.memref_squeeze %dma_wait3A_28 : memref<1x79x128xi32, #tpu.memory_space<hbm>> -> memref<79x128xi32, #tpu.memory_space<hbm>>
      tpu.wait_dma2 semaphore(%run_scoped3A : memref<!tpu.dma_semaphore, #tpu.memory_space<semaphore_mem>>) src(%dma_wait3A_29 : memref<79x128xi32, #tpu.memory_space<hbm>>) dst(%arg8 : memref<79x128xi32, #tpu.memory_space<vmem>>)
      tpu.yield
    }) : () -> ()
    %barrier3A = arith.constant 0 : index
    tpu.barrier barrier_id(%barrier3A)
    %scan3A = arith.constant 0 : i32
    %scan3A_5 = arith.constant 0 : i32
    %scan3A_6 = arith.constant 79 : i32
    %scan3A_7 = arith.addi %scan3A_5, %scan3A_6 : i32
    %scan3A_8 = arith.constant 1 : i32
    scf.for %scan3A_16 = %scan3A_5 to %scan3A_7 step %scan3A_8  : i32 {
      %dma_start3A = arith.constant 0 : i32
      %dma_start3A_17 = tpu.memref_slice %arg7[%scan3A_16, %dma_start3A] : memref<79x128xi32, #tpu.memory_space<vmem>> -> memref<1x128xi32, #tpu.memory_space<vmem>>
      %dma_start3A_18 = tpu.memref_squeeze %dma_start3A_17 : memref<1x128xi32, #tpu.memory_space<vmem>> -> memref<128xi32, #tpu.memory_space<vmem>>
      %dma_start3A_19 = arith.constant 0 : i32
      %dma_start3A_20 = arith.constant 0 : i32
      %dma_start3A_21 = tpu.memref_slice %arg2[%dma_start3A_19, %dma_start3A_20] : memref<10000x128xf32, #tpu.memory_space<hbm>> -> memref<10000x128xf32, #tpu.memory_space<hbm>>
      tpu.enqueue_indirect_dma source(%dma_start3A_21 : memref<10000x128xf32, #tpu.memory_space<hbm>>) target(%arg9 : memref<128x128xf32, #tpu.memory_space<vmem>>) offsets(%dma_start3A_18 : memref<128xi32, #tpu.memory_space<vmem>>) semaphore(%arg11 : memref<!tpu.dma_semaphore, #tpu.memory_space<semaphore_mem>>)
      %dma_wait3A = arith.constant 0 : i32
      %dma_wait3A_22 = tpu.memref_slice %arg7[%scan3A_16, %dma_wait3A] : memref<79x128xi32, #tpu.memory_space<vmem>> -> memref<1x128xi32, #tpu.memory_space<vmem>>
      %dma_wait3A_23 = tpu.memref_squeeze %dma_wait3A_22 : memref<1x128xi32, #tpu.memory_space<vmem>> -> memref<128xi32, #tpu.memory_space<vmem>>
      %dma_wait3A_24 = arith.constant 0 : i32
      %dma_wait3A_25 = arith.constant 0 : i32
      %dma_wait3A_26 = tpu.memref_slice %arg2[%dma_wait3A_24, %dma_wait3A_25] : memref<10000x128xf32, #tpu.memory_space<hbm>> -> memref<10000x128xf32, #tpu.memory_space<hbm>>
      tpu.wait_indirect_dma semaphore(%arg11 : memref<!tpu.dma_semaphore, #tpu.memory_space<semaphore_mem>>) src(%dma_wait3A_26 : memref<10000x128xf32, #tpu.memory_space<hbm>>) dst(%arg9 : memref<128x128xf32, #tpu.memory_space<vmem>>)
      "tpu.region"() ({
        %run_scoped3A = tpu.sem_alloc : memref<!tpu.dma_semaphore, #tpu.memory_space<semaphore_mem>>
        %dma_start3A_27 = arith.constant 0 : i32
        %dma_start3A_28 = tpu.memref_slice %arg8[%scan3A_16, %dma_start3A_27] : memref<79x128xi32, #tpu.memory_space<vmem>> -> memref<1x128xi32, #tpu.memory_space<vmem>>
        %dma_start3A_29 = tpu.memref_squeeze %dma_start3A_28 : memref<1x128xi32, #tpu.memory_space<vmem>> -> memref<128xi32, #tpu.memory_space<vmem>>
        %dma_start3A_30 = arith.constant 0 : i32
        %dma_start3A_31 = arith.constant 0 : i32
        %dma_start3A_32 = tpu.memref_slice %arg10[%dma_start3A_30, %dma_start3A_31] : memref<10008x128xf32, #tpu.memory_space<vmem_shared>> -> memref<10008x128xf32, #tpu.memory_space<vmem_shared>>
        tpu.enqueue_indirect_dma source(%arg9 : memref<128x128xf32, #tpu.memory_space<vmem>>) target(%dma_start3A_32 : memref<10008x128xf32, #tpu.memory_space<vmem_shared>>) offsets(%dma_start3A_29 : memref<128xi32, #tpu.memory_space<vmem>>) semaphore(%run_scoped3A : memref<!tpu.dma_semaphore, #tpu.memory_space<semaphore_mem>>) {add = true}
        %dma_wait3A_33 = arith.constant 0 : i32
        %dma_wait3A_34 = tpu.memref_slice %arg8[%scan3A_16, %dma_wait3A_33] : memref<79x128xi32, #tpu.memory_space<vmem>> -> memref<1x128xi32, #tpu.memory_space<vmem>>
        %dma_wait3A_35 = tpu.memref_squeeze %dma_wait3A_34 : memref<1x128xi32, #tpu.memory_space<vmem>> -> memref<128xi32, #tpu.memory_space<vmem>>
        %dma_wait3A_36 = arith.constant 0 : i32
        %dma_wait3A_37 = arith.constant 0 : i32
        %dma_wait3A_38 = tpu.memref_slice %arg10[%dma_wait3A_36, %dma_wait3A_37] : memref<10008x128xf32, #tpu.memory_space<vmem_shared>> -> memref<10008x128xf32, #tpu.memory_space<vmem_shared>>
        tpu.wait_indirect_dma semaphore(%run_scoped3A : memref<!tpu.dma_semaphore, #tpu.memory_space<semaphore_mem>>) src(%arg9 : memref<128x128xf32, #tpu.memory_space<vmem>>) dst(%dma_wait3A_38 : memref<10008x128xf32, #tpu.memory_space<vmem_shared>>)
        tpu.yield
      }) : () -> ()
    }
    %scan3A_9 = arith.constant 79 : i32
    %barrier3A_10 = arith.constant 0 : index
    tpu.barrier barrier_id(%barrier3A_10)
    "tpu.region"() ({
      %run_scoped3A = tpu.sem_alloc : memref<!tpu.dma_semaphore, #tpu.memory_space<semaphore_mem>>
      %dma_start3A = arith.constant 0 : i32
      %dma_start3A_16 = tpu.memref_slice %arg6[%arg0, %mul3A_2, %dma_start3A] : memref<2x10000x128xf32, #tpu.memory_space<hbm>> -> memref<1x624x128xf32, #tpu.memory_space<hbm>>
      %dma_start3A_17 = tpu.memref_squeeze %dma_start3A_16 : memref<1x624x128xf32, #tpu.memory_space<hbm>> -> memref<624x128xf32, #tpu.memory_space<hbm>>
      %dma_start3A_18 = arith.constant 0 : i32
      %dma_start3A_19 = tpu.memref_slice %arg10[%mul3A_2, %dma_start3A_18] : memref<10008x128xf32, #tpu.memory_space<vmem_shared>> -> memref<624x128xf32, #tpu.memory_space<vmem_shared>>
      tpu.enqueue_dma source(%dma_start3A_19 : memref<624x128xf32, #tpu.memory_space<vmem_shared>>) target(%dma_start3A_17 : memref<624x128xf32, #tpu.memory_space<hbm>>) target_semaphore(%run_scoped3A : memref<!tpu.dma_semaphore, #tpu.memory_space<semaphore_mem>>)
      %dma_wait3A = arith.constant 0 : i32
      %dma_wait3A_20 = tpu.memref_slice %arg6[%arg0, %mul3A_2, %dma_wait3A] : memref<2x10000x128xf32, #tpu.memory_space<hbm>> -> memref<1x624x128xf32, #tpu.memory_space<hbm>>
      %dma_wait3A_21 = tpu.memref_squeeze %dma_wait3A_20 : memref<1x624x128xf32, #tpu.memory_space<hbm>> -> memref<624x128xf32, #tpu.memory_space<hbm>>
      %dma_wait3A_22 = arith.constant 0 : i32
      %dma_wait3A_23 = tpu.memref_slice %arg10[%mul3A_2, %dma_wait3A_22] : memref<10008x128xf32, #tpu.memory_space<vmem_shared>> -> memref<624x128xf32, #tpu.memory_space<vmem_shared>>
      tpu.wait_dma2 semaphore(%run_scoped3A : memref<!tpu.dma_semaphore, #tpu.memory_space<semaphore_mem>>) src(%dma_wait3A_23 : memref<624x128xf32, #tpu.memory_space<vmem_shared>>) dst(%dma_wait3A_21 : memref<624x128xf32, #tpu.memory_space<hbm>>)
      tpu.yield
    }) : () -> ()
    %eq3A_11 = arith.constant 0 : i32
    %eq3A_12 = arith.cmpi eq, %arg1, %eq3A_11 : i32
    %convert_element_type3A_13 = arith.extui %eq3A_12 : i1 to i32
    %cond3A_14 = arith.constant 0 : i32
    %cond3A_15 = arith.cmpi ne, %convert_element_type3A_13, %cond3A_14 : i32
    scf.if %cond3A_15 {
      "tpu.region"() ({
        %run_scoped3A = tpu.sem_alloc : memref<!tpu.dma_semaphore, #tpu.memory_space<semaphore_mem>>
        %dma_start3A = arith.constant 9984 : i32
        %dma_start3A_16 = arith.constant 0 : i32
        %dma_start3A_17 = tpu.memref_slice %arg6[%arg0, %dma_start3A, %dma_start3A_16] : memref<2x10000x128xf32, #tpu.memory_space<hbm>> -> memref<1x16x128xf32, #tpu.memory_space<hbm>>
        %dma_start3A_18 = tpu.memref_squeeze %dma_start3A_17 : memref<1x16x128xf32, #tpu.memory_space<hbm>> -> memref<16x128xf32, #tpu.memory_space<hbm>>
        %dma_start3A_19 = arith.constant 9984 : i32
        %dma_start3A_20 = arith.constant 0 : i32
        %dma_start3A_21 = tpu.memref_slice %arg10[%dma_start3A_19, %dma_start3A_20] : memref<10008x128xf32, #tpu.memory_space<vmem_shared>> -> memref<16x128xf32, #tpu.memory_space<vmem_shared>>
        tpu.enqueue_dma source(%dma_start3A_21 : memref<16x128xf32, #tpu.memory_space<vmem_shared>>) target(%dma_start3A_18 : memref<16x128xf32, #tpu.memory_space<hbm>>) target_semaphore(%run_scoped3A : memref<!tpu.dma_semaphore, #tpu.memory_space<semaphore_mem>>)
        %dma_wait3A = arith.constant 9984 : i32
        %dma_wait3A_22 = arith.constant 0 : i32
        %dma_wait3A_23 = tpu.memref_slice %arg6[%arg0, %dma_wait3A, %dma_wait3A_22] : memref<2x10000x128xf32, #tpu.memory_space<hbm>> -> memref<1x16x128xf32, #tpu.memory_space<hbm>>
        %dma_wait3A_24 = tpu.memref_squeeze %dma_wait3A_23 : memref<1x16x128xf32, #tpu.memory_space<hbm>> -> memref<16x128xf32, #tpu.memory_space<hbm>>
        %dma_wait3A_25 = arith.constant 9984 : i32
        %dma_wait3A_26 = arith.constant 0 : i32
        %dma_wait3A_27 = tpu.memref_slice %arg10[%dma_wait3A_25, %dma_wait3A_26] : memref<10008x128xf32, #tpu.memory_space<vmem_shared>> -> memref<16x128xf32, #tpu.memory_space<vmem_shared>>
        tpu.wait_dma2 semaphore(%run_scoped3A : memref<!tpu.dma_semaphore, #tpu.memory_space<semaphore_mem>>) src(%dma_wait3A_27 : memref<16x128xf32, #tpu.memory_space<vmem_shared>>) dst(%dma_wait3A_24 : memref<16x128xf32, #tpu.memory_space<hbm>>)
        tpu.yield
      }) : () -> ()
    } else {
    }
    return
  }
}

#map = affine_map<(d0, d1) -> (0, 0, 0)>
#map1 = affine_map<(d0, d1) -> (0, 0)>
module attributes {stable_mosaic.version = 14 : i64} {
  func.func @k(%arg0: i32, %arg1: i32, %arg2: memref<32x79x128xi32, #tpu.memory_space<hbm>>, %arg3: memref<128x128xf32, #tpu.memory_space<hbm>>, %arg4: memref<10008x128xf32, #tpu.memory_space<hbm>>, %arg5: memref<2x10000x128xf32, #tpu.memory_space<hbm>>, %arg6: memref<79x128xi32, #tpu.memory_space<vmem>>, %arg7: memref<128x128xf32, #tpu.memory_space<vmem>>, %arg8: memref<10008x128xf32, #tpu.memory_space<vmem_shared>>) attributes {dimension_semantics = [#tpu.dimension_semantics<core_parallel>, #tpu.dimension_semantics<subcore_parallel>], iteration_bounds = array<i64: 2, 16>, scalar_prefetch = 0 : i64, scratch_operands = 3 : i64, tpu.core_type = #tpu.core_type<sc_vector_subcore>, window_params = [{transform_indices = #map}, {transform_indices = #map1}, {transform_indices = #map1}, {transform_indices = #map}]} {
    %mul3A = arith.constant 16 : i32
    %mul3A_0 = arith.muli %arg0, %mul3A : i32
    %add3A = arith.addi %mul3A_0, %arg1 : i32
    %mul3A_1 = arith.constant 624 : i32
    %mul3A_2 = arith.muli %arg1, %mul3A_1 : i32
    "tpu.region"() ({
      %run_scoped3A = tpu.sem_alloc : memref<!tpu.dma_semaphore, #tpu.memory_space<semaphore_mem>>
      %dma_start3A = arith.constant 0 : i32
      %dma_start3A_16 = tpu.memref_slice %arg8[%mul3A_2, %dma_start3A] : memref<10008x128xf32, #tpu.memory_space<vmem_shared>> -> memref<624x128xf32, #tpu.memory_space<vmem_shared>>
      %dma_start3A_17 = arith.constant 0 : i32
      %dma_start3A_18 = tpu.memref_slice %arg4[%mul3A_2, %dma_start3A_17] : memref<10008x128xf32, #tpu.memory_space<hbm>> -> memref<624x128xf32, #tpu.memory_space<hbm>>
      tpu.enqueue_dma source(%dma_start3A_18 : memref<624x128xf32, #tpu.memory_space<hbm>>) target(%dma_start3A_16 : memref<624x128xf32, #tpu.memory_space<vmem_shared>>) target_semaphore(%run_scoped3A : memref<!tpu.dma_semaphore, #tpu.memory_space<semaphore_mem>>)
      %dma_wait3A = arith.constant 0 : i32
      %dma_wait3A_19 = tpu.memref_slice %arg8[%mul3A_2, %dma_wait3A] : memref<10008x128xf32, #tpu.memory_space<vmem_shared>> -> memref<624x128xf32, #tpu.memory_space<vmem_shared>>
      %dma_wait3A_20 = arith.constant 0 : i32
      %dma_wait3A_21 = tpu.memref_slice %arg4[%mul3A_2, %dma_wait3A_20] : memref<10008x128xf32, #tpu.memory_space<hbm>> -> memref<624x128xf32, #tpu.memory_space<hbm>>
      tpu.wait_dma2 semaphore(%run_scoped3A : memref<!tpu.dma_semaphore, #tpu.memory_space<semaphore_mem>>) src(%dma_wait3A_21 : memref<624x128xf32, #tpu.memory_space<hbm>>) dst(%dma_wait3A_19 : memref<624x128xf32, #tpu.memory_space<vmem_shared>>)
      tpu.yield
    }) : () -> ()
    %eq3A = arith.constant 0 : i32
    %eq3A_3 = arith.cmpi eq, %arg1, %eq3A : i32
    %convert_element_type3A = arith.extui %eq3A_3 : i1 to i32
    %cond3A = arith.constant 0 : i32
    %cond3A_4 = arith.cmpi ne, %convert_element_type3A, %cond3A : i32
    scf.if %cond3A_4 {
      "tpu.region"() ({
        %run_scoped3A = tpu.sem_alloc : memref<!tpu.dma_semaphore, #tpu.memory_space<semaphore_mem>>
        %dma_start3A = arith.constant 9984 : i32
        %dma_start3A_16 = arith.constant 0 : i32
        %dma_start3A_17 = tpu.memref_slice %arg8[%dma_start3A, %dma_start3A_16] : memref<10008x128xf32, #tpu.memory_space<vmem_shared>> -> memref<24x128xf32, #tpu.memory_space<vmem_shared>>
        %dma_start3A_18 = arith.constant 9984 : i32
        %dma_start3A_19 = arith.constant 0 : i32
        %dma_start3A_20 = tpu.memref_slice %arg4[%dma_start3A_18, %dma_start3A_19] : memref<10008x128xf32, #tpu.memory_space<hbm>> -> memref<24x128xf32, #tpu.memory_space<hbm>>
        tpu.enqueue_dma source(%dma_start3A_20 : memref<24x128xf32, #tpu.memory_space<hbm>>) target(%dma_start3A_17 : memref<24x128xf32, #tpu.memory_space<vmem_shared>>) target_semaphore(%run_scoped3A : memref<!tpu.dma_semaphore, #tpu.memory_space<semaphore_mem>>)
        %dma_wait3A = arith.constant 9984 : i32
        %dma_wait3A_21 = arith.constant 0 : i32
        %dma_wait3A_22 = tpu.memref_slice %arg8[%dma_wait3A, %dma_wait3A_21] : memref<10008x128xf32, #tpu.memory_space<vmem_shared>> -> memref<24x128xf32, #tpu.memory_space<vmem_shared>>
        %dma_wait3A_23 = arith.constant 9984 : i32
        %dma_wait3A_24 = arith.constant 0 : i32
        %dma_wait3A_25 = tpu.memref_slice %arg4[%dma_wait3A_23, %dma_wait3A_24] : memref<10008x128xf32, #tpu.memory_space<hbm>> -> memref<24x128xf32, #tpu.memory_space<hbm>>
        tpu.wait_dma2 semaphore(%run_scoped3A : memref<!tpu.dma_semaphore, #tpu.memory_space<semaphore_mem>>) src(%dma_wait3A_25 : memref<24x128xf32, #tpu.memory_space<hbm>>) dst(%dma_wait3A_22 : memref<24x128xf32, #tpu.memory_space<vmem_shared>>)
        tpu.yield
      }) : () -> ()
    } else {
    }
    "tpu.region"() ({
      %run_scoped3A = tpu.sem_alloc : memref<!tpu.dma_semaphore, #tpu.memory_space<semaphore_mem>>
      tpu.enqueue_dma source(%arg3 : memref<128x128xf32, #tpu.memory_space<hbm>>) target(%arg7 : memref<128x128xf32, #tpu.memory_space<vmem>>) target_semaphore(%run_scoped3A : memref<!tpu.dma_semaphore, #tpu.memory_space<semaphore_mem>>)
      tpu.wait_dma2 semaphore(%run_scoped3A : memref<!tpu.dma_semaphore, #tpu.memory_space<semaphore_mem>>) src(%arg3 : memref<128x128xf32, #tpu.memory_space<hbm>>) dst(%arg7 : memref<128x128xf32, #tpu.memory_space<vmem>>)
      tpu.yield
    }) : () -> ()
    "tpu.region"() ({
      %run_scoped3A = tpu.sem_alloc : memref<!tpu.dma_semaphore, #tpu.memory_space<semaphore_mem>>
      %dma_start3A = arith.constant 0 : i32
      %dma_start3A_16 = arith.constant 0 : i32
      %dma_start3A_17 = tpu.memref_slice %arg2[%add3A, %dma_start3A, %dma_start3A_16] : memref<32x79x128xi32, #tpu.memory_space<hbm>> -> memref<1x79x128xi32, #tpu.memory_space<hbm>>
      %dma_start3A_18 = tpu.memref_squeeze %dma_start3A_17 : memref<1x79x128xi32, #tpu.memory_space<hbm>> -> memref<79x128xi32, #tpu.memory_space<hbm>>
      %dma_start3A_19 = arith.constant 0 : i32
      %dma_start3A_20 = arith.constant 0 : i32
      %dma_start3A_21 = tpu.memref_slice %arg2[%add3A, %dma_start3A_19, %dma_start3A_20] : memref<32x79x128xi32, #tpu.memory_space<hbm>> -> memref<1x79x128xi32, #tpu.memory_space<hbm>>
      %dma_start3A_22 = tpu.memref_squeeze %dma_start3A_21 : memref<1x79x128xi32, #tpu.memory_space<hbm>> -> memref<79x128xi32, #tpu.memory_space<hbm>>
      tpu.enqueue_dma source(%dma_start3A_22 : memref<79x128xi32, #tpu.memory_space<hbm>>) target(%arg6 : memref<79x128xi32, #tpu.memory_space<vmem>>) target_semaphore(%run_scoped3A : memref<!tpu.dma_semaphore, #tpu.memory_space<semaphore_mem>>)
      %dma_wait3A = arith.constant 0 : i32
      %dma_wait3A_23 = arith.constant 0 : i32
      %dma_wait3A_24 = tpu.memref_slice %arg2[%add3A, %dma_wait3A, %dma_wait3A_23] : memref<32x79x128xi32, #tpu.memory_space<hbm>> -> memref<1x79x128xi32, #tpu.memory_space<hbm>>
      %dma_wait3A_25 = tpu.memref_squeeze %dma_wait3A_24 : memref<1x79x128xi32, #tpu.memory_space<hbm>> -> memref<79x128xi32, #tpu.memory_space<hbm>>
      %dma_wait3A_26 = arith.constant 0 : i32
      %dma_wait3A_27 = arith.constant 0 : i32
      %dma_wait3A_28 = tpu.memref_slice %arg2[%add3A, %dma_wait3A_26, %dma_wait3A_27] : memref<32x79x128xi32, #tpu.memory_space<hbm>> -> memref<1x79x128xi32, #tpu.memory_space<hbm>>
      %dma_wait3A_29 = tpu.memref_squeeze %dma_wait3A_28 : memref<1x79x128xi32, #tpu.memory_space<hbm>> -> memref<79x128xi32, #tpu.memory_space<hbm>>
      tpu.wait_dma2 semaphore(%run_scoped3A : memref<!tpu.dma_semaphore, #tpu.memory_space<semaphore_mem>>) src(%dma_wait3A_29 : memref<79x128xi32, #tpu.memory_space<hbm>>) dst(%arg6 : memref<79x128xi32, #tpu.memory_space<vmem>>)
      tpu.yield
    }) : () -> ()
    %barrier3A = arith.constant 0 : index
    tpu.barrier barrier_id(%barrier3A)
    %scan3A = arith.constant 0 : i32
    %scan3A_5 = arith.constant 0 : i32
    %scan3A_6 = arith.constant 79 : i32
    %scan3A_7 = arith.addi %scan3A_5, %scan3A_6 : i32
    %scan3A_8 = arith.constant 1 : i32
    scf.for %scan3A_16 = %scan3A_5 to %scan3A_7 step %scan3A_8  : i32 {
      "tpu.region"() ({
        %run_scoped3A = tpu.sem_alloc : memref<!tpu.dma_semaphore, #tpu.memory_space<semaphore_mem>>
        %dma_start3A = arith.constant 0 : i32
        %dma_start3A_17 = tpu.memref_slice %arg6[%scan3A_16, %dma_start3A] : memref<79x128xi32, #tpu.memory_space<vmem>> -> memref<1x128xi32, #tpu.memory_space<vmem>>
        %dma_start3A_18 = tpu.memref_squeeze %dma_start3A_17 : memref<1x128xi32, #tpu.memory_space<vmem>> -> memref<128xi32, #tpu.memory_space<vmem>>
        %dma_start3A_19 = arith.constant 0 : i32
        %dma_start3A_20 = arith.constant 0 : i32
        %dma_start3A_21 = tpu.memref_slice %arg8[%dma_start3A_19, %dma_start3A_20] : memref<10008x128xf32, #tpu.memory_space<vmem_shared>> -> memref<10008x128xf32, #tpu.memory_space<vmem_shared>>
        tpu.enqueue_indirect_dma source(%arg7 : memref<128x128xf32, #tpu.memory_space<vmem>>) target(%dma_start3A_21 : memref<10008x128xf32, #tpu.memory_space<vmem_shared>>) offsets(%dma_start3A_18 : memref<128xi32, #tpu.memory_space<vmem>>) semaphore(%run_scoped3A : memref<!tpu.dma_semaphore, #tpu.memory_space<semaphore_mem>>) {add = true}
        %dma_wait3A = arith.constant 0 : i32
        %dma_wait3A_22 = tpu.memref_slice %arg6[%scan3A_16, %dma_wait3A] : memref<79x128xi32, #tpu.memory_space<vmem>> -> memref<1x128xi32, #tpu.memory_space<vmem>>
        %dma_wait3A_23 = tpu.memref_squeeze %dma_wait3A_22 : memref<1x128xi32, #tpu.memory_space<vmem>> -> memref<128xi32, #tpu.memory_space<vmem>>
        %dma_wait3A_24 = arith.constant 0 : i32
        %dma_wait3A_25 = arith.constant 0 : i32
        %dma_wait3A_26 = tpu.memref_slice %arg8[%dma_wait3A_24, %dma_wait3A_25] : memref<10008x128xf32, #tpu.memory_space<vmem_shared>> -> memref<10008x128xf32, #tpu.memory_space<vmem_shared>>
        tpu.wait_indirect_dma semaphore(%run_scoped3A : memref<!tpu.dma_semaphore, #tpu.memory_space<semaphore_mem>>) src(%arg7 : memref<128x128xf32, #tpu.memory_space<vmem>>) dst(%dma_wait3A_26 : memref<10008x128xf32, #tpu.memory_space<vmem_shared>>)
        tpu.yield
      }) : () -> ()
    }
    %scan3A_9 = arith.constant 79 : i32
    %barrier3A_10 = arith.constant 0 : index
    tpu.barrier barrier_id(%barrier3A_10)
    "tpu.region"() ({
      %run_scoped3A = tpu.sem_alloc : memref<!tpu.dma_semaphore, #tpu.memory_space<semaphore_mem>>
      %dma_start3A = arith.constant 0 : i32
      %dma_start3A_16 = tpu.memref_slice %arg5[%arg0, %mul3A_2, %dma_start3A] : memref<2x10000x128xf32, #tpu.memory_space<hbm>> -> memref<1x624x128xf32, #tpu.memory_space<hbm>>
      %dma_start3A_17 = tpu.memref_squeeze %dma_start3A_16 : memref<1x624x128xf32, #tpu.memory_space<hbm>> -> memref<624x128xf32, #tpu.memory_space<hbm>>
      %dma_start3A_18 = arith.constant 0 : i32
      %dma_start3A_19 = tpu.memref_slice %arg8[%mul3A_2, %dma_start3A_18] : memref<10008x128xf32, #tpu.memory_space<vmem_shared>> -> memref<624x128xf32, #tpu.memory_space<vmem_shared>>
      tpu.enqueue_dma source(%dma_start3A_19 : memref<624x128xf32, #tpu.memory_space<vmem_shared>>) target(%dma_start3A_17 : memref<624x128xf32, #tpu.memory_space<hbm>>) target_semaphore(%run_scoped3A : memref<!tpu.dma_semaphore, #tpu.memory_space<semaphore_mem>>)
      %dma_wait3A = arith.constant 0 : i32
      %dma_wait3A_20 = tpu.memref_slice %arg5[%arg0, %mul3A_2, %dma_wait3A] : memref<2x10000x128xf32, #tpu.memory_space<hbm>> -> memref<1x624x128xf32, #tpu.memory_space<hbm>>
      %dma_wait3A_21 = tpu.memref_squeeze %dma_wait3A_20 : memref<1x624x128xf32, #tpu.memory_space<hbm>> -> memref<624x128xf32, #tpu.memory_space<hbm>>
      %dma_wait3A_22 = arith.constant 0 : i32
      %dma_wait3A_23 = tpu.memref_slice %arg8[%mul3A_2, %dma_wait3A_22] : memref<10008x128xf32, #tpu.memory_space<vmem_shared>> -> memref<624x128xf32, #tpu.memory_space<vmem_shared>>
      tpu.wait_dma2 semaphore(%run_scoped3A : memref<!tpu.dma_semaphore, #tpu.memory_space<semaphore_mem>>) src(%dma_wait3A_23 : memref<624x128xf32, #tpu.memory_space<vmem_shared>>) dst(%dma_wait3A_21 : memref<624x128xf32, #tpu.memory_space<hbm>>)
      tpu.yield
    }) : () -> ()
    %eq3A_11 = arith.constant 0 : i32
    %eq3A_12 = arith.cmpi eq, %arg1, %eq3A_11 : i32
    %convert_element_type3A_13 = arith.extui %eq3A_12 : i1 to i32
    %cond3A_14 = arith.constant 0 : i32
    %cond3A_15 = arith.cmpi ne, %convert_element_type3A_13, %cond3A_14 : i32
    scf.if %cond3A_15 {
      "tpu.region"() ({
        %run_scoped3A = tpu.sem_alloc : memref<!tpu.dma_semaphore, #tpu.memory_space<semaphore_mem>>
        %dma_start3A = arith.constant 9984 : i32
        %dma_start3A_16 = arith.constant 0 : i32
        %dma_start3A_17 = tpu.memref_slice %arg5[%arg0, %dma_start3A, %dma_start3A_16] : memref<2x10000x128xf32, #tpu.memory_space<hbm>> -> memref<1x16x128xf32, #tpu.memory_space<hbm>>
        %dma_start3A_18 = tpu.memref_squeeze %dma_start3A_17 : memref<1x16x128xf32, #tpu.memory_space<hbm>> -> memref<16x128xf32, #tpu.memory_space<hbm>>
        %dma_start3A_19 = arith.constant 9984 : i32
        %dma_start3A_20 = arith.constant 0 : i32
        %dma_start3A_21 = tpu.memref_slice %arg8[%dma_start3A_19, %dma_start3A_20] : memref<10008x128xf32, #tpu.memory_space<vmem_shared>> -> memref<16x128xf32, #tpu.memory_space<vmem_shared>>
        tpu.enqueue_dma source(%dma_start3A_21 : memref<16x128xf32, #tpu.memory_space<vmem_shared>>) target(%dma_start3A_18 : memref<16x128xf32, #tpu.memory_space<hbm>>) target_semaphore(%run_scoped3A : memref<!tpu.dma_semaphore, #tpu.memory_space<semaphore_mem>>)
        %dma_wait3A = arith.constant 9984 : i32
        %dma_wait3A_22 = arith.constant 0 : i32
        %dma_wait3A_23 = tpu.memref_slice %arg5[%arg0, %dma_wait3A, %dma_wait3A_22] : memref<2x10000x128xf32, #tpu.memory_space<hbm>> -> memref<1x16x128xf32, #tpu.memory_space<hbm>>
        %dma_wait3A_24 = tpu.memref_squeeze %dma_wait3A_23 : memref<1x16x128xf32, #tpu.memory_space<hbm>> -> memref<16x128xf32, #tpu.memory_space<hbm>>
        %dma_wait3A_25 = arith.constant 9984 : i32
        %dma_wait3A_26 = arith.constant 0 : i32
        %dma_wait3A_27 = tpu.memref_slice %arg8[%dma_wait3A_25, %dma_wait3A_26] : memref<10008x128xf32, #tpu.memory_space<vmem_shared>> -> memref<16x128xf32, #tpu.memory_space<vmem_shared>>
        tpu.wait_dma2 semaphore(%run_scoped3A : memref<!tpu.dma_semaphore, #tpu.memory_space<semaphore_mem>>) src(%dma_wait3A_27 : memref<16x128xf32, #tpu.memory_space<vmem_shared>>) dst(%dma_wait3A_24 : memref<16x128xf32, #tpu.memory_space<hbm>>)
        tpu.yield
      }) : () -> ()
    } else {
    }
    return
  }
}

#map = affine_map<(d0, d1) -> (0, 0)>
#map1 = affine_map<(d0, d1) -> (0, 0, 0)>
module attributes {stable_mosaic.version = 14 : i64} {
  func.func @k(%arg0: i32, %arg1: i32, %arg2: memref<10000x128xf32, #tpu.memory_space<hbm>>, %arg3: memref<32x79x128xi32, #tpu.memory_space<hbm>>, %arg4: memref<32x79x128xi32, #tpu.memory_space<hbm>>, %arg5: memref<8x128xf32, #tpu.memory_space<hbm>>, %arg6: memref<2x10000x128xf32, #tpu.memory_space<hbm>>, %arg7: memref<79x128xi32, #tpu.memory_space<vmem>>, %arg8: memref<79x128xi32, #tpu.memory_space<vmem>>, %arg9: memref<128x128xf32, #tpu.memory_space<vmem>>, %arg10: memref<10008x128xf32, #tpu.memory_space<vmem_shared>>, %arg11: memref<!tpu.dma_semaphore, #tpu.memory_space<semaphore_mem>>) attributes {dimension_semantics = [#tpu.dimension_semantics<core_parallel>, #tpu.dimension_semantics<subcore_parallel>], iteration_bounds = array<i64: 2, 16>, scalar_prefetch = 0 : i64, scratch_operands = 5 : i64, tpu.core_type = #tpu.core_type<sc_vector_subcore>, window_params = [{transform_indices = #map}, {transform_indices = #map1}, {transform_indices = #map1}, {transform_indices = #map}, {transform_indices = #map1}]} {
    %mul3A = arith.constant 16 : i32
    %mul3A_0 = arith.muli %arg0, %mul3A : i32
    %add3A = arith.addi %mul3A_0, %arg1 : i32
    %mul3A_1 = arith.constant 624 : i32
    %mul3A_2 = arith.muli %arg1, %mul3A_1 : i32
    "tpu.region"() ({
      %run_scoped3A = tpu.sem_alloc : memref<!tpu.dma_semaphore, #tpu.memory_space<semaphore_mem>>
      %dma_start3A = arith.constant 0 : i32
      %dma_start3A_16 = tpu.memref_slice %arg10[%mul3A_2, %dma_start3A] : memref<10008x128xf32, #tpu.memory_space<vmem_shared>> -> memref<624x128xf32, #tpu.memory_space<vmem_shared>>
      %dma_start3A_17 = arith.constant 0 : i32
      %dma_start3A_18 = tpu.memref_slice %arg2[%mul3A_2, %dma_start3A_17] : memref<10000x128xf32, #tpu.memory_space<hbm>> -> memref<624x128xf32, #tpu.memory_space<hbm>>
      tpu.enqueue_dma source(%dma_start3A_18 : memref<624x128xf32, #tpu.memory_space<hbm>>) target(%dma_start3A_16 : memref<624x128xf32, #tpu.memory_space<vmem_shared>>) target_semaphore(%run_scoped3A : memref<!tpu.dma_semaphore, #tpu.memory_space<semaphore_mem>>)
      %dma_wait3A = arith.constant 0 : i32
      %dma_wait3A_19 = tpu.memref_slice %arg10[%mul3A_2, %dma_wait3A] : memref<10008x128xf32, #tpu.memory_space<vmem_shared>> -> memref<624x128xf32, #tpu.memory_space<vmem_shared>>
      %dma_wait3A_20 = arith.constant 0 : i32
      %dma_wait3A_21 = tpu.memref_slice %arg2[%mul3A_2, %dma_wait3A_20] : memref<10000x128xf32, #tpu.memory_space<hbm>> -> memref<624x128xf32, #tpu.memory_space<hbm>>
      tpu.wait_dma2 semaphore(%run_scoped3A : memref<!tpu.dma_semaphore, #tpu.memory_space<semaphore_mem>>) src(%dma_wait3A_21 : memref<624x128xf32, #tpu.memory_space<hbm>>) dst(%dma_wait3A_19 : memref<624x128xf32, #tpu.memory_space<vmem_shared>>)
      tpu.yield
    }) : () -> ()
    %eq3A = arith.constant 0 : i32
    %eq3A_3 = arith.cmpi eq, %arg1, %eq3A : i32
    %convert_element_type3A = arith.extui %eq3A_3 : i1 to i32
    %cond3A = arith.constant 0 : i32
    %cond3A_4 = arith.cmpi ne, %convert_element_type3A, %cond3A : i32
    scf.if %cond3A_4 {
      "tpu.region"() ({
        %run_scoped3A = tpu.sem_alloc : memref<!tpu.dma_semaphore, #tpu.memory_space<semaphore_mem>>
        %dma_start3A = arith.constant 9984 : i32
        %dma_start3A_16 = arith.constant 0 : i32
        %dma_start3A_17 = tpu.memref_slice %arg10[%dma_start3A, %dma_start3A_16] : memref<10008x128xf32, #tpu.memory_space<vmem_shared>> -> memref<16x128xf32, #tpu.memory_space<vmem_shared>>
        %dma_start3A_18 = arith.constant 9984 : i32
        %dma_start3A_19 = arith.constant 0 : i32
        %dma_start3A_20 = tpu.memref_slice %arg2[%dma_start3A_18, %dma_start3A_19] : memref<10000x128xf32, #tpu.memory_space<hbm>> -> memref<16x128xf32, #tpu.memory_space<hbm>>
        tpu.enqueue_dma source(%dma_start3A_20 : memref<16x128xf32, #tpu.memory_space<hbm>>) target(%dma_start3A_17 : memref<16x128xf32, #tpu.memory_space<vmem_shared>>) target_semaphore(%run_scoped3A : memref<!tpu.dma_semaphore, #tpu.memory_space<semaphore_mem>>)
        %dma_wait3A = arith.constant 9984 : i32
        %dma_wait3A_21 = arith.constant 0 : i32
        %dma_wait3A_22 = tpu.memref_slice %arg10[%dma_wait3A, %dma_wait3A_21] : memref<10008x128xf32, #tpu.memory_space<vmem_shared>> -> memref<16x128xf32, #tpu.memory_space<vmem_shared>>
        %dma_wait3A_23 = arith.constant 9984 : i32
        %dma_wait3A_24 = arith.constant 0 : i32
        %dma_wait3A_25 = tpu.memref_slice %arg2[%dma_wait3A_23, %dma_wait3A_24] : memref<10000x128xf32, #tpu.memory_space<hbm>> -> memref<16x128xf32, #tpu.memory_space<hbm>>
        tpu.wait_dma2 semaphore(%run_scoped3A : memref<!tpu.dma_semaphore, #tpu.memory_space<semaphore_mem>>) src(%dma_wait3A_25 : memref<16x128xf32, #tpu.memory_space<hbm>>) dst(%dma_wait3A_22 : memref<16x128xf32, #tpu.memory_space<vmem_shared>>)
        tpu.yield
      }) : () -> ()
      "tpu.region"() ({
        %run_scoped3A = tpu.sem_alloc : memref<!tpu.dma_semaphore, #tpu.memory_space<semaphore_mem>>
        %dma_start3A = arith.constant 10000 : i32
        %dma_start3A_16 = arith.constant 0 : i32
        %dma_start3A_17 = tpu.memref_slice %arg10[%dma_start3A, %dma_start3A_16] : memref<10008x128xf32, #tpu.memory_space<vmem_shared>> -> memref<8x128xf32, #tpu.memory_space<vmem_shared>>
        tpu.enqueue_dma source(%arg5 : memref<8x128xf32, #tpu.memory_space<hbm>>) target(%dma_start3A_17 : memref<8x128xf32, #tpu.memory_space<vmem_shared>>) target_semaphore(%run_scoped3A : memref<!tpu.dma_semaphore, #tpu.memory_space<semaphore_mem>>)
        %dma_wait3A = arith.constant 10000 : i32
        %dma_wait3A_18 = arith.constant 0 : i32
        %dma_wait3A_19 = tpu.memref_slice %arg10[%dma_wait3A, %dma_wait3A_18] : memref<10008x128xf32, #tpu.memory_space<vmem_shared>> -> memref<8x128xf32, #tpu.memory_space<vmem_shared>>
        tpu.wait_dma2 semaphore(%run_scoped3A : memref<!tpu.dma_semaphore, #tpu.memory_space<semaphore_mem>>) src(%arg5 : memref<8x128xf32, #tpu.memory_space<hbm>>) dst(%dma_wait3A_19 : memref<8x128xf32, #tpu.memory_space<vmem_shared>>)
        tpu.yield
      }) : () -> ()
    } else {
    }
    "tpu.region"() ({
      %run_scoped3A = tpu.sem_alloc : memref<!tpu.dma_semaphore, #tpu.memory_space<semaphore_mem>>
      %dma_start3A = arith.constant 0 : i32
      %dma_start3A_16 = arith.constant 0 : i32
      %dma_start3A_17 = tpu.memref_slice %arg3[%add3A, %dma_start3A, %dma_start3A_16] : memref<32x79x128xi32, #tpu.memory_space<hbm>> -> memref<1x79x128xi32, #tpu.memory_space<hbm>>
      %dma_start3A_18 = tpu.memref_squeeze %dma_start3A_17 : memref<1x79x128xi32, #tpu.memory_space<hbm>> -> memref<79x128xi32, #tpu.memory_space<hbm>>
      %dma_start3A_19 = arith.constant 0 : i32
      %dma_start3A_20 = arith.constant 0 : i32
      %dma_start3A_21 = tpu.memref_slice %arg3[%add3A, %dma_start3A_19, %dma_start3A_20] : memref<32x79x128xi32, #tpu.memory_space<hbm>> -> memref<1x79x128xi32, #tpu.memory_space<hbm>>
      %dma_start3A_22 = tpu.memref_squeeze %dma_start3A_21 : memref<1x79x128xi32, #tpu.memory_space<hbm>> -> memref<79x128xi32, #tpu.memory_space<hbm>>
      tpu.enqueue_dma source(%dma_start3A_22 : memref<79x128xi32, #tpu.memory_space<hbm>>) target(%arg7 : memref<79x128xi32, #tpu.memory_space<vmem>>) target_semaphore(%run_scoped3A : memref<!tpu.dma_semaphore, #tpu.memory_space<semaphore_mem>>)
      %dma_wait3A = arith.constant 0 : i32
      %dma_wait3A_23 = arith.constant 0 : i32
      %dma_wait3A_24 = tpu.memref_slice %arg3[%add3A, %dma_wait3A, %dma_wait3A_23] : memref<32x79x128xi32, #tpu.memory_space<hbm>> -> memref<1x79x128xi32, #tpu.memory_space<hbm>>
      %dma_wait3A_25 = tpu.memref_squeeze %dma_wait3A_24 : memref<1x79x128xi32, #tpu.memory_space<hbm>> -> memref<79x128xi32, #tpu.memory_space<hbm>>
      %dma_wait3A_26 = arith.constant 0 : i32
      %dma_wait3A_27 = arith.constant 0 : i32
      %dma_wait3A_28 = tpu.memref_slice %arg3[%add3A, %dma_wait3A_26, %dma_wait3A_27] : memref<32x79x128xi32, #tpu.memory_space<hbm>> -> memref<1x79x128xi32, #tpu.memory_space<hbm>>
      %dma_wait3A_29 = tpu.memref_squeeze %dma_wait3A_28 : memref<1x79x128xi32, #tpu.memory_space<hbm>> -> memref<79x128xi32, #tpu.memory_space<hbm>>
      tpu.wait_dma2 semaphore(%run_scoped3A : memref<!tpu.dma_semaphore, #tpu.memory_space<semaphore_mem>>) src(%dma_wait3A_29 : memref<79x128xi32, #tpu.memory_space<hbm>>) dst(%arg7 : memref<79x128xi32, #tpu.memory_space<vmem>>)
      tpu.yield
    }) : () -> ()
    "tpu.region"() ({
      %run_scoped3A = tpu.sem_alloc : memref<!tpu.dma_semaphore, #tpu.memory_space<semaphore_mem>>
      %dma_start3A = arith.constant 0 : i32
      %dma_start3A_16 = arith.constant 0 : i32
      %dma_start3A_17 = tpu.memref_slice %arg4[%add3A, %dma_start3A, %dma_start3A_16] : memref<32x79x128xi32, #tpu.memory_space<hbm>> -> memref<1x79x128xi32, #tpu.memory_space<hbm>>
      %dma_start3A_18 = tpu.memref_squeeze %dma_start3A_17 : memref<1x79x128xi32, #tpu.memory_space<hbm>> -> memref<79x128xi32, #tpu.memory_space<hbm>>
      %dma_start3A_19 = arith.constant 0 : i32
      %dma_start3A_20 = arith.constant 0 : i32
      %dma_start3A_21 = tpu.memref_slice %arg4[%add3A, %dma_start3A_19, %dma_start3A_20] : memref<32x79x128xi32, #tpu.memory_space<hbm>> -> memref<1x79x128xi32, #tpu.memory_space<hbm>>
      %dma_start3A_22 = tpu.memref_squeeze %dma_start3A_21 : memref<1x79x128xi32, #tpu.memory_space<hbm>> -> memref<79x128xi32, #tpu.memory_space<hbm>>
      tpu.enqueue_dma source(%dma_start3A_22 : memref<79x128xi32, #tpu.memory_space<hbm>>) target(%arg8 : memref<79x128xi32, #tpu.memory_space<vmem>>) target_semaphore(%run_scoped3A : memref<!tpu.dma_semaphore, #tpu.memory_space<semaphore_mem>>)
      %dma_wait3A = arith.constant 0 : i32
      %dma_wait3A_23 = arith.constant 0 : i32
      %dma_wait3A_24 = tpu.memref_slice %arg4[%add3A, %dma_wait3A, %dma_wait3A_23] : memref<32x79x128xi32, #tpu.memory_space<hbm>> -> memref<1x79x128xi32, #tpu.memory_space<hbm>>
      %dma_wait3A_25 = tpu.memref_squeeze %dma_wait3A_24 : memref<1x79x128xi32, #tpu.memory_space<hbm>> -> memref<79x128xi32, #tpu.memory_space<hbm>>
      %dma_wait3A_26 = arith.constant 0 : i32
      %dma_wait3A_27 = arith.constant 0 : i32
      %dma_wait3A_28 = tpu.memref_slice %arg4[%add3A, %dma_wait3A_26, %dma_wait3A_27] : memref<32x79x128xi32, #tpu.memory_space<hbm>> -> memref<1x79x128xi32, #tpu.memory_space<hbm>>
      %dma_wait3A_29 = tpu.memref_squeeze %dma_wait3A_28 : memref<1x79x128xi32, #tpu.memory_space<hbm>> -> memref<79x128xi32, #tpu.memory_space<hbm>>
      tpu.wait_dma2 semaphore(%run_scoped3A : memref<!tpu.dma_semaphore, #tpu.memory_space<semaphore_mem>>) src(%dma_wait3A_29 : memref<79x128xi32, #tpu.memory_space<hbm>>) dst(%arg8 : memref<79x128xi32, #tpu.memory_space<vmem>>)
      tpu.yield
    }) : () -> ()
    %barrier3A = arith.constant 0 : index
    tpu.barrier barrier_id(%barrier3A)
    %scan3A = arith.constant 0 : i32
    %scan3A_5 = arith.constant 0 : i32
    %scan3A_6 = arith.constant 79 : i32
    %scan3A_7 = arith.addi %scan3A_5, %scan3A_6 : i32
    %scan3A_8 = arith.constant 1 : i32
    scf.for %scan3A_16 = %scan3A_5 to %scan3A_7 step %scan3A_8  : i32 {
      %dma_start3A = arith.constant 0 : i32
      %dma_start3A_17 = tpu.memref_slice %arg7[%scan3A_16, %dma_start3A] : memref<79x128xi32, #tpu.memory_space<vmem>> -> memref<1x128xi32, #tpu.memory_space<vmem>>
      %dma_start3A_18 = tpu.memref_squeeze %dma_start3A_17 : memref<1x128xi32, #tpu.memory_space<vmem>> -> memref<128xi32, #tpu.memory_space<vmem>>
      %dma_start3A_19 = arith.constant 0 : i32
      %dma_start3A_20 = arith.constant 0 : i32
      %dma_start3A_21 = tpu.memref_slice %arg2[%dma_start3A_19, %dma_start3A_20] : memref<10000x128xf32, #tpu.memory_space<hbm>> -> memref<10000x128xf32, #tpu.memory_space<hbm>>
      tpu.enqueue_indirect_dma source(%dma_start3A_21 : memref<10000x128xf32, #tpu.memory_space<hbm>>) target(%arg9 : memref<128x128xf32, #tpu.memory_space<vmem>>) offsets(%dma_start3A_18 : memref<128xi32, #tpu.memory_space<vmem>>) semaphore(%arg11 : memref<!tpu.dma_semaphore, #tpu.memory_space<semaphore_mem>>)
      %dma_wait3A = arith.constant 0 : i32
      %dma_wait3A_22 = tpu.memref_slice %arg7[%scan3A_16, %dma_wait3A] : memref<79x128xi32, #tpu.memory_space<vmem>> -> memref<1x128xi32, #tpu.memory_space<vmem>>
      %dma_wait3A_23 = tpu.memref_squeeze %dma_wait3A_22 : memref<1x128xi32, #tpu.memory_space<vmem>> -> memref<128xi32, #tpu.memory_space<vmem>>
      %dma_wait3A_24 = arith.constant 0 : i32
      %dma_wait3A_25 = arith.constant 0 : i32
      %dma_wait3A_26 = tpu.memref_slice %arg2[%dma_wait3A_24, %dma_wait3A_25] : memref<10000x128xf32, #tpu.memory_space<hbm>> -> memref<10000x128xf32, #tpu.memory_space<hbm>>
      tpu.wait_indirect_dma semaphore(%arg11 : memref<!tpu.dma_semaphore, #tpu.memory_space<semaphore_mem>>) src(%dma_wait3A_26 : memref<10000x128xf32, #tpu.memory_space<hbm>>) dst(%arg9 : memref<128x128xf32, #tpu.memory_space<vmem>>)
      "tpu.region"() ({
        %run_scoped3A = tpu.sem_alloc : memref<!tpu.dma_semaphore, #tpu.memory_space<semaphore_mem>>
        %dma_start3A_27 = arith.constant 0 : i32
        %dma_start3A_28 = tpu.memref_slice %arg8[%scan3A_16, %dma_start3A_27] : memref<79x128xi32, #tpu.memory_space<vmem>> -> memref<1x128xi32, #tpu.memory_space<vmem>>
        %dma_start3A_29 = tpu.memref_squeeze %dma_start3A_28 : memref<1x128xi32, #tpu.memory_space<vmem>> -> memref<128xi32, #tpu.memory_space<vmem>>
        %dma_start3A_30 = arith.constant 0 : i32
        %dma_start3A_31 = arith.constant 0 : i32
        %dma_start3A_32 = tpu.memref_slice %arg10[%dma_start3A_30, %dma_start3A_31] : memref<10008x128xf32, #tpu.memory_space<vmem_shared>> -> memref<10008x128xf32, #tpu.memory_space<vmem_shared>>
        tpu.enqueue_indirect_dma source(%arg9 : memref<128x128xf32, #tpu.memory_space<vmem>>) target(%dma_start3A_32 : memref<10008x128xf32, #tpu.memory_space<vmem_shared>>) offsets(%dma_start3A_29 : memref<128xi32, #tpu.memory_space<vmem>>) semaphore(%run_scoped3A : memref<!tpu.dma_semaphore, #tpu.memory_space<semaphore_mem>>) {add = true}
        %dma_wait3A_33 = arith.constant 0 : i32
        %dma_wait3A_34 = tpu.memref_slice %arg8[%scan3A_16, %dma_wait3A_33] : memref<79x128xi32, #tpu.memory_space<vmem>> -> memref<1x128xi32, #tpu.memory_space<vmem>>
        %dma_wait3A_35 = tpu.memref_squeeze %dma_wait3A_34 : memref<1x128xi32, #tpu.memory_space<vmem>> -> memref<128xi32, #tpu.memory_space<vmem>>
        %dma_wait3A_36 = arith.constant 0 : i32
        %dma_wait3A_37 = arith.constant 0 : i32
        %dma_wait3A_38 = tpu.memref_slice %arg10[%dma_wait3A_36, %dma_wait3A_37] : memref<10008x128xf32, #tpu.memory_space<vmem_shared>> -> memref<10008x128xf32, #tpu.memory_space<vmem_shared>>
        tpu.wait_indirect_dma semaphore(%run_scoped3A : memref<!tpu.dma_semaphore, #tpu.memory_space<semaphore_mem>>) src(%arg9 : memref<128x128xf32, #tpu.memory_space<vmem>>) dst(%dma_wait3A_38 : memref<10008x128xf32, #tpu.memory_space<vmem_shared>>)
        tpu.yield
      }) : () -> ()
    }
    %scan3A_9 = arith.constant 79 : i32
    %barrier3A_10 = arith.constant 0 : index
    tpu.barrier barrier_id(%barrier3A_10)
    "tpu.region"() ({
      %run_scoped3A = tpu.sem_alloc : memref<!tpu.dma_semaphore, #tpu.memory_space<semaphore_mem>>
      %dma_start3A = arith.constant 0 : i32
      %dma_start3A_16 = tpu.memref_slice %arg6[%arg0, %mul3A_2, %dma_start3A] : memref<2x10000x128xf32, #tpu.memory_space<hbm>> -> memref<1x624x128xf32, #tpu.memory_space<hbm>>
      %dma_start3A_17 = tpu.memref_squeeze %dma_start3A_16 : memref<1x624x128xf32, #tpu.memory_space<hbm>> -> memref<624x128xf32, #tpu.memory_space<hbm>>
      %dma_start3A_18 = arith.constant 0 : i32
      %dma_start3A_19 = tpu.memref_slice %arg10[%mul3A_2, %dma_start3A_18] : memref<10008x128xf32, #tpu.memory_space<vmem_shared>> -> memref<624x128xf32, #tpu.memory_space<vmem_shared>>
      tpu.enqueue_dma source(%dma_start3A_19 : memref<624x128xf32, #tpu.memory_space<vmem_shared>>) target(%dma_start3A_17 : memref<624x128xf32, #tpu.memory_space<hbm>>) target_semaphore(%run_scoped3A : memref<!tpu.dma_semaphore, #tpu.memory_space<semaphore_mem>>)
      %dma_wait3A = arith.constant 0 : i32
      %dma_wait3A_20 = tpu.memref_slice %arg6[%arg0, %mul3A_2, %dma_wait3A] : memref<2x10000x128xf32, #tpu.memory_space<hbm>> -> memref<1x624x128xf32, #tpu.memory_space<hbm>>
      %dma_wait3A_21 = tpu.memref_squeeze %dma_wait3A_20 : memref<1x624x128xf32, #tpu.memory_space<hbm>> -> memref<624x128xf32, #tpu.memory_space<hbm>>
      %dma_wait3A_22 = arith.constant 0 : i32
      %dma_wait3A_23 = tpu.memref_slice %arg10[%mul3A_2, %dma_wait3A_22] : memref<10008x128xf32, #tpu.memory_space<vmem_shared>> -> memref<624x128xf32, #tpu.memory_space<vmem_shared>>
      tpu.wait_dma2 semaphore(%run_scoped3A : memref<!tpu.dma_semaphore, #tpu.memory_space<semaphore_mem>>) src(%dma_wait3A_23 : memref<624x128xf32, #tpu.memory_space<vmem_shared>>) dst(%dma_wait3A_21 : memref<624x128xf32, #tpu.memory_space<hbm>>)
      tpu.yield
    }) : () -> ()
    %eq3A_11 = arith.constant 0 : i32
    %eq3A_12 = arith.cmpi eq, %arg1, %eq3A_11 : i32
    %convert_element_type3A_13 = arith.extui %eq3A_12 : i1 to i32
    %cond3A_14 = arith.constant 0 : i32
    %cond3A_15 = arith.cmpi ne, %convert_element_type3A_13, %cond3A_14 : i32
    scf.if %cond3A_15 {
      "tpu.region"() ({
        %run_scoped3A = tpu.sem_alloc : memref<!tpu.dma_semaphore, #tpu.memory_space<semaphore_mem>>
        %dma_start3A = arith.constant 9984 : i32
        %dma_start3A_16 = arith.constant 0 : i32
        %dma_start3A_17 = tpu.memref_slice %arg6[%arg0, %dma_start3A, %dma_start3A_16] : memref<2x10000x128xf32, #tpu.memory_space<hbm>> -> memref<1x16x128xf32, #tpu.memory_space<hbm>>
        %dma_start3A_18 = tpu.memref_squeeze %dma_start3A_17 : memref<1x16x128xf32, #tpu.memory_space<hbm>> -> memref<16x128xf32, #tpu.memory_space<hbm>>
        %dma_start3A_19 = arith.constant 9984 : i32
        %dma_start3A_20 = arith.constant 0 : i32
        %dma_start3A_21 = tpu.memref_slice %arg10[%dma_start3A_19, %dma_start3A_20] : memref<10008x128xf32, #tpu.memory_space<vmem_shared>> -> memref<16x128xf32, #tpu.memory_space<vmem_shared>>
        tpu.enqueue_dma source(%dma_start3A_21 : memref<16x128xf32, #tpu.memory_space<vmem_shared>>) target(%dma_start3A_18 : memref<16x128xf32, #tpu.memory_space<hbm>>) target_semaphore(%run_scoped3A : memref<!tpu.dma_semaphore, #tpu.memory_space<semaphore_mem>>)
        %dma_wait3A = arith.constant 9984 : i32
        %dma_wait3A_22 = arith.constant 0 : i32
        %dma_wait3A_23 = tpu.memref_slice %arg6[%arg0, %dma_wait3A, %dma_wait3A_22] : memref<2x10000x128xf32, #tpu.memory_space<hbm>> -> memref<1x16x128xf32, #tpu.memory_space<hbm>>
        %dma_wait3A_24 = tpu.memref_squeeze %dma_wait3A_23 : memref<1x16x128xf32, #tpu.memory_space<hbm>> -> memref<16x128xf32, #tpu.memory_space<hbm>>
        %dma_wait3A_25 = arith.constant 9984 : i32
        %dma_wait3A_26 = arith.constant 0 : i32
        %dma_wait3A_27 = tpu.memref_slice %arg10[%dma_wait3A_25, %dma_wait3A_26] : memref<10008x128xf32, #tpu.memory_space<vmem_shared>> -> memref<16x128xf32, #tpu.memory_space<vmem_shared>>
        tpu.wait_dma2 semaphore(%run_scoped3A : memref<!tpu.dma_semaphore, #tpu.memory_space<semaphore_mem>>) src(%dma_wait3A_27 : memref<16x128xf32, #tpu.memory_space<vmem_shared>>) dst(%dma_wait3A_24 : memref<16x128xf32, #tpu.memory_space<hbm>>)
        tpu.yield
      }) : () -> ()
    } else {
    }
    return
  }
}

#map = affine_map<(d0, d1) -> (0, 0)>
#map1 = affine_map<(d0, d1) -> (0, 0, 0)>
module attributes {stable_mosaic.version = 14 : i64} {
  func.func @k(%arg0: i32, %arg1: i32, %arg2: memref<10000x128xf32, #tpu.memory_space<hbm>>, %arg3: memref<32x79x128xi32, #tpu.memory_space<hbm>>, %arg4: memref<32x79x128xi32, #tpu.memory_space<hbm>>, %arg5: memref<8x128xf32, #tpu.memory_space<hbm>>, %arg6: memref<2x10000x128xf32, #tpu.memory_space<hbm>>, %arg7: memref<79x128xi32, #tpu.memory_space<vmem>>, %arg8: memref<79x128xi32, #tpu.memory_space<vmem>>, %arg9: memref<128x128xf32, #tpu.memory_space<vmem>>, %arg10: memref<10008x128xf32, #tpu.memory_space<vmem_shared>>, %arg11: memref<!tpu.dma_semaphore, #tpu.memory_space<semaphore_mem>>) attributes {dimension_semantics = [#tpu.dimension_semantics<core_parallel>, #tpu.dimension_semantics<subcore_parallel>], iteration_bounds = array<i64: 2, 16>, scalar_prefetch = 0 : i64, scratch_operands = 5 : i64, tpu.core_type = #tpu.core_type<sc_vector_subcore>, window_params = [{transform_indices = #map}, {transform_indices = #map1}, {transform_indices = #map1}, {transform_indices = #map}, {transform_indices = #map1}]} {
    %mul3A = arith.constant 16 : i32
    %mul3A_0 = arith.muli %arg0, %mul3A : i32
    %add3A = arith.addi %mul3A_0, %arg1 : i32
    %mul3A_1 = arith.constant 624 : i32
    %mul3A_2 = arith.muli %arg1, %mul3A_1 : i32
    "tpu.region"() ({
      %run_scoped3A = tpu.sem_alloc : memref<!tpu.dma_semaphore, #tpu.memory_space<semaphore_mem>>
      %dma_start3A = arith.constant 0 : i32
      %dma_start3A_16 = tpu.memref_slice %arg10[%mul3A_2, %dma_start3A] : memref<10008x128xf32, #tpu.memory_space<vmem_shared>> -> memref<624x128xf32, #tpu.memory_space<vmem_shared>>
      %dma_start3A_17 = arith.constant 0 : i32
      %dma_start3A_18 = tpu.memref_slice %arg2[%mul3A_2, %dma_start3A_17] : memref<10000x128xf32, #tpu.memory_space<hbm>> -> memref<624x128xf32, #tpu.memory_space<hbm>>
      tpu.enqueue_dma source(%dma_start3A_18 : memref<624x128xf32, #tpu.memory_space<hbm>>) target(%dma_start3A_16 : memref<624x128xf32, #tpu.memory_space<vmem_shared>>) target_semaphore(%run_scoped3A : memref<!tpu.dma_semaphore, #tpu.memory_space<semaphore_mem>>)
      %dma_wait3A = arith.constant 0 : i32
      %dma_wait3A_19 = tpu.memref_slice %arg10[%mul3A_2, %dma_wait3A] : memref<10008x128xf32, #tpu.memory_space<vmem_shared>> -> memref<624x128xf32, #tpu.memory_space<vmem_shared>>
      %dma_wait3A_20 = arith.constant 0 : i32
      %dma_wait3A_21 = tpu.memref_slice %arg2[%mul3A_2, %dma_wait3A_20] : memref<10000x128xf32, #tpu.memory_space<hbm>> -> memref<624x128xf32, #tpu.memory_space<hbm>>
      tpu.wait_dma2 semaphore(%run_scoped3A : memref<!tpu.dma_semaphore, #tpu.memory_space<semaphore_mem>>) src(%dma_wait3A_21 : memref<624x128xf32, #tpu.memory_space<hbm>>) dst(%dma_wait3A_19 : memref<624x128xf32, #tpu.memory_space<vmem_shared>>)
      tpu.yield
    }) : () -> ()
    %eq3A = arith.constant 0 : i32
    %eq3A_3 = arith.cmpi eq, %arg1, %eq3A : i32
    %convert_element_type3A = arith.extui %eq3A_3 : i1 to i32
    %cond3A = arith.constant 0 : i32
    %cond3A_4 = arith.cmpi ne, %convert_element_type3A, %cond3A : i32
    scf.if %cond3A_4 {
      "tpu.region"() ({
        %run_scoped3A = tpu.sem_alloc : memref<!tpu.dma_semaphore, #tpu.memory_space<semaphore_mem>>
        %dma_start3A = arith.constant 9984 : i32
        %dma_start3A_16 = arith.constant 0 : i32
        %dma_start3A_17 = tpu.memref_slice %arg10[%dma_start3A, %dma_start3A_16] : memref<10008x128xf32, #tpu.memory_space<vmem_shared>> -> memref<16x128xf32, #tpu.memory_space<vmem_shared>>
        %dma_start3A_18 = arith.constant 9984 : i32
        %dma_start3A_19 = arith.constant 0 : i32
        %dma_start3A_20 = tpu.memref_slice %arg2[%dma_start3A_18, %dma_start3A_19] : memref<10000x128xf32, #tpu.memory_space<hbm>> -> memref<16x128xf32, #tpu.memory_space<hbm>>
        tpu.enqueue_dma source(%dma_start3A_20 : memref<16x128xf32, #tpu.memory_space<hbm>>) target(%dma_start3A_17 : memref<16x128xf32, #tpu.memory_space<vmem_shared>>) target_semaphore(%run_scoped3A : memref<!tpu.dma_semaphore, #tpu.memory_space<semaphore_mem>>)
        %dma_wait3A = arith.constant 9984 : i32
        %dma_wait3A_21 = arith.constant 0 : i32
        %dma_wait3A_22 = tpu.memref_slice %arg10[%dma_wait3A, %dma_wait3A_21] : memref<10008x128xf32, #tpu.memory_space<vmem_shared>> -> memref<16x128xf32, #tpu.memory_space<vmem_shared>>
        %dma_wait3A_23 = arith.constant 9984 : i32
        %dma_wait3A_24 = arith.constant 0 : i32
        %dma_wait3A_25 = tpu.memref_slice %arg2[%dma_wait3A_23, %dma_wait3A_24] : memref<10000x128xf32, #tpu.memory_space<hbm>> -> memref<16x128xf32, #tpu.memory_space<hbm>>
        tpu.wait_dma2 semaphore(%run_scoped3A : memref<!tpu.dma_semaphore, #tpu.memory_space<semaphore_mem>>) src(%dma_wait3A_25 : memref<16x128xf32, #tpu.memory_space<hbm>>) dst(%dma_wait3A_22 : memref<16x128xf32, #tpu.memory_space<vmem_shared>>)
        tpu.yield
      }) : () -> ()
      "tpu.region"() ({
        %run_scoped3A = tpu.sem_alloc : memref<!tpu.dma_semaphore, #tpu.memory_space<semaphore_mem>>
        %dma_start3A = arith.constant 10000 : i32
        %dma_start3A_16 = arith.constant 0 : i32
        %dma_start3A_17 = tpu.memref_slice %arg10[%dma_start3A, %dma_start3A_16] : memref<10008x128xf32, #tpu.memory_space<vmem_shared>> -> memref<8x128xf32, #tpu.memory_space<vmem_shared>>
        tpu.enqueue_dma source(%arg5 : memref<8x128xf32, #tpu.memory_space<hbm>>) target(%dma_start3A_17 : memref<8x128xf32, #tpu.memory_space<vmem_shared>>) target_semaphore(%run_scoped3A : memref<!tpu.dma_semaphore, #tpu.memory_space<semaphore_mem>>)
        %dma_wait3A = arith.constant 10000 : i32
        %dma_wait3A_18 = arith.constant 0 : i32
        %dma_wait3A_19 = tpu.memref_slice %arg10[%dma_wait3A, %dma_wait3A_18] : memref<10008x128xf32, #tpu.memory_space<vmem_shared>> -> memref<8x128xf32, #tpu.memory_space<vmem_shared>>
        tpu.wait_dma2 semaphore(%run_scoped3A : memref<!tpu.dma_semaphore, #tpu.memory_space<semaphore_mem>>) src(%arg5 : memref<8x128xf32, #tpu.memory_space<hbm>>) dst(%dma_wait3A_19 : memref<8x128xf32, #tpu.memory_space<vmem_shared>>)
        tpu.yield
      }) : () -> ()
    } else {
    }
    "tpu.region"() ({
      %run_scoped3A = tpu.sem_alloc : memref<!tpu.dma_semaphore, #tpu.memory_space<semaphore_mem>>
      %dma_start3A = arith.constant 0 : i32
      %dma_start3A_16 = arith.constant 0 : i32
      %dma_start3A_17 = tpu.memref_slice %arg3[%add3A, %dma_start3A, %dma_start3A_16] : memref<32x79x128xi32, #tpu.memory_space<hbm>> -> memref<1x79x128xi32, #tpu.memory_space<hbm>>
      %dma_start3A_18 = tpu.memref_squeeze %dma_start3A_17 : memref<1x79x128xi32, #tpu.memory_space<hbm>> -> memref<79x128xi32, #tpu.memory_space<hbm>>
      %dma_start3A_19 = arith.constant 0 : i32
      %dma_start3A_20 = arith.constant 0 : i32
      %dma_start3A_21 = tpu.memref_slice %arg3[%add3A, %dma_start3A_19, %dma_start3A_20] : memref<32x79x128xi32, #tpu.memory_space<hbm>> -> memref<1x79x128xi32, #tpu.memory_space<hbm>>
      %dma_start3A_22 = tpu.memref_squeeze %dma_start3A_21 : memref<1x79x128xi32, #tpu.memory_space<hbm>> -> memref<79x128xi32, #tpu.memory_space<hbm>>
      tpu.enqueue_dma source(%dma_start3A_22 : memref<79x128xi32, #tpu.memory_space<hbm>>) target(%arg7 : memref<79x128xi32, #tpu.memory_space<vmem>>) target_semaphore(%run_scoped3A : memref<!tpu.dma_semaphore, #tpu.memory_space<semaphore_mem>>)
      %dma_wait3A = arith.constant 0 : i32
      %dma_wait3A_23 = arith.constant 0 : i32
      %dma_wait3A_24 = tpu.memref_slice %arg3[%add3A, %dma_wait3A, %dma_wait3A_23] : memref<32x79x128xi32, #tpu.memory_space<hbm>> -> memref<1x79x128xi32, #tpu.memory_space<hbm>>
      %dma_wait3A_25 = tpu.memref_squeeze %dma_wait3A_24 : memref<1x79x128xi32, #tpu.memory_space<hbm>> -> memref<79x128xi32, #tpu.memory_space<hbm>>
      %dma_wait3A_26 = arith.constant 0 : i32
      %dma_wait3A_27 = arith.constant 0 : i32
      %dma_wait3A_28 = tpu.memref_slice %arg3[%add3A, %dma_wait3A_26, %dma_wait3A_27] : memref<32x79x128xi32, #tpu.memory_space<hbm>> -> memref<1x79x128xi32, #tpu.memory_space<hbm>>
      %dma_wait3A_29 = tpu.memref_squeeze %dma_wait3A_28 : memref<1x79x128xi32, #tpu.memory_space<hbm>> -> memref<79x128xi32, #tpu.memory_space<hbm>>
      tpu.wait_dma2 semaphore(%run_scoped3A : memref<!tpu.dma_semaphore, #tpu.memory_space<semaphore_mem>>) src(%dma_wait3A_29 : memref<79x128xi32, #tpu.memory_space<hbm>>) dst(%arg7 : memref<79x128xi32, #tpu.memory_space<vmem>>)
      tpu.yield
    }) : () -> ()
    "tpu.region"() ({
      %run_scoped3A = tpu.sem_alloc : memref<!tpu.dma_semaphore, #tpu.memory_space<semaphore_mem>>
      %dma_start3A = arith.constant 0 : i32
      %dma_start3A_16 = arith.constant 0 : i32
      %dma_start3A_17 = tpu.memref_slice %arg4[%add3A, %dma_start3A, %dma_start3A_16] : memref<32x79x128xi32, #tpu.memory_space<hbm>> -> memref<1x79x128xi32, #tpu.memory_space<hbm>>
      %dma_start3A_18 = tpu.memref_squeeze %dma_start3A_17 : memref<1x79x128xi32, #tpu.memory_space<hbm>> -> memref<79x128xi32, #tpu.memory_space<hbm>>
      %dma_start3A_19 = arith.constant 0 : i32
      %dma_start3A_20 = arith.constant 0 : i32
      %dma_start3A_21 = tpu.memref_slice %arg4[%add3A, %dma_start3A_19, %dma_start3A_20] : memref<32x79x128xi32, #tpu.memory_space<hbm>> -> memref<1x79x128xi32, #tpu.memory_space<hbm>>
      %dma_start3A_22 = tpu.memref_squeeze %dma_start3A_21 : memref<1x79x128xi32, #tpu.memory_space<hbm>> -> memref<79x128xi32, #tpu.memory_space<hbm>>
      tpu.enqueue_dma source(%dma_start3A_22 : memref<79x128xi32, #tpu.memory_space<hbm>>) target(%arg8 : memref<79x128xi32, #tpu.memory_space<vmem>>) target_semaphore(%run_scoped3A : memref<!tpu.dma_semaphore, #tpu.memory_space<semaphore_mem>>)
      %dma_wait3A = arith.constant 0 : i32
      %dma_wait3A_23 = arith.constant 0 : i32
      %dma_wait3A_24 = tpu.memref_slice %arg4[%add3A, %dma_wait3A, %dma_wait3A_23] : memref<32x79x128xi32, #tpu.memory_space<hbm>> -> memref<1x79x128xi32, #tpu.memory_space<hbm>>
      %dma_wait3A_25 = tpu.memref_squeeze %dma_wait3A_24 : memref<1x79x128xi32, #tpu.memory_space<hbm>> -> memref<79x128xi32, #tpu.memory_space<hbm>>
      %dma_wait3A_26 = arith.constant 0 : i32
      %dma_wait3A_27 = arith.constant 0 : i32
      %dma_wait3A_28 = tpu.memref_slice %arg4[%add3A, %dma_wait3A_26, %dma_wait3A_27] : memref<32x79x128xi32, #tpu.memory_space<hbm>> -> memref<1x79x128xi32, #tpu.memory_space<hbm>>
      %dma_wait3A_29 = tpu.memref_squeeze %dma_wait3A_28 : memref<1x79x128xi32, #tpu.memory_space<hbm>> -> memref<79x128xi32, #tpu.memory_space<hbm>>
      tpu.wait_dma2 semaphore(%run_scoped3A : memref<!tpu.dma_semaphore, #tpu.memory_space<semaphore_mem>>) src(%dma_wait3A_29 : memref<79x128xi32, #tpu.memory_space<hbm>>) dst(%arg8 : memref<79x128xi32, #tpu.memory_space<vmem>>)
      tpu.yield
    }) : () -> ()
    %barrier3A = arith.constant 0 : index
    tpu.barrier barrier_id(%barrier3A)
    %scan3A = arith.constant 0 : i32
    %scan3A_5 = arith.constant 0 : i32
    %scan3A_6 = arith.constant 79 : i32
    %scan3A_7 = arith.addi %scan3A_5, %scan3A_6 : i32
    %scan3A_8 = arith.constant 1 : i32
    scf.for %scan3A_16 = %scan3A_5 to %scan3A_7 step %scan3A_8  : i32 {
      %dma_start3A = arith.constant 0 : i32
      %dma_start3A_17 = tpu.memref_slice %arg7[%scan3A_16, %dma_start3A] : memref<79x128xi32, #tpu.memory_space<vmem>> -> memref<1x128xi32, #tpu.memory_space<vmem>>
      %dma_start3A_18 = tpu.memref_squeeze %dma_start3A_17 : memref<1x128xi32, #tpu.memory_space<vmem>> -> memref<128xi32, #tpu.memory_space<vmem>>
      %dma_start3A_19 = arith.constant 0 : i32
      %dma_start3A_20 = arith.constant 0 : i32
      %dma_start3A_21 = tpu.memref_slice %arg2[%dma_start3A_19, %dma_start3A_20] : memref<10000x128xf32, #tpu.memory_space<hbm>> -> memref<10000x128xf32, #tpu.memory_space<hbm>>
      tpu.enqueue_indirect_dma source(%dma_start3A_21 : memref<10000x128xf32, #tpu.memory_space<hbm>>) target(%arg9 : memref<128x128xf32, #tpu.memory_space<vmem>>) offsets(%dma_start3A_18 : memref<128xi32, #tpu.memory_space<vmem>>) semaphore(%arg11 : memref<!tpu.dma_semaphore, #tpu.memory_space<semaphore_mem>>)
      %dma_wait3A = arith.constant 0 : i32
      %dma_wait3A_22 = tpu.memref_slice %arg7[%scan3A_16, %dma_wait3A] : memref<79x128xi32, #tpu.memory_space<vmem>> -> memref<1x128xi32, #tpu.memory_space<vmem>>
      %dma_wait3A_23 = tpu.memref_squeeze %dma_wait3A_22 : memref<1x128xi32, #tpu.memory_space<vmem>> -> memref<128xi32, #tpu.memory_space<vmem>>
      %dma_wait3A_24 = arith.constant 0 : i32
      %dma_wait3A_25 = arith.constant 0 : i32
      %dma_wait3A_26 = tpu.memref_slice %arg2[%dma_wait3A_24, %dma_wait3A_25] : memref<10000x128xf32, #tpu.memory_space<hbm>> -> memref<10000x128xf32, #tpu.memory_space<hbm>>
      tpu.wait_indirect_dma semaphore(%arg11 : memref<!tpu.dma_semaphore, #tpu.memory_space<semaphore_mem>>) src(%dma_wait3A_26 : memref<10000x128xf32, #tpu.memory_space<hbm>>) dst(%arg9 : memref<128x128xf32, #tpu.memory_space<vmem>>)
      "tpu.region"() ({
        %run_scoped3A = tpu.sem_alloc : memref<!tpu.dma_semaphore, #tpu.memory_space<semaphore_mem>>
        %dma_start3A_27 = arith.constant 0 : i32
        %dma_start3A_28 = tpu.memref_slice %arg8[%scan3A_16, %dma_start3A_27] : memref<79x128xi32, #tpu.memory_space<vmem>> -> memref<1x128xi32, #tpu.memory_space<vmem>>
        %dma_start3A_29 = tpu.memref_squeeze %dma_start3A_28 : memref<1x128xi32, #tpu.memory_space<vmem>> -> memref<128xi32, #tpu.memory_space<vmem>>
        %dma_start3A_30 = arith.constant 0 : i32
        %dma_start3A_31 = arith.constant 0 : i32
        %dma_start3A_32 = tpu.memref_slice %arg10[%dma_start3A_30, %dma_start3A_31] : memref<10008x128xf32, #tpu.memory_space<vmem_shared>> -> memref<10008x128xf32, #tpu.memory_space<vmem_shared>>
        tpu.enqueue_indirect_dma source(%arg9 : memref<128x128xf32, #tpu.memory_space<vmem>>) target(%dma_start3A_32 : memref<10008x128xf32, #tpu.memory_space<vmem_shared>>) offsets(%dma_start3A_29 : memref<128xi32, #tpu.memory_space<vmem>>) semaphore(%run_scoped3A : memref<!tpu.dma_semaphore, #tpu.memory_space<semaphore_mem>>) {add = true}
        %dma_wait3A_33 = arith.constant 0 : i32
        %dma_wait3A_34 = tpu.memref_slice %arg8[%scan3A_16, %dma_wait3A_33] : memref<79x128xi32, #tpu.memory_space<vmem>> -> memref<1x128xi32, #tpu.memory_space<vmem>>
        %dma_wait3A_35 = tpu.memref_squeeze %dma_wait3A_34 : memref<1x128xi32, #tpu.memory_space<vmem>> -> memref<128xi32, #tpu.memory_space<vmem>>
        %dma_wait3A_36 = arith.constant 0 : i32
        %dma_wait3A_37 = arith.constant 0 : i32
        %dma_wait3A_38 = tpu.memref_slice %arg10[%dma_wait3A_36, %dma_wait3A_37] : memref<10008x128xf32, #tpu.memory_space<vmem_shared>> -> memref<10008x128xf32, #tpu.memory_space<vmem_shared>>
        tpu.wait_indirect_dma semaphore(%run_scoped3A : memref<!tpu.dma_semaphore, #tpu.memory_space<semaphore_mem>>) src(%arg9 : memref<128x128xf32, #tpu.memory_space<vmem>>) dst(%dma_wait3A_38 : memref<10008x128xf32, #tpu.memory_space<vmem_shared>>)
        tpu.yield
      }) : () -> ()
    }
    %scan3A_9 = arith.constant 79 : i32
    %barrier3A_10 = arith.constant 0 : index
    tpu.barrier barrier_id(%barrier3A_10)
    "tpu.region"() ({
      %run_scoped3A = tpu.sem_alloc : memref<!tpu.dma_semaphore, #tpu.memory_space<semaphore_mem>>
      %dma_start3A = arith.constant 0 : i32
      %dma_start3A_16 = tpu.memref_slice %arg6[%arg0, %mul3A_2, %dma_start3A] : memref<2x10000x128xf32, #tpu.memory_space<hbm>> -> memref<1x624x128xf32, #tpu.memory_space<hbm>>
      %dma_start3A_17 = tpu.memref_squeeze %dma_start3A_16 : memref<1x624x128xf32, #tpu.memory_space<hbm>> -> memref<624x128xf32, #tpu.memory_space<hbm>>
      %dma_start3A_18 = arith.constant 0 : i32
      %dma_start3A_19 = tpu.memref_slice %arg10[%mul3A_2, %dma_start3A_18] : memref<10008x128xf32, #tpu.memory_space<vmem_shared>> -> memref<624x128xf32, #tpu.memory_space<vmem_shared>>
      tpu.enqueue_dma source(%dma_start3A_19 : memref<624x128xf32, #tpu.memory_space<vmem_shared>>) target(%dma_start3A_17 : memref<624x128xf32, #tpu.memory_space<hbm>>) target_semaphore(%run_scoped3A : memref<!tpu.dma_semaphore, #tpu.memory_space<semaphore_mem>>)
      %dma_wait3A = arith.constant 0 : i32
      %dma_wait3A_20 = tpu.memref_slice %arg6[%arg0, %mul3A_2, %dma_wait3A] : memref<2x10000x128xf32, #tpu.memory_space<hbm>> -> memref<1x624x128xf32, #tpu.memory_space<hbm>>
      %dma_wait3A_21 = tpu.memref_squeeze %dma_wait3A_20 : memref<1x624x128xf32, #tpu.memory_space<hbm>> -> memref<624x128xf32, #tpu.memory_space<hbm>>
      %dma_wait3A_22 = arith.constant 0 : i32
      %dma_wait3A_23 = tpu.memref_slice %arg10[%mul3A_2, %dma_wait3A_22] : memref<10008x128xf32, #tpu.memory_space<vmem_shared>> -> memref<624x128xf32, #tpu.memory_space<vmem_shared>>
      tpu.wait_dma2 semaphore(%run_scoped3A : memref<!tpu.dma_semaphore, #tpu.memory_space<semaphore_mem>>) src(%dma_wait3A_23 : memref<624x128xf32, #tpu.memory_space<vmem_shared>>) dst(%dma_wait3A_21 : memref<624x128xf32, #tpu.memory_space<hbm>>)
      tpu.yield
    }) : () -> ()
    %eq3A_11 = arith.constant 0 : i32
    %eq3A_12 = arith.cmpi eq, %arg1, %eq3A_11 : i32
    %convert_element_type3A_13 = arith.extui %eq3A_12 : i1 to i32
    %cond3A_14 = arith.constant 0 : i32
    %cond3A_15 = arith.cmpi ne, %convert_element_type3A_13, %cond3A_14 : i32
    scf.if %cond3A_15 {
      "tpu.region"() ({
        %run_scoped3A = tpu.sem_alloc : memref<!tpu.dma_semaphore, #tpu.memory_space<semaphore_mem>>
        %dma_start3A = arith.constant 9984 : i32
        %dma_start3A_16 = arith.constant 0 : i32
        %dma_start3A_17 = tpu.memref_slice %arg6[%arg0, %dma_start3A, %dma_start3A_16] : memref<2x10000x128xf32, #tpu.memory_space<hbm>> -> memref<1x16x128xf32, #tpu.memory_space<hbm>>
        %dma_start3A_18 = tpu.memref_squeeze %dma_start3A_17 : memref<1x16x128xf32, #tpu.memory_space<hbm>> -> memref<16x128xf32, #tpu.memory_space<hbm>>
        %dma_start3A_19 = arith.constant 9984 : i32
        %dma_start3A_20 = arith.constant 0 : i32
        %dma_start3A_21 = tpu.memref_slice %arg10[%dma_start3A_19, %dma_start3A_20] : memref<10008x128xf32, #tpu.memory_space<vmem_shared>> -> memref<16x128xf32, #tpu.memory_space<vmem_shared>>
        tpu.enqueue_dma source(%dma_start3A_21 : memref<16x128xf32, #tpu.memory_space<vmem_shared>>) target(%dma_start3A_18 : memref<16x128xf32, #tpu.memory_space<hbm>>) target_semaphore(%run_scoped3A : memref<!tpu.dma_semaphore, #tpu.memory_space<semaphore_mem>>)
        %dma_wait3A = arith.constant 9984 : i32
        %dma_wait3A_22 = arith.constant 0 : i32
        %dma_wait3A_23 = tpu.memref_slice %arg6[%arg0, %dma_wait3A, %dma_wait3A_22] : memref<2x10000x128xf32, #tpu.memory_space<hbm>> -> memref<1x16x128xf32, #tpu.memory_space<hbm>>
        %dma_wait3A_24 = tpu.memref_squeeze %dma_wait3A_23 : memref<1x16x128xf32, #tpu.memory_space<hbm>> -> memref<16x128xf32, #tpu.memory_space<hbm>>
        %dma_wait3A_25 = arith.constant 9984 : i32
        %dma_wait3A_26 = arith.constant 0 : i32
        %dma_wait3A_27 = tpu.memref_slice %arg10[%dma_wait3A_25, %dma_wait3A_26] : memref<10008x128xf32, #tpu.memory_space<vmem_shared>> -> memref<16x128xf32, #tpu.memory_space<vmem_shared>>
        tpu.wait_dma2 semaphore(%run_scoped3A : memref<!tpu.dma_semaphore, #tpu.memory_space<semaphore_mem>>) src(%dma_wait3A_27 : memref<16x128xf32, #tpu.memory_space<vmem_shared>>) dst(%dma_wait3A_24 : memref<16x128xf32, #tpu.memory_space<hbm>>)
        tpu.yield
      }) : () -> ()
    } else {
    }
    return
  }
}

#map = affine_map<(d0, d1) -> (0, 0)>
#map1 = affine_map<(d0, d1) -> (0, 0, 0)>
module attributes {stable_mosaic.version = 14 : i64} {
  func.func @k(%arg0: i32, %arg1: i32, %arg2: memref<10000x128xf32, #tpu.memory_space<hbm>>, %arg3: memref<32x79x128xi32, #tpu.memory_space<hbm>>, %arg4: memref<32x79x128xi32, #tpu.memory_space<hbm>>, %arg5: memref<8x128xf32, #tpu.memory_space<hbm>>, %arg6: memref<2x10000x128xf32, #tpu.memory_space<hbm>>, %arg7: memref<79x128xi32, #tpu.memory_space<vmem>>, %arg8: memref<79x128xi32, #tpu.memory_space<vmem>>, %arg9: memref<128x128xf32, #tpu.memory_space<vmem>>, %arg10: memref<10008x128xf32, #tpu.memory_space<vmem_shared>>, %arg11: memref<!tpu.dma_semaphore, #tpu.memory_space<semaphore_mem>>) attributes {dimension_semantics = [#tpu.dimension_semantics<core_parallel>, #tpu.dimension_semantics<subcore_parallel>], iteration_bounds = array<i64: 2, 16>, scalar_prefetch = 0 : i64, scratch_operands = 5 : i64, tpu.core_type = #tpu.core_type<sc_vector_subcore>, window_params = [{transform_indices = #map}, {transform_indices = #map1}, {transform_indices = #map1}, {transform_indices = #map}, {transform_indices = #map1}]} {
    %mul3A = arith.constant 16 : i32
    %mul3A_0 = arith.muli %arg0, %mul3A : i32
    %add3A = arith.addi %mul3A_0, %arg1 : i32
    %mul3A_1 = arith.constant 624 : i32
    %mul3A_2 = arith.muli %arg1, %mul3A_1 : i32
    "tpu.region"() ({
      %run_scoped3A = tpu.sem_alloc : memref<!tpu.dma_semaphore, #tpu.memory_space<semaphore_mem>>
      %dma_start3A = arith.constant 0 : i32
      %dma_start3A_16 = tpu.memref_slice %arg10[%mul3A_2, %dma_start3A] : memref<10008x128xf32, #tpu.memory_space<vmem_shared>> -> memref<624x128xf32, #tpu.memory_space<vmem_shared>>
      %dma_start3A_17 = arith.constant 0 : i32
      %dma_start3A_18 = tpu.memref_slice %arg2[%mul3A_2, %dma_start3A_17] : memref<10000x128xf32, #tpu.memory_space<hbm>> -> memref<624x128xf32, #tpu.memory_space<hbm>>
      tpu.enqueue_dma source(%dma_start3A_18 : memref<624x128xf32, #tpu.memory_space<hbm>>) target(%dma_start3A_16 : memref<624x128xf32, #tpu.memory_space<vmem_shared>>) target_semaphore(%run_scoped3A : memref<!tpu.dma_semaphore, #tpu.memory_space<semaphore_mem>>)
      %dma_wait3A = arith.constant 0 : i32
      %dma_wait3A_19 = tpu.memref_slice %arg10[%mul3A_2, %dma_wait3A] : memref<10008x128xf32, #tpu.memory_space<vmem_shared>> -> memref<624x128xf32, #tpu.memory_space<vmem_shared>>
      %dma_wait3A_20 = arith.constant 0 : i32
      %dma_wait3A_21 = tpu.memref_slice %arg2[%mul3A_2, %dma_wait3A_20] : memref<10000x128xf32, #tpu.memory_space<hbm>> -> memref<624x128xf32, #tpu.memory_space<hbm>>
      tpu.wait_dma2 semaphore(%run_scoped3A : memref<!tpu.dma_semaphore, #tpu.memory_space<semaphore_mem>>) src(%dma_wait3A_21 : memref<624x128xf32, #tpu.memory_space<hbm>>) dst(%dma_wait3A_19 : memref<624x128xf32, #tpu.memory_space<vmem_shared>>)
      tpu.yield
    }) : () -> ()
    %eq3A = arith.constant 0 : i32
    %eq3A_3 = arith.cmpi eq, %arg1, %eq3A : i32
    %convert_element_type3A = arith.extui %eq3A_3 : i1 to i32
    %cond3A = arith.constant 0 : i32
    %cond3A_4 = arith.cmpi ne, %convert_element_type3A, %cond3A : i32
    scf.if %cond3A_4 {
      "tpu.region"() ({
        %run_scoped3A = tpu.sem_alloc : memref<!tpu.dma_semaphore, #tpu.memory_space<semaphore_mem>>
        %dma_start3A = arith.constant 9984 : i32
        %dma_start3A_16 = arith.constant 0 : i32
        %dma_start3A_17 = tpu.memref_slice %arg10[%dma_start3A, %dma_start3A_16] : memref<10008x128xf32, #tpu.memory_space<vmem_shared>> -> memref<16x128xf32, #tpu.memory_space<vmem_shared>>
        %dma_start3A_18 = arith.constant 9984 : i32
        %dma_start3A_19 = arith.constant 0 : i32
        %dma_start3A_20 = tpu.memref_slice %arg2[%dma_start3A_18, %dma_start3A_19] : memref<10000x128xf32, #tpu.memory_space<hbm>> -> memref<16x128xf32, #tpu.memory_space<hbm>>
        tpu.enqueue_dma source(%dma_start3A_20 : memref<16x128xf32, #tpu.memory_space<hbm>>) target(%dma_start3A_17 : memref<16x128xf32, #tpu.memory_space<vmem_shared>>) target_semaphore(%run_scoped3A : memref<!tpu.dma_semaphore, #tpu.memory_space<semaphore_mem>>)
        %dma_wait3A = arith.constant 9984 : i32
        %dma_wait3A_21 = arith.constant 0 : i32
        %dma_wait3A_22 = tpu.memref_slice %arg10[%dma_wait3A, %dma_wait3A_21] : memref<10008x128xf32, #tpu.memory_space<vmem_shared>> -> memref<16x128xf32, #tpu.memory_space<vmem_shared>>
        %dma_wait3A_23 = arith.constant 9984 : i32
        %dma_wait3A_24 = arith.constant 0 : i32
        %dma_wait3A_25 = tpu.memref_slice %arg2[%dma_wait3A_23, %dma_wait3A_24] : memref<10000x128xf32, #tpu.memory_space<hbm>> -> memref<16x128xf32, #tpu.memory_space<hbm>>
        tpu.wait_dma2 semaphore(%run_scoped3A : memref<!tpu.dma_semaphore, #tpu.memory_space<semaphore_mem>>) src(%dma_wait3A_25 : memref<16x128xf32, #tpu.memory_space<hbm>>) dst(%dma_wait3A_22 : memref<16x128xf32, #tpu.memory_space<vmem_shared>>)
        tpu.yield
      }) : () -> ()
      "tpu.region"() ({
        %run_scoped3A = tpu.sem_alloc : memref<!tpu.dma_semaphore, #tpu.memory_space<semaphore_mem>>
        %dma_start3A = arith.constant 10000 : i32
        %dma_start3A_16 = arith.constant 0 : i32
        %dma_start3A_17 = tpu.memref_slice %arg10[%dma_start3A, %dma_start3A_16] : memref<10008x128xf32, #tpu.memory_space<vmem_shared>> -> memref<8x128xf32, #tpu.memory_space<vmem_shared>>
        tpu.enqueue_dma source(%arg5 : memref<8x128xf32, #tpu.memory_space<hbm>>) target(%dma_start3A_17 : memref<8x128xf32, #tpu.memory_space<vmem_shared>>) target_semaphore(%run_scoped3A : memref<!tpu.dma_semaphore, #tpu.memory_space<semaphore_mem>>)
        %dma_wait3A = arith.constant 10000 : i32
        %dma_wait3A_18 = arith.constant 0 : i32
        %dma_wait3A_19 = tpu.memref_slice %arg10[%dma_wait3A, %dma_wait3A_18] : memref<10008x128xf32, #tpu.memory_space<vmem_shared>> -> memref<8x128xf32, #tpu.memory_space<vmem_shared>>
        tpu.wait_dma2 semaphore(%run_scoped3A : memref<!tpu.dma_semaphore, #tpu.memory_space<semaphore_mem>>) src(%arg5 : memref<8x128xf32, #tpu.memory_space<hbm>>) dst(%dma_wait3A_19 : memref<8x128xf32, #tpu.memory_space<vmem_shared>>)
        tpu.yield
      }) : () -> ()
    } else {
    }
    "tpu.region"() ({
      %run_scoped3A = tpu.sem_alloc : memref<!tpu.dma_semaphore, #tpu.memory_space<semaphore_mem>>
      %dma_start3A = arith.constant 0 : i32
      %dma_start3A_16 = arith.constant 0 : i32
      %dma_start3A_17 = tpu.memref_slice %arg3[%add3A, %dma_start3A, %dma_start3A_16] : memref<32x79x128xi32, #tpu.memory_space<hbm>> -> memref<1x79x128xi32, #tpu.memory_space<hbm>>
      %dma_start3A_18 = tpu.memref_squeeze %dma_start3A_17 : memref<1x79x128xi32, #tpu.memory_space<hbm>> -> memref<79x128xi32, #tpu.memory_space<hbm>>
      %dma_start3A_19 = arith.constant 0 : i32
      %dma_start3A_20 = arith.constant 0 : i32
      %dma_start3A_21 = tpu.memref_slice %arg3[%add3A, %dma_start3A_19, %dma_start3A_20] : memref<32x79x128xi32, #tpu.memory_space<hbm>> -> memref<1x79x128xi32, #tpu.memory_space<hbm>>
      %dma_start3A_22 = tpu.memref_squeeze %dma_start3A_21 : memref<1x79x128xi32, #tpu.memory_space<hbm>> -> memref<79x128xi32, #tpu.memory_space<hbm>>
      tpu.enqueue_dma source(%dma_start3A_22 : memref<79x128xi32, #tpu.memory_space<hbm>>) target(%arg7 : memref<79x128xi32, #tpu.memory_space<vmem>>) target_semaphore(%run_scoped3A : memref<!tpu.dma_semaphore, #tpu.memory_space<semaphore_mem>>)
      %dma_wait3A = arith.constant 0 : i32
      %dma_wait3A_23 = arith.constant 0 : i32
      %dma_wait3A_24 = tpu.memref_slice %arg3[%add3A, %dma_wait3A, %dma_wait3A_23] : memref<32x79x128xi32, #tpu.memory_space<hbm>> -> memref<1x79x128xi32, #tpu.memory_space<hbm>>
      %dma_wait3A_25 = tpu.memref_squeeze %dma_wait3A_24 : memref<1x79x128xi32, #tpu.memory_space<hbm>> -> memref<79x128xi32, #tpu.memory_space<hbm>>
      %dma_wait3A_26 = arith.constant 0 : i32
      %dma_wait3A_27 = arith.constant 0 : i32
      %dma_wait3A_28 = tpu.memref_slice %arg3[%add3A, %dma_wait3A_26, %dma_wait3A_27] : memref<32x79x128xi32, #tpu.memory_space<hbm>> -> memref<1x79x128xi32, #tpu.memory_space<hbm>>
      %dma_wait3A_29 = tpu.memref_squeeze %dma_wait3A_28 : memref<1x79x128xi32, #tpu.memory_space<hbm>> -> memref<79x128xi32, #tpu.memory_space<hbm>>
      tpu.wait_dma2 semaphore(%run_scoped3A : memref<!tpu.dma_semaphore, #tpu.memory_space<semaphore_mem>>) src(%dma_wait3A_29 : memref<79x128xi32, #tpu.memory_space<hbm>>) dst(%arg7 : memref<79x128xi32, #tpu.memory_space<vmem>>)
      tpu.yield
    }) : () -> ()
    "tpu.region"() ({
      %run_scoped3A = tpu.sem_alloc : memref<!tpu.dma_semaphore, #tpu.memory_space<semaphore_mem>>
      %dma_start3A = arith.constant 0 : i32
      %dma_start3A_16 = arith.constant 0 : i32
      %dma_start3A_17 = tpu.memref_slice %arg4[%add3A, %dma_start3A, %dma_start3A_16] : memref<32x79x128xi32, #tpu.memory_space<hbm>> -> memref<1x79x128xi32, #tpu.memory_space<hbm>>
      %dma_start3A_18 = tpu.memref_squeeze %dma_start3A_17 : memref<1x79x128xi32, #tpu.memory_space<hbm>> -> memref<79x128xi32, #tpu.memory_space<hbm>>
      %dma_start3A_19 = arith.constant 0 : i32
      %dma_start3A_20 = arith.constant 0 : i32
      %dma_start3A_21 = tpu.memref_slice %arg4[%add3A, %dma_start3A_19, %dma_start3A_20] : memref<32x79x128xi32, #tpu.memory_space<hbm>> -> memref<1x79x128xi32, #tpu.memory_space<hbm>>
      %dma_start3A_22 = tpu.memref_squeeze %dma_start3A_21 : memref<1x79x128xi32, #tpu.memory_space<hbm>> -> memref<79x128xi32, #tpu.memory_space<hbm>>
      tpu.enqueue_dma source(%dma_start3A_22 : memref<79x128xi32, #tpu.memory_space<hbm>>) target(%arg8 : memref<79x128xi32, #tpu.memory_space<vmem>>) target_semaphore(%run_scoped3A : memref<!tpu.dma_semaphore, #tpu.memory_space<semaphore_mem>>)
      %dma_wait3A = arith.constant 0 : i32
      %dma_wait3A_23 = arith.constant 0 : i32
      %dma_wait3A_24 = tpu.memref_slice %arg4[%add3A, %dma_wait3A, %dma_wait3A_23] : memref<32x79x128xi32, #tpu.memory_space<hbm>> -> memref<1x79x128xi32, #tpu.memory_space<hbm>>
      %dma_wait3A_25 = tpu.memref_squeeze %dma_wait3A_24 : memref<1x79x128xi32, #tpu.memory_space<hbm>> -> memref<79x128xi32, #tpu.memory_space<hbm>>
      %dma_wait3A_26 = arith.constant 0 : i32
      %dma_wait3A_27 = arith.constant 0 : i32
      %dma_wait3A_28 = tpu.memref_slice %arg4[%add3A, %dma_wait3A_26, %dma_wait3A_27] : memref<32x79x128xi32, #tpu.memory_space<hbm>> -> memref<1x79x128xi32, #tpu.memory_space<hbm>>
      %dma_wait3A_29 = tpu.memref_squeeze %dma_wait3A_28 : memref<1x79x128xi32, #tpu.memory_space<hbm>> -> memref<79x128xi32, #tpu.memory_space<hbm>>
      tpu.wait_dma2 semaphore(%run_scoped3A : memref<!tpu.dma_semaphore, #tpu.memory_space<semaphore_mem>>) src(%dma_wait3A_29 : memref<79x128xi32, #tpu.memory_space<hbm>>) dst(%arg8 : memref<79x128xi32, #tpu.memory_space<vmem>>)
      tpu.yield
    }) : () -> ()
    %barrier3A = arith.constant 0 : index
    tpu.barrier barrier_id(%barrier3A)
    %scan3A = arith.constant 0 : i32
    %scan3A_5 = arith.constant 0 : i32
    %scan3A_6 = arith.constant 79 : i32
    %scan3A_7 = arith.addi %scan3A_5, %scan3A_6 : i32
    %scan3A_8 = arith.constant 1 : i32
    scf.for %scan3A_16 = %scan3A_5 to %scan3A_7 step %scan3A_8  : i32 {
      %dma_start3A = arith.constant 0 : i32
      %dma_start3A_17 = tpu.memref_slice %arg7[%scan3A_16, %dma_start3A] : memref<79x128xi32, #tpu.memory_space<vmem>> -> memref<1x128xi32, #tpu.memory_space<vmem>>
      %dma_start3A_18 = tpu.memref_squeeze %dma_start3A_17 : memref<1x128xi32, #tpu.memory_space<vmem>> -> memref<128xi32, #tpu.memory_space<vmem>>
      %dma_start3A_19 = arith.constant 0 : i32
      %dma_start3A_20 = arith.constant 0 : i32
      %dma_start3A_21 = tpu.memref_slice %arg2[%dma_start3A_19, %dma_start3A_20] : memref<10000x128xf32, #tpu.memory_space<hbm>> -> memref<10000x128xf32, #tpu.memory_space<hbm>>
      tpu.enqueue_indirect_dma source(%dma_start3A_21 : memref<10000x128xf32, #tpu.memory_space<hbm>>) target(%arg9 : memref<128x128xf32, #tpu.memory_space<vmem>>) offsets(%dma_start3A_18 : memref<128xi32, #tpu.memory_space<vmem>>) semaphore(%arg11 : memref<!tpu.dma_semaphore, #tpu.memory_space<semaphore_mem>>)
      %dma_wait3A = arith.constant 0 : i32
      %dma_wait3A_22 = tpu.memref_slice %arg7[%scan3A_16, %dma_wait3A] : memref<79x128xi32, #tpu.memory_space<vmem>> -> memref<1x128xi32, #tpu.memory_space<vmem>>
      %dma_wait3A_23 = tpu.memref_squeeze %dma_wait3A_22 : memref<1x128xi32, #tpu.memory_space<vmem>> -> memref<128xi32, #tpu.memory_space<vmem>>
      %dma_wait3A_24 = arith.constant 0 : i32
      %dma_wait3A_25 = arith.constant 0 : i32
      %dma_wait3A_26 = tpu.memref_slice %arg2[%dma_wait3A_24, %dma_wait3A_25] : memref<10000x128xf32, #tpu.memory_space<hbm>> -> memref<10000x128xf32, #tpu.memory_space<hbm>>
      tpu.wait_indirect_dma semaphore(%arg11 : memref<!tpu.dma_semaphore, #tpu.memory_space<semaphore_mem>>) src(%dma_wait3A_26 : memref<10000x128xf32, #tpu.memory_space<hbm>>) dst(%arg9 : memref<128x128xf32, #tpu.memory_space<vmem>>)
      "tpu.region"() ({
        %run_scoped3A = tpu.sem_alloc : memref<!tpu.dma_semaphore, #tpu.memory_space<semaphore_mem>>
        %dma_start3A_27 = arith.constant 0 : i32
        %dma_start3A_28 = tpu.memref_slice %arg8[%scan3A_16, %dma_start3A_27] : memref<79x128xi32, #tpu.memory_space<vmem>> -> memref<1x128xi32, #tpu.memory_space<vmem>>
        %dma_start3A_29 = tpu.memref_squeeze %dma_start3A_28 : memref<1x128xi32, #tpu.memory_space<vmem>> -> memref<128xi32, #tpu.memory_space<vmem>>
        %dma_start3A_30 = arith.constant 0 : i32
        %dma_start3A_31 = arith.constant 0 : i32
        %dma_start3A_32 = tpu.memref_slice %arg10[%dma_start3A_30, %dma_start3A_31] : memref<10008x128xf32, #tpu.memory_space<vmem_shared>> -> memref<10008x128xf32, #tpu.memory_space<vmem_shared>>
        tpu.enqueue_indirect_dma source(%arg9 : memref<128x128xf32, #tpu.memory_space<vmem>>) target(%dma_start3A_32 : memref<10008x128xf32, #tpu.memory_space<vmem_shared>>) offsets(%dma_start3A_29 : memref<128xi32, #tpu.memory_space<vmem>>) semaphore(%run_scoped3A : memref<!tpu.dma_semaphore, #tpu.memory_space<semaphore_mem>>) {add = true}
        %dma_wait3A_33 = arith.constant 0 : i32
        %dma_wait3A_34 = tpu.memref_slice %arg8[%scan3A_16, %dma_wait3A_33] : memref<79x128xi32, #tpu.memory_space<vmem>> -> memref<1x128xi32, #tpu.memory_space<vmem>>
        %dma_wait3A_35 = tpu.memref_squeeze %dma_wait3A_34 : memref<1x128xi32, #tpu.memory_space<vmem>> -> memref<128xi32, #tpu.memory_space<vmem>>
        %dma_wait3A_36 = arith.constant 0 : i32
        %dma_wait3A_37 = arith.constant 0 : i32
        %dma_wait3A_38 = tpu.memref_slice %arg10[%dma_wait3A_36, %dma_wait3A_37] : memref<10008x128xf32, #tpu.memory_space<vmem_shared>> -> memref<10008x128xf32, #tpu.memory_space<vmem_shared>>
        tpu.wait_indirect_dma semaphore(%run_scoped3A : memref<!tpu.dma_semaphore, #tpu.memory_space<semaphore_mem>>) src(%arg9 : memref<128x128xf32, #tpu.memory_space<vmem>>) dst(%dma_wait3A_38 : memref<10008x128xf32, #tpu.memory_space<vmem_shared>>)
        tpu.yield
      }) : () -> ()
    }
    %scan3A_9 = arith.constant 79 : i32
    %barrier3A_10 = arith.constant 0 : index
    tpu.barrier barrier_id(%barrier3A_10)
    "tpu.region"() ({
      %run_scoped3A = tpu.sem_alloc : memref<!tpu.dma_semaphore, #tpu.memory_space<semaphore_mem>>
      %dma_start3A = arith.constant 0 : i32
      %dma_start3A_16 = tpu.memref_slice %arg6[%arg0, %mul3A_2, %dma_start3A] : memref<2x10000x128xf32, #tpu.memory_space<hbm>> -> memref<1x624x128xf32, #tpu.memory_space<hbm>>
      %dma_start3A_17 = tpu.memref_squeeze %dma_start3A_16 : memref<1x624x128xf32, #tpu.memory_space<hbm>> -> memref<624x128xf32, #tpu.memory_space<hbm>>
      %dma_start3A_18 = arith.constant 0 : i32
      %dma_start3A_19 = tpu.memref_slice %arg10[%mul3A_2, %dma_start3A_18] : memref<10008x128xf32, #tpu.memory_space<vmem_shared>> -> memref<624x128xf32, #tpu.memory_space<vmem_shared>>
      tpu.enqueue_dma source(%dma_start3A_19 : memref<624x128xf32, #tpu.memory_space<vmem_shared>>) target(%dma_start3A_17 : memref<624x128xf32, #tpu.memory_space<hbm>>) target_semaphore(%run_scoped3A : memref<!tpu.dma_semaphore, #tpu.memory_space<semaphore_mem>>)
      %dma_wait3A = arith.constant 0 : i32
      %dma_wait3A_20 = tpu.memref_slice %arg6[%arg0, %mul3A_2, %dma_wait3A] : memref<2x10000x128xf32, #tpu.memory_space<hbm>> -> memref<1x624x128xf32, #tpu.memory_space<hbm>>
      %dma_wait3A_21 = tpu.memref_squeeze %dma_wait3A_20 : memref<1x624x128xf32, #tpu.memory_space<hbm>> -> memref<624x128xf32, #tpu.memory_space<hbm>>
      %dma_wait3A_22 = arith.constant 0 : i32
      %dma_wait3A_23 = tpu.memref_slice %arg10[%mul3A_2, %dma_wait3A_22] : memref<10008x128xf32, #tpu.memory_space<vmem_shared>> -> memref<624x128xf32, #tpu.memory_space<vmem_shared>>
      tpu.wait_dma2 semaphore(%run_scoped3A : memref<!tpu.dma_semaphore, #tpu.memory_space<semaphore_mem>>) src(%dma_wait3A_23 : memref<624x128xf32, #tpu.memory_space<vmem_shared>>) dst(%dma_wait3A_21 : memref<624x128xf32, #tpu.memory_space<hbm>>)
      tpu.yield
    }) : () -> ()
    %eq3A_11 = arith.constant 0 : i32
    %eq3A_12 = arith.cmpi eq, %arg1, %eq3A_11 : i32
    %convert_element_type3A_13 = arith.extui %eq3A_12 : i1 to i32
    %cond3A_14 = arith.constant 0 : i32
    %cond3A_15 = arith.cmpi ne, %convert_element_type3A_13, %cond3A_14 : i32
    scf.if %cond3A_15 {
      "tpu.region"() ({
        %run_scoped3A = tpu.sem_alloc : memref<!tpu.dma_semaphore, #tpu.memory_space<semaphore_mem>>
        %dma_start3A = arith.constant 9984 : i32
        %dma_start3A_16 = arith.constant 0 : i32
        %dma_start3A_17 = tpu.memref_slice %arg6[%arg0, %dma_start3A, %dma_start3A_16] : memref<2x10000x128xf32, #tpu.memory_space<hbm>> -> memref<1x16x128xf32, #tpu.memory_space<hbm>>
        %dma_start3A_18 = tpu.memref_squeeze %dma_start3A_17 : memref<1x16x128xf32, #tpu.memory_space<hbm>> -> memref<16x128xf32, #tpu.memory_space<hbm>>
        %dma_start3A_19 = arith.constant 9984 : i32
        %dma_start3A_20 = arith.constant 0 : i32
        %dma_start3A_21 = tpu.memref_slice %arg10[%dma_start3A_19, %dma_start3A_20] : memref<10008x128xf32, #tpu.memory_space<vmem_shared>> -> memref<16x128xf32, #tpu.memory_space<vmem_shared>>
        tpu.enqueue_dma source(%dma_start3A_21 : memref<16x128xf32, #tpu.memory_space<vmem_shared>>) target(%dma_start3A_18 : memref<16x128xf32, #tpu.memory_space<hbm>>) target_semaphore(%run_scoped3A : memref<!tpu.dma_semaphore, #tpu.memory_space<semaphore_mem>>)
        %dma_wait3A = arith.constant 9984 : i32
        %dma_wait3A_22 = arith.constant 0 : i32
        %dma_wait3A_23 = tpu.memref_slice %arg6[%arg0, %dma_wait3A, %dma_wait3A_22] : memref<2x10000x128xf32, #tpu.memory_space<hbm>> -> memref<1x16x128xf32, #tpu.memory_space<hbm>>
        %dma_wait3A_24 = tpu.memref_squeeze %dma_wait3A_23 : memref<1x16x128xf32, #tpu.memory_space<hbm>> -> memref<16x128xf32, #tpu.memory_space<hbm>>
        %dma_wait3A_25 = arith.constant 9984 : i32
        %dma_wait3A_26 = arith.constant 0 : i32
        %dma_wait3A_27 = tpu.memref_slice %arg10[%dma_wait3A_25, %dma_wait3A_26] : memref<10008x128xf32, #tpu.memory_space<vmem_shared>> -> memref<16x128xf32, #tpu.memory_space<vmem_shared>>
        tpu.wait_dma2 semaphore(%run_scoped3A : memref<!tpu.dma_semaphore, #tpu.memory_space<semaphore_mem>>) src(%dma_wait3A_27 : memref<16x128xf32, #tpu.memory_space<vmem_shared>>) dst(%dma_wait3A_24 : memref<16x128xf32, #tpu.memory_space<hbm>>)
        tpu.yield
      }) : () -> ()
    } else {
    }
    return
  }
}

module attributes {stable_mosaic.version = 14 : i64} {
  func.func @body(%arg0: i32, %arg1: memref<2000x128xf32, #tpu.memory_space<vmem>>, %arg2: memref<128x128xf32, #tpu.memory_space<vmem>>, %arg3: memref<1x128xf32, #tpu.memory_space<vmem>>, %arg4: memref<1x128xf32, #tpu.memory_space<vmem>>, %arg5: memref<1x128xf32, #tpu.memory_space<vmem>>, %arg6: memref<2000x128xf32, #tpu.memory_space<vmem>>) attributes {dimension_semantics = [#tpu.dimension_semantics<arbitrary>], iteration_bounds = array<i64: 5>, scalar_prefetch = 0 : i64, scratch_operands = 0 : i64, tpu.core_type = #tpu.core_type<tc>, window_params = [{transform_indices = @transform_0, window_bounds = array<i64: 2000, 128>}, {pipeline_mode = #tpu.pipeline_mode<synchronous>, transform_indices = @transform_1, window_bounds = array<i64: 128, 128>}, {pipeline_mode = #tpu.pipeline_mode<synchronous>, transform_indices = @transform_2, window_bounds = array<i64: 1, 128>}, {pipeline_mode = #tpu.pipeline_mode<synchronous>, transform_indices = @transform_3, window_bounds = array<i64: 1, 128>}, {pipeline_mode = #tpu.pipeline_mode<synchronous>, transform_indices = @transform_4, window_bounds = array<i64: 1, 128>}, {transform_indices = @transform_5, window_bounds = array<i64: 2000, 128>}]} {
    %get3A = arith.constant 0 : index
    %get3A_0 = arith.constant 0 : index
    %get3A_1 = vector.load %arg1[%get3A, %get3A_0] : memref<2000x128xf32, #tpu.memory_space<vmem>>, vector<2000x128xf32>
    %get3A_2 = arith.constant 0 : index
    %get3A_3 = arith.constant 0 : index
    %get3A_4 = vector.load %arg2[%get3A_2, %get3A_3] : memref<128x128xf32, #tpu.memory_space<vmem>>, vector<128x128xf32>
    %dot_general3A = arith.constant dense<0.000000e+00> : vector<2000x128xf32>
    %dot_general3A_5 = tpu.matmul %get3A_1, %get3A_4, %dot_general3A {dimension_numbers = #tpu.dot_dimension_numbers<[1], [0], [0], [1], [0, 0, 1, 1], [], []>, transpose_lhs_hint = false} : vector<2000x128xf32>, vector<128x128xf32>, vector<2000x128xf32> -> vector<2000x128xf32>
    %get3A_6 = arith.constant 0 : index
    %get3A_7 = arith.constant 0 : index
    %get3A_8 = vector.load %arg3[%get3A_6, %get3A_7] : memref<1x128xf32, #tpu.memory_space<vmem>>, vector<1x128xf32>
    %add3A = vector.broadcast %get3A_8 : vector<1x128xf32> to vector<2000x128xf32>
    %add3A_9 = arith.addf %dot_general3A_5, %add3A : vector<2000x128xf32>
    %get3A_10 = arith.constant 0 : index
    %get3A_11 = arith.constant 0 : index
    %get3A_12 = vector.load %arg4[%get3A_10, %get3A_11] : memref<1x128xf32, #tpu.memory_space<vmem>>, vector<1x128xf32>
    %mul3A = arith.constant 0.999994993 : f32
    %mul3A_13 = vector.broadcast %mul3A : f32 to vector<1x128xf32>
    %mul3A_14 = arith.mulf %get3A_12, %mul3A_13 : vector<1x128xf32>
    %mul3A_15 = vector.broadcast %mul3A_14 : vector<1x128xf32> to vector<2000x128xf32>
    %mul3A_16 = arith.mulf %mul3A_15, %add3A_9 : vector<2000x128xf32>
    %get3A_17 = arith.constant 0 : index
    %get3A_18 = arith.constant 0 : index
    %get3A_19 = vector.load %arg5[%get3A_17, %get3A_18] : memref<1x128xf32, #tpu.memory_space<vmem>>, vector<1x128xf32>
    %add3A_20 = vector.broadcast %get3A_19 : vector<1x128xf32> to vector<2000x128xf32>
    %add3A_21 = arith.addf %mul3A_16, %add3A_20 : vector<2000x128xf32>
    %max3A = arith.constant 0.000000e+00 : f32
    %max3A_22 = vector.broadcast %max3A : f32 to vector<2000x128xf32>
    %max3A_23 = arith.maximumf %add3A_21, %max3A_22 : vector<2000x128xf32>
    %swap3A = arith.constant 0 : index
    %swap3A_24 = arith.constant 0 : index
    %swap3A_25 = vector.load %arg6[%swap3A, %swap3A_24] : memref<2000x128xf32, #tpu.memory_space<vmem>>, vector<2000x128xf32>
    tpu.vector_store %arg6[%swap3A, %swap3A_24], %max3A_23 {strides = array<i32>} : memref<2000x128xf32, #tpu.memory_space<vmem>>, vector<2000x128xf32>,
    return
  }
  func.func @transform_0(%arg0: i32) -> (i32, i32) {
    %c0_i32 = arith.constant 0 : i32
    %c0_i32_0 = arith.constant 0 : i32
    return %arg0, %c0_i32 : i32, i32
  }
  func.func @transform_1(%arg0: i32) -> (i32, i32) {
    %c0_i32 = arith.constant 0 : i32
    %c0_i32_0 = arith.constant 0 : i32
    %c0_i32_1 = arith.constant 0 : i32
    return %c0_i32, %c0_i32_0 : i32, i32
  }
  func.func @transform_2(%arg0: i32) -> (i32, i32) {
    %c0_i32 = arith.constant 0 : i32
    %c0_i32_0 = arith.constant 0 : i32
    %c0_i32_1 = arith.constant 0 : i32
    return %c0_i32, %c0_i32_0 : i32, i32
  }
  func.func @transform_3(%arg0: i32) -> (i32, i32) {
    %c0_i32 = arith.constant 0 : i32
    %c0_i32_0 = arith.constant 0 : i32
    %c0_i32_1 = arith.constant 0 : i32
    return %c0_i32, %c0_i32_0 : i32, i32
  }
  func.func @transform_4(%arg0: i32) -> (i32, i32) {
    %c0_i32 = arith.constant 0 : i32
    %c0_i32_0 = arith.constant 0 : i32
    %c0_i32_1 = arith.constant 0 : i32
    return %c0_i32, %c0_i32_0 : i32, i32
  }
  func.func @transform_5(%arg0: i32) -> (i32, i32) {
    %c0_i32 = arith.constant 0 : i32
    %c0_i32_0 = arith.constant 0 : i32
    return %arg0, %c0_i32 : i32, i32
  }
}

module attributes {stable_mosaic.version = 14 : i64} {
  func.func @body(%arg0: i32, %arg1: memref<2000x128xf32, #tpu.memory_space<vmem>>, %arg2: memref<2000x128xf32, #tpu.memory_space<vmem>>, %arg3: memref<2000x128xf32, #tpu.memory_space<vmem>>, %arg4: memref<128x128xf32, #tpu.memory_space<vmem>>, %arg5: memref<2000x128xf32, #tpu.memory_space<vmem>>, %arg6: memref<2000x1xf32, #tpu.memory_space<vmem>>) attributes {dimension_semantics = [#tpu.dimension_semantics<arbitrary>], iteration_bounds = array<i64: 5>, scalar_prefetch = 0 : i64, scratch_operands = 0 : i64, tpu.core_type = #tpu.core_type<tc>, window_params = [{transform_indices = @transform_0, window_bounds = array<i64: 2000, 128>}, {transform_indices = @transform_1, window_bounds = array<i64: 2000, 128>}, {transform_indices = @transform_2, window_bounds = array<i64: 2000, 128>}, {pipeline_mode = #tpu.pipeline_mode<synchronous>, transform_indices = @transform_3, window_bounds = array<i64: 128, 128>}, {transform_indices = @transform_4, window_bounds = array<i64: 2000, 128>}, {transform_indices = @transform_5, window_bounds = array<i64: 2000, 1>}]} {
    %get3A = arith.constant 0 : index
    %get3A_0 = arith.constant 0 : index
    %get3A_1 = vector.load %arg2[%get3A, %get3A_0] : memref<2000x128xf32, #tpu.memory_space<vmem>>, vector<2000x1xf32>
    %get3A_2 = arith.constant 0 : index
    %get3A_3 = arith.constant 0 : index
    %get3A_4 = vector.load %arg3[%get3A_2, %get3A_3] : memref<2000x128xf32, #tpu.memory_space<vmem>>, vector<2000x1xf32>
    %add3A = arith.addf %get3A_1, %get3A_4 : vector<2000x1xf32>
    %add3A_5 = arith.constant 1.000000e+00 : f32
    %add3A_6 = vector.broadcast %add3A_5 : f32 to vector<2000x1xf32>
    %add3A_7 = arith.addf %add3A, %add3A_6 : vector<2000x1xf32>
    %rsqrt3A = math.rsqrt %add3A_7 : vector<2000x1xf32>
    %get3A_8 = arith.constant 0 : index
    %get3A_9 = arith.constant 0 : index
    %get3A_10 = vector.load %arg1[%get3A_8, %get3A_9] : memref<2000x128xf32, #tpu.memory_space<vmem>>, vector<2000x128xf32>
    %mul3A = vector.broadcast %rsqrt3A : vector<2000x1xf32> to vector<2000x128xf32>
    %mul3A_11 = arith.mulf %mul3A, %get3A_10 : vector<2000x128xf32>
    %get3A_12 = arith.constant 0 : index
    %get3A_13 = arith.constant 0 : index
    %get3A_14 = vector.load %arg4[%get3A_12, %get3A_13] : memref<128x128xf32, #tpu.memory_space<vmem>>, vector<128x128xf32>
    %dot_general3A = arith.constant dense<0.000000e+00> : vector<2000x128xf32>
    %dot_general3A_15 = tpu.matmul %mul3A_11, %get3A_14, %dot_general3A {dimension_numbers = #tpu.dot_dimension_numbers<[1], [0], [0], [1], [0, 0, 1, 1], [], []>, transpose_lhs_hint = false} : vector<2000x128xf32>, vector<128x128xf32>, vector<2000x128xf32> -> vector<2000x128xf32>
    %swap3A = arith.constant 0 : index
    %swap3A_16 = arith.constant 0 : index
    %swap3A_17 = vector.load %arg5[%swap3A, %swap3A_16] : memref<2000x128xf32, #tpu.memory_space<vmem>>, vector<2000x128xf32>
    tpu.vector_store %arg5[%swap3A, %swap3A_16], %dot_general3A_15 {strides = array<i32>} : memref<2000x128xf32, #tpu.memory_space<vmem>>, vector<2000x128xf32>,
    %swap3A_18 = arith.constant 0 : index
    %swap3A_19 = arith.constant 0 : index
    %swap3A_20 = vector.load %arg6[%swap3A_18, %swap3A_19] : memref<2000x1xf32, #tpu.memory_space<vmem>>, vector<2000x1xf32>
    tpu.vector_store %arg6[%swap3A_18, %swap3A_19], %rsqrt3A {strides = array<i32>} : memref<2000x1xf32, #tpu.memory_space<vmem>>, vector<2000x1xf32>,
    return
  }
  func.func @transform_0(%arg0: i32) -> (i32, i32) {
    %c0_i32 = arith.constant 0 : i32
    %c0_i32_0 = arith.constant 0 : i32
    return %arg0, %c0_i32 : i32, i32
  }
  func.func @transform_1(%arg0: i32) -> (i32, i32) {
    %c0_i32 = arith.constant 0 : i32
    %c0_i32_0 = arith.constant 0 : i32
    return %arg0, %c0_i32 : i32, i32
  }
  func.func @transform_2(%arg0: i32) -> (i32, i32) {
    %c0_i32 = arith.constant 0 : i32
    %c0_i32_0 = arith.constant 0 : i32
    return %arg0, %c0_i32 : i32, i32
  }
  func.func @transform_3(%arg0: i32) -> (i32, i32) {
    %c0_i32 = arith.constant 0 : i32
    %c0_i32_0 = arith.constant 0 : i32
    %c0_i32_1 = arith.constant 0 : i32
    return %c0_i32, %c0_i32_0 : i32, i32
  }
  func.func @transform_4(%arg0: i32) -> (i32, i32) {
    %c0_i32 = arith.constant 0 : i32
    %c0_i32_0 = arith.constant 0 : i32
    return %arg0, %c0_i32 : i32, i32
  }
  func.func @transform_5(%arg0: i32) -> (i32, i32) {
    %c0_i32 = arith.constant 0 : i32
    %c0_i32_0 = arith.constant 0 : i32
    return %arg0, %c0_i32 : i32, i32
  }
}

module attributes {stable_mosaic.version = 14 : i64} {
  func.func @body(%arg0: i32, %arg1: memref<2000x128xf32, #tpu.memory_space<vmem>>, %arg2: memref<2000x128xf32, #tpu.memory_space<vmem>>, %arg3: memref<2000x128xf32, #tpu.memory_space<vmem>>, %arg4: memref<2000x1xf32, #tpu.memory_space<vmem>>, %arg5: memref<1x128xf32, #tpu.memory_space<vmem>>, %arg6: memref<1x128xf32, #tpu.memory_space<vmem>>, %arg7: memref<1x128xf32, #tpu.memory_space<vmem>>, %arg8: memref<128x128xf32, #tpu.memory_space<vmem>>, %arg9: memref<2000x128xf32, #tpu.memory_space<vmem>>) attributes {dimension_semantics = [#tpu.dimension_semantics<arbitrary>], iteration_bounds = array<i64: 5>, scalar_prefetch = 0 : i64, scratch_operands = 0 : i64, tpu.core_type = #tpu.core_type<tc>, window_params = [{transform_indices = @transform_0, window_bounds = array<i64: 2000, 128>}, {transform_indices = @transform_1, window_bounds = array<i64: 2000, 128>}, {transform_indices = @transform_2, window_bounds = array<i64: 2000, 128>}, {transform_indices = @transform_3, window_bounds = array<i64: 2000, 1>}, {pipeline_mode = #tpu.pipeline_mode<synchronous>, transform_indices = @transform_4, window_bounds = array<i64: 1, 128>}, {pipeline_mode = #tpu.pipeline_mode<synchronous>, transform_indices = @transform_5, window_bounds = array<i64: 1, 128>}, {pipeline_mode = #tpu.pipeline_mode<synchronous>, transform_indices = @transform_6, window_bounds = array<i64: 1, 128>}, {pipeline_mode = #tpu.pipeline_mode<synchronous>, transform_indices = @transform_7, window_bounds = array<i64: 128, 128>}, {transform_indices = @transform_8, window_bounds = array<i64: 2000, 128>}]} {
    %get3A = arith.constant 0 : index
    %get3A_0 = arith.constant 0 : index
    %get3A_1 = vector.load %arg4[%get3A, %get3A_0] : memref<2000x1xf32, #tpu.memory_space<vmem>>, vector<2000x1xf32>
    %get3A_2 = arith.constant 0 : index
    %get3A_3 = arith.constant 0 : index
    %get3A_4 = vector.load %arg1[%get3A_2, %get3A_3] : memref<2000x128xf32, #tpu.memory_space<vmem>>, vector<2000x128xf32>
    %get3A_5 = arith.constant 0 : index
    %get3A_6 = arith.constant 0 : index
    %get3A_7 = vector.load %arg2[%get3A_5, %get3A_6] : memref<2000x128xf32, #tpu.memory_space<vmem>>, vector<2000x128xf32>
    %add3A = arith.addf %get3A_4, %get3A_7 : vector<2000x128xf32>
    %get3A_8 = arith.constant 0 : index
    %get3A_9 = arith.constant 0 : index
    %get3A_10 = vector.load %arg3[%get3A_8, %get3A_9] : memref<2000x128xf32, #tpu.memory_space<vmem>>, vector<2000x128xf32>
    %sub3A = arith.subf %add3A, %get3A_10 : vector<2000x128xf32>
    %mul3A = vector.broadcast %get3A_1 : vector<2000x1xf32> to vector<2000x128xf32>
    %mul3A_11 = arith.mulf %mul3A, %sub3A : vector<2000x128xf32>
    %get3A_12 = arith.constant 0 : index
    %get3A_13 = arith.constant 0 : index
    %get3A_14 = vector.load %arg5[%get3A_12, %get3A_13] : memref<1x128xf32, #tpu.memory_space<vmem>>, vector<1x128xf32>
    %add3A_15 = vector.broadcast %get3A_14 : vector<1x128xf32> to vector<2000x128xf32>
    %add3A_16 = arith.addf %mul3A_11, %add3A_15 : vector<2000x128xf32>
    %get3A_17 = arith.constant 0 : index
    %get3A_18 = arith.constant 0 : index
    %get3A_19 = vector.load %arg6[%get3A_17, %get3A_18] : memref<1x128xf32, #tpu.memory_space<vmem>>, vector<1x128xf32>
    %mul3A_20 = arith.constant 0.999994993 : f32
    %mul3A_21 = vector.broadcast %mul3A_20 : f32 to vector<1x128xf32>
    %mul3A_22 = arith.mulf %get3A_19, %mul3A_21 : vector<1x128xf32>
    %mul3A_23 = vector.broadcast %mul3A_22 : vector<1x128xf32> to vector<2000x128xf32>
    %mul3A_24 = arith.mulf %mul3A_23, %add3A_16 : vector<2000x128xf32>
    %get3A_25 = arith.constant 0 : index
    %get3A_26 = arith.constant 0 : index
    %get3A_27 = vector.load %arg7[%get3A_25, %get3A_26] : memref<1x128xf32, #tpu.memory_space<vmem>>, vector<1x128xf32>
    %add3A_28 = vector.broadcast %get3A_27 : vector<1x128xf32> to vector<2000x128xf32>
    %add3A_29 = arith.addf %mul3A_24, %add3A_28 : vector<2000x128xf32>
    %max3A = arith.constant 0.000000e+00 : f32
    %max3A_30 = vector.broadcast %max3A : f32 to vector<2000x128xf32>
    %max3A_31 = arith.maximumf %add3A_29, %max3A_30 : vector<2000x128xf32>
    %mul3A_32 = vector.broadcast %get3A_1 : vector<2000x1xf32> to vector<2000x128xf32>
    %mul3A_33 = arith.mulf %mul3A_32, %max3A_31 : vector<2000x128xf32>
    %get3A_34 = arith.constant 0 : index
    %get3A_35 = arith.constant 0 : index
    %get3A_36 = vector.load %arg8[%get3A_34, %get3A_35] : memref<128x128xf32, #tpu.memory_space<vmem>>, vector<128x128xf32>
    %dot_general3A = arith.constant dense<0.000000e+00> : vector<2000x128xf32>
    %dot_general3A_37 = tpu.matmul %mul3A_33, %get3A_36, %dot_general3A {dimension_numbers = #tpu.dot_dimension_numbers<[1], [0], [0], [1], [0, 0, 1, 1], [], []>, transpose_lhs_hint = false} : vector<2000x128xf32>, vector<128x128xf32>, vector<2000x128xf32> -> vector<2000x128xf32>
    %swap3A = arith.constant 0 : index
    %swap3A_38 = arith.constant 0 : index
    %swap3A_39 = vector.load %arg9[%swap3A, %swap3A_38] : memref<2000x128xf32, #tpu.memory_space<vmem>>, vector<2000x128xf32>
    tpu.vector_store %arg9[%swap3A, %swap3A_38], %dot_general3A_37 {strides = array<i32>} : memref<2000x128xf32, #tpu.memory_space<vmem>>, vector<2000x128xf32>,
    return
  }
  func.func @transform_0(%arg0: i32) -> (i32, i32) {
    %c0_i32 = arith.constant 0 : i32
    %c0_i32_0 = arith.constant 0 : i32
    return %arg0, %c0_i32 : i32, i32
  }
  func.func @transform_1(%arg0: i32) -> (i32, i32) {
    %c0_i32 = arith.constant 0 : i32
    %c0_i32_0 = arith.constant 0 : i32
    return %arg0, %c0_i32 : i32, i32
  }
  func.func @transform_2(%arg0: i32) -> (i32, i32) {
    %c0_i32 = arith.constant 0 : i32
    %c0_i32_0 = arith.constant 0 : i32
    return %arg0, %c0_i32 : i32, i32
  }
  func.func @transform_3(%arg0: i32) -> (i32, i32) {
    %c0_i32 = arith.constant 0 : i32
    %c0_i32_0 = arith.constant 0 : i32
    return %arg0, %c0_i32 : i32, i32
  }
  func.func @transform_4(%arg0: i32) -> (i32, i32) {
    %c0_i32 = arith.constant 0 : i32
    %c0_i32_0 = arith.constant 0 : i32
    %c0_i32_1 = arith.constant 0 : i32
    return %c0_i32, %c0_i32_0 : i32, i32
  }
  func.func @transform_5(%arg0: i32) -> (i32, i32) {
    %c0_i32 = arith.constant 0 : i32
    %c0_i32_0 = arith.constant 0 : i32
    %c0_i32_1 = arith.constant 0 : i32
    return %c0_i32, %c0_i32_0 : i32, i32
  }
  func.func @transform_6(%arg0: i32) -> (i32, i32) {
    %c0_i32 = arith.constant 0 : i32
    %c0_i32_0 = arith.constant 0 : i32
    %c0_i32_1 = arith.constant 0 : i32
    return %c0_i32, %c0_i32_0 : i32, i32
  }
  func.func @transform_7(%arg0: i32) -> (i32, i32) {
    %c0_i32 = arith.constant 0 : i32
    %c0_i32_0 = arith.constant 0 : i32
    %c0_i32_1 = arith.constant 0 : i32
    return %c0_i32, %c0_i32_0 : i32, i32
  }
  func.func @transform_8(%arg0: i32) -> (i32, i32) {
    %c0_i32 = arith.constant 0 : i32
    %c0_i32_0 = arith.constant 0 : i32
    return %arg0, %c0_i32 : i32, i32
  }
}

module attributes {stable_mosaic.version = 14 : i64} {
  func.func @body(%arg0: i32, %arg1: memref<2000x128xf32, #tpu.memory_space<vmem>>, %arg2: memref<2000x128xf32, #tpu.memory_space<vmem>>, %arg3: memref<2000x128xf32, #tpu.memory_space<vmem>>, %arg4: memref<2000x1xf32, #tpu.memory_space<vmem>>, %arg5: memref<1x128xf32, #tpu.memory_space<vmem>>, %arg6: memref<1x128xf32, #tpu.memory_space<vmem>>, %arg7: memref<1x128xf32, #tpu.memory_space<vmem>>, %arg8: memref<128x128xf32, #tpu.memory_space<vmem>>, %arg9: memref<2000x128xf32, #tpu.memory_space<vmem>>, %arg10: memref<2000x128xf32, #tpu.memory_space<vmem>>) attributes {dimension_semantics = [#tpu.dimension_semantics<arbitrary>], iteration_bounds = array<i64: 5>, scalar_prefetch = 0 : i64, scratch_operands = 0 : i64, tpu.core_type = #tpu.core_type<tc>, window_params = [{transform_indices = @transform_0, window_bounds = array<i64: 2000, 128>}, {transform_indices = @transform_1, window_bounds = array<i64: 2000, 128>}, {transform_indices = @transform_2, window_bounds = array<i64: 2000, 128>}, {transform_indices = @transform_3, window_bounds = array<i64: 2000, 1>}, {pipeline_mode = #tpu.pipeline_mode<synchronous>, transform_indices = @transform_4, window_bounds = array<i64: 1, 128>}, {pipeline_mode = #tpu.pipeline_mode<synchronous>, transform_indices = @transform_5, window_bounds = array<i64: 1, 128>}, {pipeline_mode = #tpu.pipeline_mode<synchronous>, transform_indices = @transform_6, window_bounds = array<i64: 1, 128>}, {pipeline_mode = #tpu.pipeline_mode<synchronous>, transform_indices = @transform_7, window_bounds = array<i64: 128, 128>}, {transform_indices = @transform_8, window_bounds = array<i64: 2000, 128>}, {transform_indices = @transform_9, window_bounds = array<i64: 2000, 128>}]} {
    %get3A = arith.constant 0 : index
    %get3A_0 = arith.constant 0 : index
    %get3A_1 = vector.load %arg4[%get3A, %get3A_0] : memref<2000x1xf32, #tpu.memory_space<vmem>>, vector<2000x1xf32>
    %get3A_2 = arith.constant 0 : index
    %get3A_3 = arith.constant 0 : index
    %get3A_4 = vector.load %arg1[%get3A_2, %get3A_3] : memref<2000x128xf32, #tpu.memory_space<vmem>>, vector<2000x128xf32>
    %get3A_5 = arith.constant 0 : index
    %get3A_6 = arith.constant 0 : index
    %get3A_7 = vector.load %arg2[%get3A_5, %get3A_6] : memref<2000x128xf32, #tpu.memory_space<vmem>>, vector<2000x128xf32>
    %add3A = arith.addf %get3A_4, %get3A_7 : vector<2000x128xf32>
    %get3A_8 = arith.constant 0 : index
    %get3A_9 = arith.constant 0 : index
    %get3A_10 = vector.load %arg3[%get3A_8, %get3A_9] : memref<2000x128xf32, #tpu.memory_space<vmem>>, vector<2000x128xf32>
    %sub3A = arith.subf %add3A, %get3A_10 : vector<2000x128xf32>
    %mul3A = vector.broadcast %get3A_1 : vector<2000x1xf32> to vector<2000x128xf32>
    %mul3A_11 = arith.mulf %mul3A, %sub3A : vector<2000x128xf32>
    %get3A_12 = arith.constant 0 : index
    %get3A_13 = arith.constant 0 : index
    %get3A_14 = vector.load %arg5[%get3A_12, %get3A_13] : memref<1x128xf32, #tpu.memory_space<vmem>>, vector<1x128xf32>
    %add3A_15 = vector.broadcast %get3A_14 : vector<1x128xf32> to vector<2000x128xf32>
    %add3A_16 = arith.addf %mul3A_11, %add3A_15 : vector<2000x128xf32>
    %get3A_17 = arith.constant 0 : index
    %get3A_18 = arith.constant 0 : index
    %get3A_19 = vector.load %arg6[%get3A_17, %get3A_18] : memref<1x128xf32, #tpu.memory_space<vmem>>, vector<1x128xf32>
    %mul3A_20 = arith.constant 0.999994993 : f32
    %mul3A_21 = vector.broadcast %mul3A_20 : f32 to vector<1x128xf32>
    %mul3A_22 = arith.mulf %get3A_19, %mul3A_21 : vector<1x128xf32>
    %mul3A_23 = vector.broadcast %mul3A_22 : vector<1x128xf32> to vector<2000x128xf32>
    %mul3A_24 = arith.mulf %mul3A_23, %add3A_16 : vector<2000x128xf32>
    %get3A_25 = arith.constant 0 : index
    %get3A_26 = arith.constant 0 : index
    %get3A_27 = vector.load %arg7[%get3A_25, %get3A_26] : memref<1x128xf32, #tpu.memory_space<vmem>>, vector<1x128xf32>
    %add3A_28 = vector.broadcast %get3A_27 : vector<1x128xf32> to vector<2000x128xf32>
    %add3A_29 = arith.addf %mul3A_24, %add3A_28 : vector<2000x128xf32>
    %max3A = arith.constant 0.000000e+00 : f32
    %max3A_30 = vector.broadcast %max3A : f32 to vector<2000x128xf32>
    %max3A_31 = arith.maximumf %add3A_29, %max3A_30 : vector<2000x128xf32>
    %mul3A_32 = vector.broadcast %get3A_1 : vector<2000x1xf32> to vector<2000x128xf32>
    %mul3A_33 = arith.mulf %mul3A_32, %max3A_31 : vector<2000x128xf32>
    %get3A_34 = arith.constant 0 : index
    %get3A_35 = arith.constant 0 : index
    %get3A_36 = vector.load %arg8[%get3A_34, %get3A_35] : memref<128x128xf32, #tpu.memory_space<vmem>>, vector<128x128xf32>
    %dot_general3A = arith.constant dense<0.000000e+00> : vector<2000x128xf32>
    %dot_general3A_37 = tpu.matmul %mul3A_33, %get3A_36, %dot_general3A {dimension_numbers = #tpu.dot_dimension_numbers<[1], [0], [0], [1], [0, 0, 1, 1], [], []>, transpose_lhs_hint = false} : vector<2000x128xf32>, vector<128x128xf32>, vector<2000x128xf32> -> vector<2000x128xf32>
    %swap3A = arith.constant 0 : index
    %swap3A_38 = arith.constant 0 : index
    %swap3A_39 = vector.load %arg9[%swap3A, %swap3A_38] : memref<2000x128xf32, #tpu.memory_space<vmem>>, vector<2000x128xf32>
    tpu.vector_store %arg9[%swap3A, %swap3A_38], %dot_general3A_37 {strides = array<i32>} : memref<2000x128xf32, #tpu.memory_space<vmem>>, vector<2000x128xf32>,
    %swap3A_40 = arith.constant 0 : index
    %swap3A_41 = arith.constant 0 : index
    %swap3A_42 = vector.load %arg10[%swap3A_40, %swap3A_41] : memref<2000x128xf32, #tpu.memory_space<vmem>>, vector<2000x128xf32>
    tpu.vector_store %arg10[%swap3A_40, %swap3A_41], %max3A_31 {strides = array<i32>} : memref<2000x128xf32, #tpu.memory_space<vmem>>, vector<2000x128xf32>,
    return
  }
  func.func @transform_0(%arg0: i32) -> (i32, i32) {
    %c0_i32 = arith.constant 0 : i32
    %c0_i32_0 = arith.constant 0 : i32
    return %arg0, %c0_i32 : i32, i32
  }
  func.func @transform_1(%arg0: i32) -> (i32, i32) {
    %c0_i32 = arith.constant 0 : i32
    %c0_i32_0 = arith.constant 0 : i32
    return %arg0, %c0_i32 : i32, i32
  }
  func.func @transform_2(%arg0: i32) -> (i32, i32) {
    %c0_i32 = arith.constant 0 : i32
    %c0_i32_0 = arith.constant 0 : i32
    return %arg0, %c0_i32 : i32, i32
  }
  func.func @transform_3(%arg0: i32) -> (i32, i32) {
    %c0_i32 = arith.constant 0 : i32
    %c0_i32_0 = arith.constant 0 : i32
    return %arg0, %c0_i32 : i32, i32
  }
  func.func @transform_4(%arg0: i32) -> (i32, i32) {
    %c0_i32 = arith.constant 0 : i32
    %c0_i32_0 = arith.constant 0 : i32
    %c0_i32_1 = arith.constant 0 : i32
    return %c0_i32, %c0_i32_0 : i32, i32
  }
  func.func @transform_5(%arg0: i32) -> (i32, i32) {
    %c0_i32 = arith.constant 0 : i32
    %c0_i32_0 = arith.constant 0 : i32
    %c0_i32_1 = arith.constant 0 : i32
    return %c0_i32, %c0_i32_0 : i32, i32
  }
  func.func @transform_6(%arg0: i32) -> (i32, i32) {
    %c0_i32 = arith.constant 0 : i32
    %c0_i32_0 = arith.constant 0 : i32
    %c0_i32_1 = arith.constant 0 : i32
    return %c0_i32, %c0_i32_0 : i32, i32
  }
  func.func @transform_7(%arg0: i32) -> (i32, i32) {
    %c0_i32 = arith.constant 0 : i32
    %c0_i32_0 = arith.constant 0 : i32
    %c0_i32_1 = arith.constant 0 : i32
    return %c0_i32, %c0_i32_0 : i32, i32
  }
  func.func @transform_8(%arg0: i32) -> (i32, i32) {
    %c0_i32 = arith.constant 0 : i32
    %c0_i32_0 = arith.constant 0 : i32
    return %arg0, %c0_i32 : i32, i32
  }
  func.func @transform_9(%arg0: i32) -> (i32, i32) {
    %c0_i32 = arith.constant 0 : i32
    %c0_i32_0 = arith.constant 0 : i32
    return %arg0, %c0_i32 : i32, i32
  }
}

module attributes {stable_mosaic.version = 14 : i64} {
  func.func @body(%arg0: i32, %arg1: memref<2000x128xf32, #tpu.memory_space<vmem>>, %arg2: memref<2000x128xf32, #tpu.memory_space<vmem>>, %arg3: memref<2000x128xf32, #tpu.memory_space<vmem>>, %arg4: memref<2000x1xf32, #tpu.memory_space<vmem>>, %arg5: memref<1x128xf32, #tpu.memory_space<vmem>>, %arg6: memref<1x128xf32, #tpu.memory_space<vmem>>, %arg7: memref<1x128xf32, #tpu.memory_space<vmem>>, %arg8: memref<128x128xf32, #tpu.memory_space<vmem>>, %arg9: memref<2000x128xf32, #tpu.memory_space<vmem>>, %arg10: memref<2000x128xf32, #tpu.memory_space<vmem>>) attributes {dimension_semantics = [#tpu.dimension_semantics<arbitrary>], iteration_bounds = array<i64: 5>, scalar_prefetch = 0 : i64, scratch_operands = 0 : i64, tpu.core_type = #tpu.core_type<tc>, window_params = [{transform_indices = @transform_0, window_bounds = array<i64: 2000, 128>}, {transform_indices = @transform_1, window_bounds = array<i64: 2000, 128>}, {transform_indices = @transform_2, window_bounds = array<i64: 2000, 128>}, {transform_indices = @transform_3, window_bounds = array<i64: 2000, 1>}, {pipeline_mode = #tpu.pipeline_mode<synchronous>, transform_indices = @transform_4, window_bounds = array<i64: 1, 128>}, {pipeline_mode = #tpu.pipeline_mode<synchronous>, transform_indices = @transform_5, window_bounds = array<i64: 1, 128>}, {pipeline_mode = #tpu.pipeline_mode<synchronous>, transform_indices = @transform_6, window_bounds = array<i64: 1, 128>}, {pipeline_mode = #tpu.pipeline_mode<synchronous>, transform_indices = @transform_7, window_bounds = array<i64: 128, 128>}, {transform_indices = @transform_8, window_bounds = array<i64: 2000, 128>}, {transform_indices = @transform_9, window_bounds = array<i64: 2000, 128>}]} {
    %get3A = arith.constant 0 : index
    %get3A_0 = arith.constant 0 : index
    %get3A_1 = vector.load %arg4[%get3A, %get3A_0] : memref<2000x1xf32, #tpu.memory_space<vmem>>, vector<2000x1xf32>
    %get3A_2 = arith.constant 0 : index
    %get3A_3 = arith.constant 0 : index
    %get3A_4 = vector.load %arg1[%get3A_2, %get3A_3] : memref<2000x128xf32, #tpu.memory_space<vmem>>, vector<2000x128xf32>
    %get3A_5 = arith.constant 0 : index
    %get3A_6 = arith.constant 0 : index
    %get3A_7 = vector.load %arg2[%get3A_5, %get3A_6] : memref<2000x128xf32, #tpu.memory_space<vmem>>, vector<2000x128xf32>
    %add3A = arith.addf %get3A_4, %get3A_7 : vector<2000x128xf32>
    %get3A_8 = arith.constant 0 : index
    %get3A_9 = arith.constant 0 : index
    %get3A_10 = vector.load %arg3[%get3A_8, %get3A_9] : memref<2000x128xf32, #tpu.memory_space<vmem>>, vector<2000x128xf32>
    %sub3A = arith.subf %add3A, %get3A_10 : vector<2000x128xf32>
    %mul3A = vector.broadcast %get3A_1 : vector<2000x1xf32> to vector<2000x128xf32>
    %mul3A_11 = arith.mulf %mul3A, %sub3A : vector<2000x128xf32>
    %get3A_12 = arith.constant 0 : index
    %get3A_13 = arith.constant 0 : index
    %get3A_14 = vector.load %arg5[%get3A_12, %get3A_13] : memref<1x128xf32, #tpu.memory_space<vmem>>, vector<1x128xf32>
    %add3A_15 = vector.broadcast %get3A_14 : vector<1x128xf32> to vector<2000x128xf32>
    %add3A_16 = arith.addf %mul3A_11, %add3A_15 : vector<2000x128xf32>
    %get3A_17 = arith.constant 0 : index
    %get3A_18 = arith.constant 0 : index
    %get3A_19 = vector.load %arg6[%get3A_17, %get3A_18] : memref<1x128xf32, #tpu.memory_space<vmem>>, vector<1x128xf32>
    %mul3A_20 = arith.constant 0.999994993 : f32
    %mul3A_21 = vector.broadcast %mul3A_20 : f32 to vector<1x128xf32>
    %mul3A_22 = arith.mulf %get3A_19, %mul3A_21 : vector<1x128xf32>
    %mul3A_23 = vector.broadcast %mul3A_22 : vector<1x128xf32> to vector<2000x128xf32>
    %mul3A_24 = arith.mulf %mul3A_23, %add3A_16 : vector<2000x128xf32>
    %get3A_25 = arith.constant 0 : index
    %get3A_26 = arith.constant 0 : index
    %get3A_27 = vector.load %arg7[%get3A_25, %get3A_26] : memref<1x128xf32, #tpu.memory_space<vmem>>, vector<1x128xf32>
    %add3A_28 = vector.broadcast %get3A_27 : vector<1x128xf32> to vector<2000x128xf32>
    %add3A_29 = arith.addf %mul3A_24, %add3A_28 : vector<2000x128xf32>
    %max3A = arith.constant 0.000000e+00 : f32
    %max3A_30 = vector.broadcast %max3A : f32 to vector<2000x128xf32>
    %max3A_31 = arith.maximumf %add3A_29, %max3A_30 : vector<2000x128xf32>
    %get3A_32 = arith.constant 0 : index
    %get3A_33 = arith.constant 0 : index
    %get3A_34 = vector.load %arg9[%get3A_32, %get3A_33] : memref<2000x128xf32, #tpu.memory_space<vmem>>, vector<2000x128xf32>
    %add3A_35 = arith.addf %max3A_31, %get3A_34 : vector<2000x128xf32>
    %mul3A_36 = vector.broadcast %get3A_1 : vector<2000x1xf32> to vector<2000x128xf32>
    %mul3A_37 = arith.mulf %mul3A_36, %add3A_35 : vector<2000x128xf32>
    %get3A_38 = arith.constant 0 : index
    %get3A_39 = arith.constant 0 : index
    %get3A_40 = vector.load %arg8[%get3A_38, %get3A_39] : memref<128x128xf32, #tpu.memory_space<vmem>>, vector<128x128xf32>
    %dot_general3A = arith.constant dense<0.000000e+00> : vector<2000x128xf32>
    %dot_general3A_41 = tpu.matmul %mul3A_37, %get3A_40, %dot_general3A {dimension_numbers = #tpu.dot_dimension_numbers<[1], [0], [0], [1], [0, 0, 1, 1], [], []>, transpose_lhs_hint = false} : vector<2000x128xf32>, vector<128x128xf32>, vector<2000x128xf32> -> vector<2000x128xf32>
    %swap3A = arith.constant 0 : index
    %swap3A_42 = arith.constant 0 : index
    %swap3A_43 = vector.load %arg10[%swap3A, %swap3A_42] : memref<2000x128xf32, #tpu.memory_space<vmem>>, vector<2000x128xf32>
    tpu.vector_store %arg10[%swap3A, %swap3A_42], %dot_general3A_41 {strides = array<i32>} : memref<2000x128xf32, #tpu.memory_space<vmem>>, vector<2000x128xf32>,
    return
  }
  func.func @transform_0(%arg0: i32) -> (i32, i32) {
    %c0_i32 = arith.constant 0 : i32
    %c0_i32_0 = arith.constant 0 : i32
    return %arg0, %c0_i32 : i32, i32
  }
  func.func @transform_1(%arg0: i32) -> (i32, i32) {
    %c0_i32 = arith.constant 0 : i32
    %c0_i32_0 = arith.constant 0 : i32
    return %arg0, %c0_i32 : i32, i32
  }
  func.func @transform_2(%arg0: i32) -> (i32, i32) {
    %c0_i32 = arith.constant 0 : i32
    %c0_i32_0 = arith.constant 0 : i32
    return %arg0, %c0_i32 : i32, i32
  }
  func.func @transform_3(%arg0: i32) -> (i32, i32) {
    %c0_i32 = arith.constant 0 : i32
    %c0_i32_0 = arith.constant 0 : i32
    return %arg0, %c0_i32 : i32, i32
  }
  func.func @transform_4(%arg0: i32) -> (i32, i32) {
    %c0_i32 = arith.constant 0 : i32
    %c0_i32_0 = arith.constant 0 : i32
    %c0_i32_1 = arith.constant 0 : i32
    return %c0_i32, %c0_i32_0 : i32, i32
  }
  func.func @transform_5(%arg0: i32) -> (i32, i32) {
    %c0_i32 = arith.constant 0 : i32
    %c0_i32_0 = arith.constant 0 : i32
    %c0_i32_1 = arith.constant 0 : i32
    return %c0_i32, %c0_i32_0 : i32, i32
  }
  func.func @transform_6(%arg0: i32) -> (i32, i32) {
    %c0_i32 = arith.constant 0 : i32
    %c0_i32_0 = arith.constant 0 : i32
    %c0_i32_1 = arith.constant 0 : i32
    return %c0_i32, %c0_i32_0 : i32, i32
  }
  func.func @transform_7(%arg0: i32) -> (i32, i32) {
    %c0_i32 = arith.constant 0 : i32
    %c0_i32_0 = arith.constant 0 : i32
    %c0_i32_1 = arith.constant 0 : i32
    return %c0_i32, %c0_i32_0 : i32, i32
  }
  func.func @transform_8(%arg0: i32) -> (i32, i32) {
    %c0_i32 = arith.constant 0 : i32
    %c0_i32_0 = arith.constant 0 : i32
    return %arg0, %c0_i32 : i32, i32
  }
  func.func @transform_9(%arg0: i32) -> (i32, i32) {
    %c0_i32 = arith.constant 0 : i32
    %c0_i32_0 = arith.constant 0 : i32
    return %arg0, %c0_i32 : i32, i32
  }
}

module attributes {stable_mosaic.version = 14 : i64} {
  func.func @body(%arg0: i32, %arg1: memref<2000x128xf32, #tpu.memory_space<vmem>>, %arg2: memref<2000x128xf32, #tpu.memory_space<vmem>>, %arg3: memref<2000x128xf32, #tpu.memory_space<vmem>>, %arg4: memref<2000x1xf32, #tpu.memory_space<vmem>>, %arg5: memref<1x128xf32, #tpu.memory_space<vmem>>, %arg6: memref<1x128xf32, #tpu.memory_space<vmem>>, %arg7: memref<1x128xf32, #tpu.memory_space<vmem>>, %arg8: memref<2000x1xi32, #tpu.memory_space<vmem>>, %arg9: memref<8x32xf32, #tpu.memory_space<vmem>>, %arg10: memref<416x256xf32, #tpu.memory_space<vmem>>, %arg11: memref<1x256xf32, #tpu.memory_space<vmem>>, %arg12: memref<1x256xf32, #tpu.memory_space<vmem>>, %arg13: memref<1x256xf32, #tpu.memory_space<vmem>>, %arg14: memref<256x128xf32, #tpu.memory_space<vmem>>, %arg15: memref<1x128xf32, #tpu.memory_space<vmem>>, %arg16: memref<1x128xf32, #tpu.memory_space<vmem>>, %arg17: memref<1x128xf32, #tpu.memory_space<vmem>>, %arg18: memref<128x2xf32, #tpu.memory_space<vmem>>, %arg19: memref<1x2xf32, #tpu.memory_space<vmem>>, %arg20: memref<8x2xf32, #tpu.memory_space<vmem>>, %arg21: memref<8x128xf32, #tpu.memory_space<vmem>>, %arg22: memref<8x128xf32, #tpu.memory_space<vmem>>, %arg23: memref<8x128xf32, #tpu.memory_space<vmem>>) attributes {dimension_semantics = [#tpu.dimension_semantics<arbitrary>], iteration_bounds = array<i64: 5>, scalar_prefetch = 0 : i64, scratch_operands = 3 : i64, tpu.core_type = #tpu.core_type<tc>, window_params = [{transform_indices = @transform_0, window_bounds = array<i64: 2000, 128>}, {transform_indices = @transform_1, window_bounds = array<i64: 2000, 128>}, {transform_indices = @transform_2, window_bounds = array<i64: 2000, 128>}, {transform_indices = @transform_3, window_bounds = array<i64: 2000, 1>}, {pipeline_mode = #tpu.pipeline_mode<synchronous>, transform_indices = @transform_4, window_bounds = array<i64: 1, 128>}, {pipeline_mode = #tpu.pipeline_mode<synchronous>, transform_indices = @transform_5, window_bounds = array<i64: 1, 128>}, {pipeline_mode = #tpu.pipeline_mode<synchronous>, transform_indices = @transform_6, window_bounds = array<i64: 1, 128>}, {transform_indices = @transform_7, window_bounds = array<i64: 2000, 1>}, {pipeline_mode = #tpu.pipeline_mode<synchronous>, transform_indices = @transform_8, window_bounds = array<i64: 8, 32>}, {pipeline_mode = #tpu.pipeline_mode<synchronous>, transform_indices = @transform_9, window_bounds = array<i64: 416, 256>}, {pipeline_mode = #tpu.pipeline_mode<synchronous>, transform_indices = @transform_10, window_bounds = array<i64: 1, 256>}, {pipeline_mode = #tpu.pipeline_mode<synchronous>, transform_indices = @transform_11, window_bounds = array<i64: 1, 256>}, {pipeline_mode = #tpu.pipeline_mode<synchronous>, transform_indices = @transform_12, window_bounds = array<i64: 1, 256>}, {pipeline_mode = #tpu.pipeline_mode<synchronous>, transform_indices = @transform_13, window_bounds = array<i64: 256, 128>}, {pipeline_mode = #tpu.pipeline_mode<synchronous>, transform_indices = @transform_14, window_bounds = array<i64: 1, 128>}, {pipeline_mode = #tpu.pipeline_mode<synchronous>, transform_indices = @transform_15, window_bounds = array<i64: 1, 128>}, {pipeline_mode = #tpu.pipeline_mode<synchronous>, transform_indices = @transform_16, window_bounds = array<i64: 1, 128>}, {pipeline_mode = #tpu.pipeline_mode<synchronous>, transform_indices = @transform_17, window_bounds = array<i64: 128, 2>}, {pipeline_mode = #tpu.pipeline_mode<synchronous>, transform_indices = @transform_18, window_bounds = array<i64: 1, 2>}, {pipeline_mode = #tpu.pipeline_mode<synchronous>, transform_indices = @transform_19, window_bounds = array<i64: 8, 2>}]} {
    %eq3A = arith.constant 0 : i32
    %eq3A_0 = arith.cmpi eq, %arg0, %eq3A : i32
    %convert_element_type3A = arith.extui %eq3A_0 : i1 to i32
    %cond3A = arith.constant 0 : i32
    %cond3A_1 = arith.cmpi ne, %convert_element_type3A, %cond3A : i32
    scf.if %cond3A_1 {
      %broadcast_in_dim3A_428 = arith.constant 0.000000e+00 : f32
      %broadcast_in_dim3A_429 = vector.broadcast %broadcast_in_dim3A_428 : f32 to vector<8x128xf32>
      %swap3A_430 = arith.constant 0 : index
      %swap3A_431 = arith.constant 0 : index
      %swap3A_432 = vector.load %arg21[%swap3A_430, %swap3A_431] : memref<8x128xf32, #tpu.memory_space<vmem>>, vector<8x128xf32>
      tpu.vector_store %arg21[%swap3A_430, %swap3A_431], %broadcast_in_dim3A_429 {strides = array<i32>} : memref<8x128xf32, #tpu.memory_space<vmem>>, vector<8x128xf32>,
      %broadcast_in_dim3A_433 = arith.constant 0xFF800000 : f32
      %broadcast_in_dim3A_434 = vector.broadcast %broadcast_in_dim3A_433 : f32 to vector<8x128xf32>
      %swap3A_435 = arith.constant 0 : index
      %swap3A_436 = arith.constant 0 : index
      %swap3A_437 = vector.load %arg22[%swap3A_435, %swap3A_436] : memref<8x128xf32, #tpu.memory_space<vmem>>, vector<8x128xf32>
      tpu.vector_store %arg22[%swap3A_435, %swap3A_436], %broadcast_in_dim3A_434 {strides = array<i32>} : memref<8x128xf32, #tpu.memory_space<vmem>>, vector<8x128xf32>,
      %broadcast_in_dim3A_438 = arith.constant 0.000000e+00 : f32
      %broadcast_in_dim3A_439 = vector.broadcast %broadcast_in_dim3A_438 : f32 to vector<8x128xf32>
      %swap3A_440 = arith.constant 0 : index
      %swap3A_441 = arith.constant 0 : index
      %swap3A_442 = vector.load %arg23[%swap3A_440, %swap3A_441] : memref<8x128xf32, #tpu.memory_space<vmem>>, vector<8x128xf32>
      tpu.vector_store %arg23[%swap3A_440, %swap3A_441], %broadcast_in_dim3A_439 {strides = array<i32>} : memref<8x128xf32, #tpu.memory_space<vmem>>, vector<8x128xf32>,
    } else {
    }
    %get3A = arith.constant 0 : index
    %get3A_2 = arith.constant 0 : index
    %get3A_3 = vector.load %arg4[%get3A, %get3A_2] : memref<2000x1xf32, #tpu.memory_space<vmem>>, vector<2000x1xf32>
    %get3A_4 = arith.constant 0 : index
    %get3A_5 = arith.constant 0 : index
    %get3A_6 = vector.load %arg1[%get3A_4, %get3A_5] : memref<2000x128xf32, #tpu.memory_space<vmem>>, vector<2000x128xf32>
    %get3A_7 = arith.constant 0 : index
    %get3A_8 = arith.constant 0 : index
    %get3A_9 = vector.load %arg2[%get3A_7, %get3A_8] : memref<2000x128xf32, #tpu.memory_space<vmem>>, vector<2000x128xf32>
    %add3A = arith.addf %get3A_6, %get3A_9 : vector<2000x128xf32>
    %get3A_10 = arith.constant 0 : index
    %get3A_11 = arith.constant 0 : index
    %get3A_12 = vector.load %arg3[%get3A_10, %get3A_11] : memref<2000x128xf32, #tpu.memory_space<vmem>>, vector<2000x128xf32>
    %sub3A = arith.subf %add3A, %get3A_12 : vector<2000x128xf32>
    %mul3A = vector.broadcast %get3A_3 : vector<2000x1xf32> to vector<2000x128xf32>
    %mul3A_13 = arith.mulf %mul3A, %sub3A : vector<2000x128xf32>
    %get3A_14 = arith.constant 0 : index
    %get3A_15 = arith.constant 0 : index
    %get3A_16 = vector.load %arg5[%get3A_14, %get3A_15] : memref<1x128xf32, #tpu.memory_space<vmem>>, vector<1x128xf32>
    %add3A_17 = vector.broadcast %get3A_16 : vector<1x128xf32> to vector<2000x128xf32>
    %add3A_18 = arith.addf %mul3A_13, %add3A_17 : vector<2000x128xf32>
    %get3A_19 = arith.constant 0 : index
    %get3A_20 = arith.constant 0 : index
    %get3A_21 = vector.load %arg6[%get3A_19, %get3A_20] : memref<1x128xf32, #tpu.memory_space<vmem>>, vector<1x128xf32>
    %mul3A_22 = arith.constant 0.999994993 : f32
    %mul3A_23 = vector.broadcast %mul3A_22 : f32 to vector<1x128xf32>
    %mul3A_24 = arith.mulf %get3A_21, %mul3A_23 : vector<1x128xf32>
    %mul3A_25 = vector.broadcast %mul3A_24 : vector<1x128xf32> to vector<2000x128xf32>
    %mul3A_26 = arith.mulf %mul3A_25, %add3A_18 : vector<2000x128xf32>
    %get3A_27 = arith.constant 0 : index
    %get3A_28 = arith.constant 0 : index
    %get3A_29 = vector.load %arg7[%get3A_27, %get3A_28] : memref<1x128xf32, #tpu.memory_space<vmem>>, vector<1x128xf32>
    %add3A_30 = vector.broadcast %get3A_29 : vector<1x128xf32> to vector<2000x128xf32>
    %add3A_31 = arith.addf %mul3A_26, %add3A_30 : vector<2000x128xf32>
    %max3A = arith.constant 0.000000e+00 : f32
    %max3A_32 = vector.broadcast %max3A : f32 to vector<2000x128xf32>
    %max3A_33 = arith.maximumf %add3A_31, %max3A_32 : vector<2000x128xf32>
    %get3A_34 = arith.constant 0 : index
    %get3A_35 = arith.constant 0 : index
    %get3A_36 = vector.load %arg8[%get3A_34, %get3A_35] : memref<2000x1xi32, #tpu.memory_space<vmem>>, vector<2000x1xi32>
    %eq3A_37 = arith.constant 0 : i32
    %eq3A_38 = vector.broadcast %eq3A_37 : i32 to vector<2000x1xi32>
    %eq3A_39 = arith.cmpi eq, %get3A_36, %eq3A_38 : vector<2000x1xi32>
    %jit3A = arith.constant 0xFF800000 : f32
    %broadcast_in_dim3A = vector.shape_cast %eq3A_39 : vector<2000x1xi1> to vector<2000x1xi1>
    %broadcast_in_dim3A_40 = vector.broadcast %broadcast_in_dim3A : vector<2000x1xi1> to vector<2000x128xi1>
    %broadcast_in_dim3A_41 = vector.broadcast %jit3A : f32 to vector<2000x128xf32>
    %select_n3A = arith.select %broadcast_in_dim3A_40, %max3A_33, %broadcast_in_dim3A_41 : vector<2000x128xi1>, vector<2000x128xf32>
    %get3A_42 = arith.constant 0 : index
    %get3A_43 = arith.constant 0 : index
    %get3A_44 = vector.load %arg22[%get3A_42, %get3A_43] : memref<8x128xf32, #tpu.memory_space<vmem>>, vector<1x128xf32>
    %reduce_max3A = arith.constant dense<0xFF800000> : vector<128xf32>
    %reduce_max3A_45 = vector.multi_reduction <maximumf>, %select_n3A, %reduce_max3A [0] : vector<2000x128xf32> to vector<128xf32>
    %broadcast_in_dim3A_46 = vector.shape_cast %reduce_max3A_45 : vector<128xf32> to vector<1x128xf32>
    %max3A_47 = arith.maximumf %get3A_44, %broadcast_in_dim3A_46 : vector<1x128xf32>
    %swap3A = arith.constant 0 : index
    %swap3A_48 = arith.constant 0 : index
    %swap3A_49 = vector.load %arg22[%swap3A, %swap3A_48] : memref<8x128xf32, #tpu.memory_space<vmem>>, vector<1x128xf32>
    tpu.vector_store %arg22[%swap3A, %swap3A_48], %max3A_47 {strides = array<i32>} : memref<8x128xf32, #tpu.memory_space<vmem>>, vector<1x128xf32>,
    %jit3A_50 = arith.constant 0.000000e+00 : f32
    %broadcast_in_dim3A_51 = vector.shape_cast %eq3A_39 : vector<2000x1xi1> to vector<2000x1xi1>
    %broadcast_in_dim3A_52 = vector.broadcast %broadcast_in_dim3A_51 : vector<2000x1xi1> to vector<2000x128xi1>
    %broadcast_in_dim3A_53 = vector.broadcast %jit3A_50 : f32 to vector<2000x128xf32>
    %select_n3A_54 = arith.select %broadcast_in_dim3A_52, %max3A_33, %broadcast_in_dim3A_53 : vector<2000x128xi1>, vector<2000x128xf32>
    %get3A_55 = arith.constant 0 : index
    %get3A_56 = arith.constant 0 : index
    %get3A_57 = vector.load %arg21[%get3A_55, %get3A_56] : memref<8x128xf32, #tpu.memory_space<vmem>>, vector<1x128xf32>
    %reduce_sum3A = arith.constant dense<0.000000e+00> : vector<128xf32>
    %reduce_sum3A_58 = vector.multi_reduction <add>, %select_n3A_54, %reduce_sum3A [0] : vector<2000x128xf32> to vector<128xf32>
    %broadcast_in_dim3A_59 = vector.shape_cast %reduce_sum3A_58 : vector<128xf32> to vector<1x128xf32>
    %add3A_60 = arith.addf %get3A_57, %broadcast_in_dim3A_59 : vector<1x128xf32>
    %swap3A_61 = arith.constant 0 : index
    %swap3A_62 = arith.constant 0 : index
    %swap3A_63 = vector.load %arg21[%swap3A_61, %swap3A_62] : memref<8x128xf32, #tpu.memory_space<vmem>>, vector<1x128xf32>
    tpu.vector_store %arg21[%swap3A_61, %swap3A_62], %add3A_60 {strides = array<i32>} : memref<8x128xf32, #tpu.memory_space<vmem>>, vector<1x128xf32>,
    %jit3A_64 = arith.constant 1.000000e+00 : f32
    %jit3A_65 = arith.constant 0.000000e+00 : f32
    %broadcast_in_dim3A_66 = vector.broadcast %jit3A_64 : f32 to vector<2000x1xf32>
    %broadcast_in_dim3A_67 = vector.broadcast %jit3A_65 : f32 to vector<2000x1xf32>
    %select_n3A_68 = arith.select %eq3A_39, %broadcast_in_dim3A_66, %broadcast_in_dim3A_67 : vector<2000x1xi1>, vector<2000x1xf32>
    %reduce_sum3A_69 = arith.constant dense<0.000000e+00> : vector<1xf32>
    %reduce_sum3A_70 = vector.multi_reduction <add>, %select_n3A_68, %reduce_sum3A_69 [0] : vector<2000x1xf32> to vector<1xf32>
    %broadcast_in_dim3A_71 = vector.shape_cast %reduce_sum3A_70 : vector<1xf32> to vector<1x1xf32>
    %get3A_72 = arith.constant 0 : index
    %get3A_73 = arith.constant 0 : index
    %get3A_74 = vector.load %arg23[%get3A_72, %get3A_73] : memref<8x128xf32, #tpu.memory_space<vmem>>, vector<1x128xf32>
    %add3A_75 = vector.broadcast %broadcast_in_dim3A_71 : vector<1x1xf32> to vector<1x128xf32>
    %add3A_76 = arith.addf %get3A_74, %add3A_75 : vector<1x128xf32>
    %swap3A_77 = arith.constant 0 : index
    %swap3A_78 = arith.constant 0 : index
    %swap3A_79 = vector.load %arg23[%swap3A_77, %swap3A_78] : memref<8x128xf32, #tpu.memory_space<vmem>>, vector<1x128xf32>
    tpu.vector_store %arg23[%swap3A_77, %swap3A_78], %add3A_76 {strides = array<i32>} : memref<8x128xf32, #tpu.memory_space<vmem>>, vector<1x128xf32>,
    %eq3A_80 = arith.constant 1 : i32
    %eq3A_81 = vector.broadcast %eq3A_80 : i32 to vector<2000x1xi32>
    %eq3A_82 = arith.cmpi eq, %get3A_36, %eq3A_81 : vector<2000x1xi32>
    %jit3A_83 = arith.constant 0xFF800000 : f32
    %broadcast_in_dim3A_84 = vector.shape_cast %eq3A_82 : vector<2000x1xi1> to vector<2000x1xi1>
    %broadcast_in_dim3A_85 = vector.broadcast %broadcast_in_dim3A_84 : vector<2000x1xi1> to vector<2000x128xi1>
    %broadcast_in_dim3A_86 = vector.broadcast %jit3A_83 : f32 to vector<2000x128xf32>
    %select_n3A_87 = arith.select %broadcast_in_dim3A_85, %max3A_33, %broadcast_in_dim3A_86 : vector<2000x128xi1>, vector<2000x128xf32>
    %get3A_88 = arith.constant 1 : index
    %get3A_89 = arith.constant 0 : index
    %get3A_90 = vector.load %arg22[%get3A_88, %get3A_89] : memref<8x128xf32, #tpu.memory_space<vmem>>, vector<1x128xf32>
    %reduce_max3A_91 = arith.constant dense<0xFF800000> : vector<128xf32>
    %reduce_max3A_92 = vector.multi_reduction <maximumf>, %select_n3A_87, %reduce_max3A_91 [0] : vector<2000x128xf32> to vector<128xf32>
    %broadcast_in_dim3A_93 = vector.shape_cast %reduce_max3A_92 : vector<128xf32> to vector<1x128xf32>
    %max3A_94 = arith.maximumf %get3A_90, %broadcast_in_dim3A_93 : vector<1x128xf32>
    %swap3A_95 = arith.constant 1 : index
    %swap3A_96 = arith.constant 0 : index
    %swap3A_97 = vector.load %arg22[%swap3A_95, %swap3A_96] : memref<8x128xf32, #tpu.memory_space<vmem>>, vector<1x128xf32>
    tpu.vector_store %arg22[%swap3A_95, %swap3A_96], %max3A_94 {strides = array<i32>} : memref<8x128xf32, #tpu.memory_space<vmem>>, vector<1x128xf32>,
    %jit3A_98 = arith.constant 0.000000e+00 : f32
    %broadcast_in_dim3A_99 = vector.shape_cast %eq3A_82 : vector<2000x1xi1> to vector<2000x1xi1>
    %broadcast_in_dim3A_100 = vector.broadcast %broadcast_in_dim3A_99 : vector<2000x1xi1> to vector<2000x128xi1>
    %broadcast_in_dim3A_101 = vector.broadcast %jit3A_98 : f32 to vector<2000x128xf32>
    %select_n3A_102 = arith.select %broadcast_in_dim3A_100, %max3A_33, %broadcast_in_dim3A_101 : vector<2000x128xi1>, vector<2000x128xf32>
    %get3A_103 = arith.constant 1 : index
    %get3A_104 = arith.constant 0 : index
    %get3A_105 = vector.load %arg21[%get3A_103, %get3A_104] : memref<8x128xf32, #tpu.memory_space<vmem>>, vector<1x128xf32>
    %reduce_sum3A_106 = arith.constant dense<0.000000e+00> : vector<128xf32>
    %reduce_sum3A_107 = vector.multi_reduction <add>, %select_n3A_102, %reduce_sum3A_106 [0] : vector<2000x128xf32> to vector<128xf32>
    %broadcast_in_dim3A_108 = vector.shape_cast %reduce_sum3A_107 : vector<128xf32> to vector<1x128xf32>
    %add3A_109 = arith.addf %get3A_105, %broadcast_in_dim3A_108 : vector<1x128xf32>
    %swap3A_110 = arith.constant 1 : index
    %swap3A_111 = arith.constant 0 : index
    %swap3A_112 = vector.load %arg21[%swap3A_110, %swap3A_111] : memref<8x128xf32, #tpu.memory_space<vmem>>, vector<1x128xf32>
    tpu.vector_store %arg21[%swap3A_110, %swap3A_111], %add3A_109 {strides = array<i32>} : memref<8x128xf32, #tpu.memory_space<vmem>>, vector<1x128xf32>,
    %jit3A_113 = arith.constant 1.000000e+00 : f32
    %jit3A_114 = arith.constant 0.000000e+00 : f32
    %broadcast_in_dim3A_115 = vector.broadcast %jit3A_113 : f32 to vector<2000x1xf32>
    %broadcast_in_dim3A_116 = vector.broadcast %jit3A_114 : f32 to vector<2000x1xf32>
    %select_n3A_117 = arith.select %eq3A_82, %broadcast_in_dim3A_115, %broadcast_in_dim3A_116 : vector<2000x1xi1>, vector<2000x1xf32>
    %reduce_sum3A_118 = arith.constant dense<0.000000e+00> : vector<1xf32>
    %reduce_sum3A_119 = vector.multi_reduction <add>, %select_n3A_117, %reduce_sum3A_118 [0] : vector<2000x1xf32> to vector<1xf32>
    %broadcast_in_dim3A_120 = vector.shape_cast %reduce_sum3A_119 : vector<1xf32> to vector<1x1xf32>
    %get3A_121 = arith.constant 1 : index
    %get3A_122 = arith.constant 0 : index
    %get3A_123 = vector.load %arg23[%get3A_121, %get3A_122] : memref<8x128xf32, #tpu.memory_space<vmem>>, vector<1x128xf32>
    %add3A_124 = vector.broadcast %broadcast_in_dim3A_120 : vector<1x1xf32> to vector<1x128xf32>
    %add3A_125 = arith.addf %get3A_123, %add3A_124 : vector<1x128xf32>
    %swap3A_126 = arith.constant 1 : index
    %swap3A_127 = arith.constant 0 : index
    %swap3A_128 = vector.load %arg23[%swap3A_126, %swap3A_127] : memref<8x128xf32, #tpu.memory_space<vmem>>, vector<1x128xf32>
    tpu.vector_store %arg23[%swap3A_126, %swap3A_127], %add3A_125 {strides = array<i32>} : memref<8x128xf32, #tpu.memory_space<vmem>>, vector<1x128xf32>,
    %eq3A_129 = arith.constant 2 : i32
    %eq3A_130 = vector.broadcast %eq3A_129 : i32 to vector<2000x1xi32>
    %eq3A_131 = arith.cmpi eq, %get3A_36, %eq3A_130 : vector<2000x1xi32>
    %jit3A_132 = arith.constant 0xFF800000 : f32
    %broadcast_in_dim3A_133 = vector.shape_cast %eq3A_131 : vector<2000x1xi1> to vector<2000x1xi1>
    %broadcast_in_dim3A_134 = vector.broadcast %broadcast_in_dim3A_133 : vector<2000x1xi1> to vector<2000x128xi1>
    %broadcast_in_dim3A_135 = vector.broadcast %jit3A_132 : f32 to vector<2000x128xf32>
    %select_n3A_136 = arith.select %broadcast_in_dim3A_134, %max3A_33, %broadcast_in_dim3A_135 : vector<2000x128xi1>, vector<2000x128xf32>
    %get3A_137 = arith.constant 2 : index
    %get3A_138 = arith.constant 0 : index
    %get3A_139 = vector.load %arg22[%get3A_137, %get3A_138] : memref<8x128xf32, #tpu.memory_space<vmem>>, vector<1x128xf32>
    %reduce_max3A_140 = arith.constant dense<0xFF800000> : vector<128xf32>
    %reduce_max3A_141 = vector.multi_reduction <maximumf>, %select_n3A_136, %reduce_max3A_140 [0] : vector<2000x128xf32> to vector<128xf32>
    %broadcast_in_dim3A_142 = vector.shape_cast %reduce_max3A_141 : vector<128xf32> to vector<1x128xf32>
    %max3A_143 = arith.maximumf %get3A_139, %broadcast_in_dim3A_142 : vector<1x128xf32>
    %swap3A_144 = arith.constant 2 : index
    %swap3A_145 = arith.constant 0 : index
    %swap3A_146 = vector.load %arg22[%swap3A_144, %swap3A_145] : memref<8x128xf32, #tpu.memory_space<vmem>>, vector<1x128xf32>
    tpu.vector_store %arg22[%swap3A_144, %swap3A_145], %max3A_143 {strides = array<i32>} : memref<8x128xf32, #tpu.memory_space<vmem>>, vector<1x128xf32>,
    %jit3A_147 = arith.constant 0.000000e+00 : f32
    %broadcast_in_dim3A_148 = vector.shape_cast %eq3A_131 : vector<2000x1xi1> to vector<2000x1xi1>
    %broadcast_in_dim3A_149 = vector.broadcast %broadcast_in_dim3A_148 : vector<2000x1xi1> to vector<2000x128xi1>
    %broadcast_in_dim3A_150 = vector.broadcast %jit3A_147 : f32 to vector<2000x128xf32>
    %select_n3A_151 = arith.select %broadcast_in_dim3A_149, %max3A_33, %broadcast_in_dim3A_150 : vector<2000x128xi1>, vector<2000x128xf32>
    %get3A_152 = arith.constant 2 : index
    %get3A_153 = arith.constant 0 : index
    %get3A_154 = vector.load %arg21[%get3A_152, %get3A_153] : memref<8x128xf32, #tpu.memory_space<vmem>>, vector<1x128xf32>
    %reduce_sum3A_155 = arith.constant dense<0.000000e+00> : vector<128xf32>
    %reduce_sum3A_156 = vector.multi_reduction <add>, %select_n3A_151, %reduce_sum3A_155 [0] : vector<2000x128xf32> to vector<128xf32>
    %broadcast_in_dim3A_157 = vector.shape_cast %reduce_sum3A_156 : vector<128xf32> to vector<1x128xf32>
    %add3A_158 = arith.addf %get3A_154, %broadcast_in_dim3A_157 : vector<1x128xf32>
    %swap3A_159 = arith.constant 2 : index
    %swap3A_160 = arith.constant 0 : index
    %swap3A_161 = vector.load %arg21[%swap3A_159, %swap3A_160] : memref<8x128xf32, #tpu.memory_space<vmem>>, vector<1x128xf32>
    tpu.vector_store %arg21[%swap3A_159, %swap3A_160], %add3A_158 {strides = array<i32>} : memref<8x128xf32, #tpu.memory_space<vmem>>, vector<1x128xf32>,
    %jit3A_162 = arith.constant 1.000000e+00 : f32
    %jit3A_163 = arith.constant 0.000000e+00 : f32
    %broadcast_in_dim3A_164 = vector.broadcast %jit3A_162 : f32 to vector<2000x1xf32>
    %broadcast_in_dim3A_165 = vector.broadcast %jit3A_163 : f32 to vector<2000x1xf32>
    %select_n3A_166 = arith.select %eq3A_131, %broadcast_in_dim3A_164, %broadcast_in_dim3A_165 : vector<2000x1xi1>, vector<2000x1xf32>
    %reduce_sum3A_167 = arith.constant dense<0.000000e+00> : vector<1xf32>
    %reduce_sum3A_168 = vector.multi_reduction <add>, %select_n3A_166, %reduce_sum3A_167 [0] : vector<2000x1xf32> to vector<1xf32>
    %broadcast_in_dim3A_169 = vector.shape_cast %reduce_sum3A_168 : vector<1xf32> to vector<1x1xf32>
    %get3A_170 = arith.constant 2 : index
    %get3A_171 = arith.constant 0 : index
    %get3A_172 = vector.load %arg23[%get3A_170, %get3A_171] : memref<8x128xf32, #tpu.memory_space<vmem>>, vector<1x128xf32>
    %add3A_173 = vector.broadcast %broadcast_in_dim3A_169 : vector<1x1xf32> to vector<1x128xf32>
    %add3A_174 = arith.addf %get3A_172, %add3A_173 : vector<1x128xf32>
    %swap3A_175 = arith.constant 2 : index
    %swap3A_176 = arith.constant 0 : index
    %swap3A_177 = vector.load %arg23[%swap3A_175, %swap3A_176] : memref<8x128xf32, #tpu.memory_space<vmem>>, vector<1x128xf32>
    tpu.vector_store %arg23[%swap3A_175, %swap3A_176], %add3A_174 {strides = array<i32>} : memref<8x128xf32, #tpu.memory_space<vmem>>, vector<1x128xf32>,
    %eq3A_178 = arith.constant 3 : i32
    %eq3A_179 = vector.broadcast %eq3A_178 : i32 to vector<2000x1xi32>
    %eq3A_180 = arith.cmpi eq, %get3A_36, %eq3A_179 : vector<2000x1xi32>
    %jit3A_181 = arith.constant 0xFF800000 : f32
    %broadcast_in_dim3A_182 = vector.shape_cast %eq3A_180 : vector<2000x1xi1> to vector<2000x1xi1>
    %broadcast_in_dim3A_183 = vector.broadcast %broadcast_in_dim3A_182 : vector<2000x1xi1> to vector<2000x128xi1>
    %broadcast_in_dim3A_184 = vector.broadcast %jit3A_181 : f32 to vector<2000x128xf32>
    %select_n3A_185 = arith.select %broadcast_in_dim3A_183, %max3A_33, %broadcast_in_dim3A_184 : vector<2000x128xi1>, vector<2000x128xf32>
    %get3A_186 = arith.constant 3 : index
    %get3A_187 = arith.constant 0 : index
    %get3A_188 = vector.load %arg22[%get3A_186, %get3A_187] : memref<8x128xf32, #tpu.memory_space<vmem>>, vector<1x128xf32>
    %reduce_max3A_189 = arith.constant dense<0xFF800000> : vector<128xf32>
    %reduce_max3A_190 = vector.multi_reduction <maximumf>, %select_n3A_185, %reduce_max3A_189 [0] : vector<2000x128xf32> to vector<128xf32>
    %broadcast_in_dim3A_191 = vector.shape_cast %reduce_max3A_190 : vector<128xf32> to vector<1x128xf32>
    %max3A_192 = arith.maximumf %get3A_188, %broadcast_in_dim3A_191 : vector<1x128xf32>
    %swap3A_193 = arith.constant 3 : index
    %swap3A_194 = arith.constant 0 : index
    %swap3A_195 = vector.load %arg22[%swap3A_193, %swap3A_194] : memref<8x128xf32, #tpu.memory_space<vmem>>, vector<1x128xf32>
    tpu.vector_store %arg22[%swap3A_193, %swap3A_194], %max3A_192 {strides = array<i32>} : memref<8x128xf32, #tpu.memory_space<vmem>>, vector<1x128xf32>,
    %jit3A_196 = arith.constant 0.000000e+00 : f32
    %broadcast_in_dim3A_197 = vector.shape_cast %eq3A_180 : vector<2000x1xi1> to vector<2000x1xi1>
    %broadcast_in_dim3A_198 = vector.broadcast %broadcast_in_dim3A_197 : vector<2000x1xi1> to vector<2000x128xi1>
    %broadcast_in_dim3A_199 = vector.broadcast %jit3A_196 : f32 to vector<2000x128xf32>
    %select_n3A_200 = arith.select %broadcast_in_dim3A_198, %max3A_33, %broadcast_in_dim3A_199 : vector<2000x128xi1>, vector<2000x128xf32>
    %get3A_201 = arith.constant 3 : index
    %get3A_202 = arith.constant 0 : index
    %get3A_203 = vector.load %arg21[%get3A_201, %get3A_202] : memref<8x128xf32, #tpu.memory_space<vmem>>, vector<1x128xf32>
    %reduce_sum3A_204 = arith.constant dense<0.000000e+00> : vector<128xf32>
    %reduce_sum3A_205 = vector.multi_reduction <add>, %select_n3A_200, %reduce_sum3A_204 [0] : vector<2000x128xf32> to vector<128xf32>
    %broadcast_in_dim3A_206 = vector.shape_cast %reduce_sum3A_205 : vector<128xf32> to vector<1x128xf32>
    %add3A_207 = arith.addf %get3A_203, %broadcast_in_dim3A_206 : vector<1x128xf32>
    %swap3A_208 = arith.constant 3 : index
    %swap3A_209 = arith.constant 0 : index
    %swap3A_210 = vector.load %arg21[%swap3A_208, %swap3A_209] : memref<8x128xf32, #tpu.memory_space<vmem>>, vector<1x128xf32>
    tpu.vector_store %arg21[%swap3A_208, %swap3A_209], %add3A_207 {strides = array<i32>} : memref<8x128xf32, #tpu.memory_space<vmem>>, vector<1x128xf32>,
    %jit3A_211 = arith.constant 1.000000e+00 : f32
    %jit3A_212 = arith.constant 0.000000e+00 : f32
    %broadcast_in_dim3A_213 = vector.broadcast %jit3A_211 : f32 to vector<2000x1xf32>
    %broadcast_in_dim3A_214 = vector.broadcast %jit3A_212 : f32 to vector<2000x1xf32>
    %select_n3A_215 = arith.select %eq3A_180, %broadcast_in_dim3A_213, %broadcast_in_dim3A_214 : vector<2000x1xi1>, vector<2000x1xf32>
    %reduce_sum3A_216 = arith.constant dense<0.000000e+00> : vector<1xf32>
    %reduce_sum3A_217 = vector.multi_reduction <add>, %select_n3A_215, %reduce_sum3A_216 [0] : vector<2000x1xf32> to vector<1xf32>
    %broadcast_in_dim3A_218 = vector.shape_cast %reduce_sum3A_217 : vector<1xf32> to vector<1x1xf32>
    %get3A_219 = arith.constant 3 : index
    %get3A_220 = arith.constant 0 : index
    %get3A_221 = vector.load %arg23[%get3A_219, %get3A_220] : memref<8x128xf32, #tpu.memory_space<vmem>>, vector<1x128xf32>
    %add3A_222 = vector.broadcast %broadcast_in_dim3A_218 : vector<1x1xf32> to vector<1x128xf32>
    %add3A_223 = arith.addf %get3A_221, %add3A_222 : vector<1x128xf32>
    %swap3A_224 = arith.constant 3 : index
    %swap3A_225 = arith.constant 0 : index
    %swap3A_226 = vector.load %arg23[%swap3A_224, %swap3A_225] : memref<8x128xf32, #tpu.memory_space<vmem>>, vector<1x128xf32>
    tpu.vector_store %arg23[%swap3A_224, %swap3A_225], %add3A_223 {strides = array<i32>} : memref<8x128xf32, #tpu.memory_space<vmem>>, vector<1x128xf32>,
    %eq3A_227 = arith.constant 4 : i32
    %eq3A_228 = vector.broadcast %eq3A_227 : i32 to vector<2000x1xi32>
    %eq3A_229 = arith.cmpi eq, %get3A_36, %eq3A_228 : vector<2000x1xi32>
    %jit3A_230 = arith.constant 0xFF800000 : f32
    %broadcast_in_dim3A_231 = vector.shape_cast %eq3A_229 : vector<2000x1xi1> to vector<2000x1xi1>
    %broadcast_in_dim3A_232 = vector.broadcast %broadcast_in_dim3A_231 : vector<2000x1xi1> to vector<2000x128xi1>
    %broadcast_in_dim3A_233 = vector.broadcast %jit3A_230 : f32 to vector<2000x128xf32>
    %select_n3A_234 = arith.select %broadcast_in_dim3A_232, %max3A_33, %broadcast_in_dim3A_233 : vector<2000x128xi1>, vector<2000x128xf32>
    %get3A_235 = arith.constant 4 : index
    %get3A_236 = arith.constant 0 : index
    %get3A_237 = vector.load %arg22[%get3A_235, %get3A_236] : memref<8x128xf32, #tpu.memory_space<vmem>>, vector<1x128xf32>
    %reduce_max3A_238 = arith.constant dense<0xFF800000> : vector<128xf32>
    %reduce_max3A_239 = vector.multi_reduction <maximumf>, %select_n3A_234, %reduce_max3A_238 [0] : vector<2000x128xf32> to vector<128xf32>
    %broadcast_in_dim3A_240 = vector.shape_cast %reduce_max3A_239 : vector<128xf32> to vector<1x128xf32>
    %max3A_241 = arith.maximumf %get3A_237, %broadcast_in_dim3A_240 : vector<1x128xf32>
    %swap3A_242 = arith.constant 4 : index
    %swap3A_243 = arith.constant 0 : index
    %swap3A_244 = vector.load %arg22[%swap3A_242, %swap3A_243] : memref<8x128xf32, #tpu.memory_space<vmem>>, vector<1x128xf32>
    tpu.vector_store %arg22[%swap3A_242, %swap3A_243], %max3A_241 {strides = array<i32>} : memref<8x128xf32, #tpu.memory_space<vmem>>, vector<1x128xf32>,
    %jit3A_245 = arith.constant 0.000000e+00 : f32
    %broadcast_in_dim3A_246 = vector.shape_cast %eq3A_229 : vector<2000x1xi1> to vector<2000x1xi1>
    %broadcast_in_dim3A_247 = vector.broadcast %broadcast_in_dim3A_246 : vector<2000x1xi1> to vector<2000x128xi1>
    %broadcast_in_dim3A_248 = vector.broadcast %jit3A_245 : f32 to vector<2000x128xf32>
    %select_n3A_249 = arith.select %broadcast_in_dim3A_247, %max3A_33, %broadcast_in_dim3A_248 : vector<2000x128xi1>, vector<2000x128xf32>
    %get3A_250 = arith.constant 4 : index
    %get3A_251 = arith.constant 0 : index
    %get3A_252 = vector.load %arg21[%get3A_250, %get3A_251] : memref<8x128xf32, #tpu.memory_space<vmem>>, vector<1x128xf32>
    %reduce_sum3A_253 = arith.constant dense<0.000000e+00> : vector<128xf32>
    %reduce_sum3A_254 = vector.multi_reduction <add>, %select_n3A_249, %reduce_sum3A_253 [0] : vector<2000x128xf32> to vector<128xf32>
    %broadcast_in_dim3A_255 = vector.shape_cast %reduce_sum3A_254 : vector<128xf32> to vector<1x128xf32>
    %add3A_256 = arith.addf %get3A_252, %broadcast_in_dim3A_255 : vector<1x128xf32>
    %swap3A_257 = arith.constant 4 : index
    %swap3A_258 = arith.constant 0 : index
    %swap3A_259 = vector.load %arg21[%swap3A_257, %swap3A_258] : memref<8x128xf32, #tpu.memory_space<vmem>>, vector<1x128xf32>
    tpu.vector_store %arg21[%swap3A_257, %swap3A_258], %add3A_256 {strides = array<i32>} : memref<8x128xf32, #tpu.memory_space<vmem>>, vector<1x128xf32>,
    %jit3A_260 = arith.constant 1.000000e+00 : f32
    %jit3A_261 = arith.constant 0.000000e+00 : f32
    %broadcast_in_dim3A_262 = vector.broadcast %jit3A_260 : f32 to vector<2000x1xf32>
    %broadcast_in_dim3A_263 = vector.broadcast %jit3A_261 : f32 to vector<2000x1xf32>
    %select_n3A_264 = arith.select %eq3A_229, %broadcast_in_dim3A_262, %broadcast_in_dim3A_263 : vector<2000x1xi1>, vector<2000x1xf32>
    %reduce_sum3A_265 = arith.constant dense<0.000000e+00> : vector<1xf32>
    %reduce_sum3A_266 = vector.multi_reduction <add>, %select_n3A_264, %reduce_sum3A_265 [0] : vector<2000x1xf32> to vector<1xf32>
    %broadcast_in_dim3A_267 = vector.shape_cast %reduce_sum3A_266 : vector<1xf32> to vector<1x1xf32>
    %get3A_268 = arith.constant 4 : index
    %get3A_269 = arith.constant 0 : index
    %get3A_270 = vector.load %arg23[%get3A_268, %get3A_269] : memref<8x128xf32, #tpu.memory_space<vmem>>, vector<1x128xf32>
    %add3A_271 = vector.broadcast %broadcast_in_dim3A_267 : vector<1x1xf32> to vector<1x128xf32>
    %add3A_272 = arith.addf %get3A_270, %add3A_271 : vector<1x128xf32>
    %swap3A_273 = arith.constant 4 : index
    %swap3A_274 = arith.constant 0 : index
    %swap3A_275 = vector.load %arg23[%swap3A_273, %swap3A_274] : memref<8x128xf32, #tpu.memory_space<vmem>>, vector<1x128xf32>
    tpu.vector_store %arg23[%swap3A_273, %swap3A_274], %add3A_272 {strides = array<i32>} : memref<8x128xf32, #tpu.memory_space<vmem>>, vector<1x128xf32>,
    %eq3A_276 = arith.constant 5 : i32
    %eq3A_277 = vector.broadcast %eq3A_276 : i32 to vector<2000x1xi32>
    %eq3A_278 = arith.cmpi eq, %get3A_36, %eq3A_277 : vector<2000x1xi32>
    %jit3A_279 = arith.constant 0xFF800000 : f32
    %broadcast_in_dim3A_280 = vector.shape_cast %eq3A_278 : vector<2000x1xi1> to vector<2000x1xi1>
    %broadcast_in_dim3A_281 = vector.broadcast %broadcast_in_dim3A_280 : vector<2000x1xi1> to vector<2000x128xi1>
    %broadcast_in_dim3A_282 = vector.broadcast %jit3A_279 : f32 to vector<2000x128xf32>
    %select_n3A_283 = arith.select %broadcast_in_dim3A_281, %max3A_33, %broadcast_in_dim3A_282 : vector<2000x128xi1>, vector<2000x128xf32>
    %get3A_284 = arith.constant 5 : index
    %get3A_285 = arith.constant 0 : index
    %get3A_286 = vector.load %arg22[%get3A_284, %get3A_285] : memref<8x128xf32, #tpu.memory_space<vmem>>, vector<1x128xf32>
    %reduce_max3A_287 = arith.constant dense<0xFF800000> : vector<128xf32>
    %reduce_max3A_288 = vector.multi_reduction <maximumf>, %select_n3A_283, %reduce_max3A_287 [0] : vector<2000x128xf32> to vector<128xf32>
    %broadcast_in_dim3A_289 = vector.shape_cast %reduce_max3A_288 : vector<128xf32> to vector<1x128xf32>
    %max3A_290 = arith.maximumf %get3A_286, %broadcast_in_dim3A_289 : vector<1x128xf32>
    %swap3A_291 = arith.constant 5 : index
    %swap3A_292 = arith.constant 0 : index
    %swap3A_293 = vector.load %arg22[%swap3A_291, %swap3A_292] : memref<8x128xf32, #tpu.memory_space<vmem>>, vector<1x128xf32>
    tpu.vector_store %arg22[%swap3A_291, %swap3A_292], %max3A_290 {strides = array<i32>} : memref<8x128xf32, #tpu.memory_space<vmem>>, vector<1x128xf32>,
    %jit3A_294 = arith.constant 0.000000e+00 : f32
    %broadcast_in_dim3A_295 = vector.shape_cast %eq3A_278 : vector<2000x1xi1> to vector<2000x1xi1>
    %broadcast_in_dim3A_296 = vector.broadcast %broadcast_in_dim3A_295 : vector<2000x1xi1> to vector<2000x128xi1>
    %broadcast_in_dim3A_297 = vector.broadcast %jit3A_294 : f32 to vector<2000x128xf32>
    %select_n3A_298 = arith.select %broadcast_in_dim3A_296, %max3A_33, %broadcast_in_dim3A_297 : vector<2000x128xi1>, vector<2000x128xf32>
    %get3A_299 = arith.constant 5 : index
    %get3A_300 = arith.constant 0 : index
    %get3A_301 = vector.load %arg21[%get3A_299, %get3A_300] : memref<8x128xf32, #tpu.memory_space<vmem>>, vector<1x128xf32>
    %reduce_sum3A_302 = arith.constant dense<0.000000e+00> : vector<128xf32>
    %reduce_sum3A_303 = vector.multi_reduction <add>, %select_n3A_298, %reduce_sum3A_302 [0] : vector<2000x128xf32> to vector<128xf32>
    %broadcast_in_dim3A_304 = vector.shape_cast %reduce_sum3A_303 : vector<128xf32> to vector<1x128xf32>
    %add3A_305 = arith.addf %get3A_301, %broadcast_in_dim3A_304 : vector<1x128xf32>
    %swap3A_306 = arith.constant 5 : index
    %swap3A_307 = arith.constant 0 : index
    %swap3A_308 = vector.load %arg21[%swap3A_306, %swap3A_307] : memref<8x128xf32, #tpu.memory_space<vmem>>, vector<1x128xf32>
    tpu.vector_store %arg21[%swap3A_306, %swap3A_307], %add3A_305 {strides = array<i32>} : memref<8x128xf32, #tpu.memory_space<vmem>>, vector<1x128xf32>,
    %jit3A_309 = arith.constant 1.000000e+00 : f32
    %jit3A_310 = arith.constant 0.000000e+00 : f32
    %broadcast_in_dim3A_311 = vector.broadcast %jit3A_309 : f32 to vector<2000x1xf32>
    %broadcast_in_dim3A_312 = vector.broadcast %jit3A_310 : f32 to vector<2000x1xf32>
    %select_n3A_313 = arith.select %eq3A_278, %broadcast_in_dim3A_311, %broadcast_in_dim3A_312 : vector<2000x1xi1>, vector<2000x1xf32>
    %reduce_sum3A_314 = arith.constant dense<0.000000e+00> : vector<1xf32>
    %reduce_sum3A_315 = vector.multi_reduction <add>, %select_n3A_313, %reduce_sum3A_314 [0] : vector<2000x1xf32> to vector<1xf32>
    %broadcast_in_dim3A_316 = vector.shape_cast %reduce_sum3A_315 : vector<1xf32> to vector<1x1xf32>
    %get3A_317 = arith.constant 5 : index
    %get3A_318 = arith.constant 0 : index
    %get3A_319 = vector.load %arg23[%get3A_317, %get3A_318] : memref<8x128xf32, #tpu.memory_space<vmem>>, vector<1x128xf32>
    %add3A_320 = vector.broadcast %broadcast_in_dim3A_316 : vector<1x1xf32> to vector<1x128xf32>
    %add3A_321 = arith.addf %get3A_319, %add3A_320 : vector<1x128xf32>
    %swap3A_322 = arith.constant 5 : index
    %swap3A_323 = arith.constant 0 : index
    %swap3A_324 = vector.load %arg23[%swap3A_322, %swap3A_323] : memref<8x128xf32, #tpu.memory_space<vmem>>, vector<1x128xf32>
    tpu.vector_store %arg23[%swap3A_322, %swap3A_323], %add3A_321 {strides = array<i32>} : memref<8x128xf32, #tpu.memory_space<vmem>>, vector<1x128xf32>,
    %eq3A_325 = arith.constant 6 : i32
    %eq3A_326 = vector.broadcast %eq3A_325 : i32 to vector<2000x1xi32>
    %eq3A_327 = arith.cmpi eq, %get3A_36, %eq3A_326 : vector<2000x1xi32>
    %jit3A_328 = arith.constant 0xFF800000 : f32
    %broadcast_in_dim3A_329 = vector.shape_cast %eq3A_327 : vector<2000x1xi1> to vector<2000x1xi1>
    %broadcast_in_dim3A_330 = vector.broadcast %broadcast_in_dim3A_329 : vector<2000x1xi1> to vector<2000x128xi1>
    %broadcast_in_dim3A_331 = vector.broadcast %jit3A_328 : f32 to vector<2000x128xf32>
    %select_n3A_332 = arith.select %broadcast_in_dim3A_330, %max3A_33, %broadcast_in_dim3A_331 : vector<2000x128xi1>, vector<2000x128xf32>
    %get3A_333 = arith.constant 6 : index
    %get3A_334 = arith.constant 0 : index
    %get3A_335 = vector.load %arg22[%get3A_333, %get3A_334] : memref<8x128xf32, #tpu.memory_space<vmem>>, vector<1x128xf32>
    %reduce_max3A_336 = arith.constant dense<0xFF800000> : vector<128xf32>
    %reduce_max3A_337 = vector.multi_reduction <maximumf>, %select_n3A_332, %reduce_max3A_336 [0] : vector<2000x128xf32> to vector<128xf32>
    %broadcast_in_dim3A_338 = vector.shape_cast %reduce_max3A_337 : vector<128xf32> to vector<1x128xf32>
    %max3A_339 = arith.maximumf %get3A_335, %broadcast_in_dim3A_338 : vector<1x128xf32>
    %swap3A_340 = arith.constant 6 : index
    %swap3A_341 = arith.constant 0 : index
    %swap3A_342 = vector.load %arg22[%swap3A_340, %swap3A_341] : memref<8x128xf32, #tpu.memory_space<vmem>>, vector<1x128xf32>
    tpu.vector_store %arg22[%swap3A_340, %swap3A_341], %max3A_339 {strides = array<i32>} : memref<8x128xf32, #tpu.memory_space<vmem>>, vector<1x128xf32>,
    %jit3A_343 = arith.constant 0.000000e+00 : f32
    %broadcast_in_dim3A_344 = vector.shape_cast %eq3A_327 : vector<2000x1xi1> to vector<2000x1xi1>
    %broadcast_in_dim3A_345 = vector.broadcast %broadcast_in_dim3A_344 : vector<2000x1xi1> to vector<2000x128xi1>
    %broadcast_in_dim3A_346 = vector.broadcast %jit3A_343 : f32 to vector<2000x128xf32>
    %select_n3A_347 = arith.select %broadcast_in_dim3A_345, %max3A_33, %broadcast_in_dim3A_346 : vector<2000x128xi1>, vector<2000x128xf32>
    %get3A_348 = arith.constant 6 : index
    %get3A_349 = arith.constant 0 : index
    %get3A_350 = vector.load %arg21[%get3A_348, %get3A_349] : memref<8x128xf32, #tpu.memory_space<vmem>>, vector<1x128xf32>
    %reduce_sum3A_351 = arith.constant dense<0.000000e+00> : vector<128xf32>
    %reduce_sum3A_352 = vector.multi_reduction <add>, %select_n3A_347, %reduce_sum3A_351 [0] : vector<2000x128xf32> to vector<128xf32>
    %broadcast_in_dim3A_353 = vector.shape_cast %reduce_sum3A_352 : vector<128xf32> to vector<1x128xf32>
    %add3A_354 = arith.addf %get3A_350, %broadcast_in_dim3A_353 : vector<1x128xf32>
    %swap3A_355 = arith.constant 6 : index
    %swap3A_356 = arith.constant 0 : index
    %swap3A_357 = vector.load %arg21[%swap3A_355, %swap3A_356] : memref<8x128xf32, #tpu.memory_space<vmem>>, vector<1x128xf32>
    tpu.vector_store %arg21[%swap3A_355, %swap3A_356], %add3A_354 {strides = array<i32>} : memref<8x128xf32, #tpu.memory_space<vmem>>, vector<1x128xf32>,
    %jit3A_358 = arith.constant 1.000000e+00 : f32
    %jit3A_359 = arith.constant 0.000000e+00 : f32
    %broadcast_in_dim3A_360 = vector.broadcast %jit3A_358 : f32 to vector<2000x1xf32>
    %broadcast_in_dim3A_361 = vector.broadcast %jit3A_359 : f32 to vector<2000x1xf32>
    %select_n3A_362 = arith.select %eq3A_327, %broadcast_in_dim3A_360, %broadcast_in_dim3A_361 : vector<2000x1xi1>, vector<2000x1xf32>
    %reduce_sum3A_363 = arith.constant dense<0.000000e+00> : vector<1xf32>
    %reduce_sum3A_364 = vector.multi_reduction <add>, %select_n3A_362, %reduce_sum3A_363 [0] : vector<2000x1xf32> to vector<1xf32>
    %broadcast_in_dim3A_365 = vector.shape_cast %reduce_sum3A_364 : vector<1xf32> to vector<1x1xf32>
    %get3A_366 = arith.constant 6 : index
    %get3A_367 = arith.constant 0 : index
    %get3A_368 = vector.load %arg23[%get3A_366, %get3A_367] : memref<8x128xf32, #tpu.memory_space<vmem>>, vector<1x128xf32>
    %add3A_369 = vector.broadcast %broadcast_in_dim3A_365 : vector<1x1xf32> to vector<1x128xf32>
    %add3A_370 = arith.addf %get3A_368, %add3A_369 : vector<1x128xf32>
    %swap3A_371 = arith.constant 6 : index
    %swap3A_372 = arith.constant 0 : index
    %swap3A_373 = vector.load %arg23[%swap3A_371, %swap3A_372] : memref<8x128xf32, #tpu.memory_space<vmem>>, vector<1x128xf32>
    tpu.vector_store %arg23[%swap3A_371, %swap3A_372], %add3A_370 {strides = array<i32>} : memref<8x128xf32, #tpu.memory_space<vmem>>, vector<1x128xf32>,
    %eq3A_374 = arith.constant 7 : i32
    %eq3A_375 = vector.broadcast %eq3A_374 : i32 to vector<2000x1xi32>
    %eq3A_376 = arith.cmpi eq, %get3A_36, %eq3A_375 : vector<2000x1xi32>
    %jit3A_377 = arith.constant 0xFF800000 : f32
    %broadcast_in_dim3A_378 = vector.shape_cast %eq3A_376 : vector<2000x1xi1> to vector<2000x1xi1>
    %broadcast_in_dim3A_379 = vector.broadcast %broadcast_in_dim3A_378 : vector<2000x1xi1> to vector<2000x128xi1>
    %broadcast_in_dim3A_380 = vector.broadcast %jit3A_377 : f32 to vector<2000x128xf32>
    %select_n3A_381 = arith.select %broadcast_in_dim3A_379, %max3A_33, %broadcast_in_dim3A_380 : vector<2000x128xi1>, vector<2000x128xf32>
    %get3A_382 = arith.constant 7 : index
    %get3A_383 = arith.constant 0 : index
    %get3A_384 = vector.load %arg22[%get3A_382, %get3A_383] : memref<8x128xf32, #tpu.memory_space<vmem>>, vector<1x128xf32>
    %reduce_max3A_385 = arith.constant dense<0xFF800000> : vector<128xf32>
    %reduce_max3A_386 = vector.multi_reduction <maximumf>, %select_n3A_381, %reduce_max3A_385 [0] : vector<2000x128xf32> to vector<128xf32>
    %broadcast_in_dim3A_387 = vector.shape_cast %reduce_max3A_386 : vector<128xf32> to vector<1x128xf32>
    %max3A_388 = arith.maximumf %get3A_384, %broadcast_in_dim3A_387 : vector<1x128xf32>
    %swap3A_389 = arith.constant 7 : index
    %swap3A_390 = arith.constant 0 : index
    %swap3A_391 = vector.load %arg22[%swap3A_389, %swap3A_390] : memref<8x128xf32, #tpu.memory_space<vmem>>, vector<1x128xf32>
    tpu.vector_store %arg22[%swap3A_389, %swap3A_390], %max3A_388 {strides = array<i32>} : memref<8x128xf32, #tpu.memory_space<vmem>>, vector<1x128xf32>,
    %jit3A_392 = arith.constant 0.000000e+00 : f32
    %broadcast_in_dim3A_393 = vector.shape_cast %eq3A_376 : vector<2000x1xi1> to vector<2000x1xi1>
    %broadcast_in_dim3A_394 = vector.broadcast %broadcast_in_dim3A_393 : vector<2000x1xi1> to vector<2000x128xi1>
    %broadcast_in_dim3A_395 = vector.broadcast %jit3A_392 : f32 to vector<2000x128xf32>
    %select_n3A_396 = arith.select %broadcast_in_dim3A_394, %max3A_33, %broadcast_in_dim3A_395 : vector<2000x128xi1>, vector<2000x128xf32>
    %get3A_397 = arith.constant 7 : index
    %get3A_398 = arith.constant 0 : index
    %get3A_399 = vector.load %arg21[%get3A_397, %get3A_398] : memref<8x128xf32, #tpu.memory_space<vmem>>, vector<1x128xf32>
    %reduce_sum3A_400 = arith.constant dense<0.000000e+00> : vector<128xf32>
    %reduce_sum3A_401 = vector.multi_reduction <add>, %select_n3A_396, %reduce_sum3A_400 [0] : vector<2000x128xf32> to vector<128xf32>
    %broadcast_in_dim3A_402 = vector.shape_cast %reduce_sum3A_401 : vector<128xf32> to vector<1x128xf32>
    %add3A_403 = arith.addf %get3A_399, %broadcast_in_dim3A_402 : vector<1x128xf32>
    %swap3A_404 = arith.constant 7 : index
    %swap3A_405 = arith.constant 0 : index
    %swap3A_406 = vector.load %arg21[%swap3A_404, %swap3A_405] : memref<8x128xf32, #tpu.memory_space<vmem>>, vector<1x128xf32>
    tpu.vector_store %arg21[%swap3A_404, %swap3A_405], %add3A_403 {strides = array<i32>} : memref<8x128xf32, #tpu.memory_space<vmem>>, vector<1x128xf32>,
    %jit3A_407 = arith.constant 1.000000e+00 : f32
    %jit3A_408 = arith.constant 0.000000e+00 : f32
    %broadcast_in_dim3A_409 = vector.broadcast %jit3A_407 : f32 to vector<2000x1xf32>
    %broadcast_in_dim3A_410 = vector.broadcast %jit3A_408 : f32 to vector<2000x1xf32>
    %select_n3A_411 = arith.select %eq3A_376, %broadcast_in_dim3A_409, %broadcast_in_dim3A_410 : vector<2000x1xi1>, vector<2000x1xf32>
    %reduce_sum3A_412 = arith.constant dense<0.000000e+00> : vector<1xf32>
    %reduce_sum3A_413 = vector.multi_reduction <add>, %select_n3A_411, %reduce_sum3A_412 [0] : vector<2000x1xf32> to vector<1xf32>
    %broadcast_in_dim3A_414 = vector.shape_cast %reduce_sum3A_413 : vector<1xf32> to vector<1x1xf32>
    %get3A_415 = arith.constant 7 : index
    %get3A_416 = arith.constant 0 : index
    %get3A_417 = vector.load %arg23[%get3A_415, %get3A_416] : memref<8x128xf32, #tpu.memory_space<vmem>>, vector<1x128xf32>
    %add3A_418 = vector.broadcast %broadcast_in_dim3A_414 : vector<1x1xf32> to vector<1x128xf32>
    %add3A_419 = arith.addf %get3A_417, %add3A_418 : vector<1x128xf32>
    %swap3A_420 = arith.constant 7 : index
    %swap3A_421 = arith.constant 0 : index
    %swap3A_422 = vector.load %arg23[%swap3A_420, %swap3A_421] : memref<8x128xf32, #tpu.memory_space<vmem>>, vector<1x128xf32>
    tpu.vector_store %arg23[%swap3A_420, %swap3A_421], %add3A_419 {strides = array<i32>} : memref<8x128xf32, #tpu.memory_space<vmem>>, vector<1x128xf32>,
    %eq3A_423 = arith.constant 4 : i32
    %eq3A_424 = arith.cmpi eq, %arg0, %eq3A_423 : i32
    %convert_element_type3A_425 = arith.extui %eq3A_424 : i1 to i32
    %cond3A_426 = arith.constant 0 : i32
    %cond3A_427 = arith.cmpi ne, %convert_element_type3A_425, %cond3A_426 : i32
    scf.if %cond3A_427 {
      %get3A_428 = arith.constant 0 : index
      %get3A_429 = arith.constant 0 : index
      %get3A_430 = vector.load %arg21[%get3A_428, %get3A_429] : memref<8x128xf32, #tpu.memory_space<vmem>>, vector<8x128xf32>
      %get3A_431 = arith.constant 0 : index
      %get3A_432 = arith.constant 0 : index
      %get3A_433 = vector.load %arg23[%get3A_431, %get3A_432] : memref<8x128xf32, #tpu.memory_space<vmem>>, vector<8x128xf32>
      %max3A_434 = arith.constant 1.000000e+00 : f32
      %max3A_435 = vector.broadcast %max3A_434 : f32 to vector<8x128xf32>
      %max3A_436 = arith.maximumf %get3A_433, %max3A_435 : vector<8x128xf32>
      %div3A = arith.divf %get3A_430, %max3A_436 : vector<8x128xf32>
      %get3A_437 = arith.constant 0 : index
      %get3A_438 = arith.constant 0 : index
      %get3A_439 = vector.load %arg22[%get3A_437, %get3A_438] : memref<8x128xf32, #tpu.memory_space<vmem>>, vector<8x128xf32>
      %get3A_440 = arith.constant 0 : index
      %get3A_441 = arith.constant 0 : index
      %get3A_442 = vector.load %arg9[%get3A_440, %get3A_441] : memref<8x32xf32, #tpu.memory_space<vmem>>, vector<8x32xf32>
      %concatenate3A = tpu.concatenate %div3A, %get3A_439, %get3A_430, %get3A_442 in 1 : vector<8x128xf32>, vector<8x128xf32>, vector<8x128xf32>, vector<8x32xf32> -> vector<8x416xf32>
      %get3A_443 = arith.constant 0 : index
      %get3A_444 = arith.constant 0 : index
      %get3A_445 = vector.load %arg10[%get3A_443, %get3A_444] : memref<416x256xf32, #tpu.memory_space<vmem>>, vector<416x256xf32>
      %dot_general3A = arith.constant dense<0.000000e+00> : vector<8x256xf32>
      %dot_general3A_446 = tpu.matmul %concatenate3A, %get3A_445, %dot_general3A {dimension_numbers = #tpu.dot_dimension_numbers<[1], [0], [0], [1], [0, 0, 1, 1], [], []>, transpose_lhs_hint = false} : vector<8x416xf32>, vector<416x256xf32>, vector<8x256xf32> -> vector<8x256xf32>
      %get3A_447 = arith.constant 0 : index
      %get3A_448 = arith.constant 0 : index
      %get3A_449 = vector.load %arg11[%get3A_447, %get3A_448] : memref<1x256xf32, #tpu.memory_space<vmem>>, vector<1x256xf32>
      %add3A_450 = vector.broadcast %get3A_449 : vector<1x256xf32> to vector<8x256xf32>
      %add3A_451 = arith.addf %dot_general3A_446, %add3A_450 : vector<8x256xf32>
      %get3A_452 = arith.constant 0 : index
      %get3A_453 = arith.constant 0 : index
      %get3A_454 = vector.load %arg12[%get3A_452, %get3A_453] : memref<1x256xf32, #tpu.memory_space<vmem>>, vector<1x256xf32>
      %mul3A_455 = arith.constant 0.999994993 : f32
      %mul3A_456 = vector.broadcast %mul3A_455 : f32 to vector<1x256xf32>
      %mul3A_457 = arith.mulf %get3A_454, %mul3A_456 : vector<1x256xf32>
      %mul3A_458 = vector.broadcast %mul3A_457 : vector<1x256xf32> to vector<8x256xf32>
      %mul3A_459 = arith.mulf %mul3A_458, %add3A_451 : vector<8x256xf32>
      %get3A_460 = arith.constant 0 : index
      %get3A_461 = arith.constant 0 : index
      %get3A_462 = vector.load %arg13[%get3A_460, %get3A_461] : memref<1x256xf32, #tpu.memory_space<vmem>>, vector<1x256xf32>
      %add3A_463 = vector.broadcast %get3A_462 : vector<1x256xf32> to vector<8x256xf32>
      %add3A_464 = arith.addf %mul3A_459, %add3A_463 : vector<8x256xf32>
      %max3A_465 = arith.constant 0.000000e+00 : f32
      %max3A_466 = vector.broadcast %max3A_465 : f32 to vector<8x256xf32>
      %max3A_467 = arith.maximumf %add3A_464, %max3A_466 : vector<8x256xf32>
      %get3A_468 = arith.constant 0 : index
      %get3A_469 = arith.constant 0 : index
      %get3A_470 = vector.load %arg14[%get3A_468, %get3A_469] : memref<256x128xf32, #tpu.memory_space<vmem>>, vector<256x128xf32>
      %dot_general3A_471 = arith.constant dense<0.000000e+00> : vector<8x128xf32>
      %dot_general3A_472 = tpu.matmul %max3A_467, %get3A_470, %dot_general3A_471 {dimension_numbers = #tpu.dot_dimension_numbers<[1], [0], [0], [1], [0, 0, 1, 1], [], []>, transpose_lhs_hint = false} : vector<8x256xf32>, vector<256x128xf32>, vector<8x128xf32> -> vector<8x128xf32>
      %get3A_473 = arith.constant 0 : index
      %get3A_474 = arith.constant 0 : index
      %get3A_475 = vector.load %arg15[%get3A_473, %get3A_474] : memref<1x128xf32, #tpu.memory_space<vmem>>, vector<1x128xf32>
      %add3A_476 = vector.broadcast %get3A_475 : vector<1x128xf32> to vector<8x128xf32>
      %add3A_477 = arith.addf %dot_general3A_472, %add3A_476 : vector<8x128xf32>
      %get3A_478 = arith.constant 0 : index
      %get3A_479 = arith.constant 0 : index
      %get3A_480 = vector.load %arg16[%get3A_478, %get3A_479] : memref<1x128xf32, #tpu.memory_space<vmem>>, vector<1x128xf32>
      %mul3A_481 = arith.constant 0.999994993 : f32
      %mul3A_482 = vector.broadcast %mul3A_481 : f32 to vector<1x128xf32>
      %mul3A_483 = arith.mulf %get3A_480, %mul3A_482 : vector<1x128xf32>
      %mul3A_484 = vector.broadcast %mul3A_483 : vector<1x128xf32> to vector<8x128xf32>
      %mul3A_485 = arith.mulf %mul3A_484, %add3A_477 : vector<8x128xf32>
      %get3A_486 = arith.constant 0 : index
      %get3A_487 = arith.constant 0 : index
      %get3A_488 = vector.load %arg17[%get3A_486, %get3A_487] : memref<1x128xf32, #tpu.memory_space<vmem>>, vector<1x128xf32>
      %add3A_489 = vector.broadcast %get3A_488 : vector<1x128xf32> to vector<8x128xf32>
      %add3A_490 = arith.addf %mul3A_485, %add3A_489 : vector<8x128xf32>
      %max3A_491 = arith.constant 0.000000e+00 : f32
      %max3A_492 = vector.broadcast %max3A_491 : f32 to vector<8x128xf32>
      %max3A_493 = arith.maximumf %add3A_490, %max3A_492 : vector<8x128xf32>
      %get3A_494 = arith.constant 0 : index
      %get3A_495 = arith.constant 0 : index
      %get3A_496 = vector.load %arg18[%get3A_494, %get3A_495] : memref<128x2xf32, #tpu.memory_space<vmem>>, vector<128x2xf32>
      %dot_general3A_497 = arith.constant dense<0.000000e+00> : vector<8x2xf32>
      %dot_general3A_498 = tpu.matmul %max3A_493, %get3A_496, %dot_general3A_497 {dimension_numbers = #tpu.dot_dimension_numbers<[1], [0], [0], [1], [0, 0, 1, 1], [], []>, transpose_lhs_hint = false} : vector<8x128xf32>, vector<128x2xf32>, vector<8x2xf32> -> vector<8x2xf32>
      %get3A_499 = arith.constant 0 : index
      %get3A_500 = arith.constant 0 : index
      %get3A_501 = vector.load %arg19[%get3A_499, %get3A_500] : memref<1x2xf32, #tpu.memory_space<vmem>>, vector<1x2xf32>
      %add3A_502 = vector.broadcast %get3A_501 : vector<1x2xf32> to vector<8x2xf32>
      %add3A_503 = arith.addf %dot_general3A_498, %add3A_502 : vector<8x2xf32>
      %swap3A_504 = arith.constant 0 : index
      %swap3A_505 = arith.constant 0 : index
      %swap3A_506 = vector.load %arg20[%swap3A_504, %swap3A_505] : memref<8x2xf32, #tpu.memory_space<vmem>>, vector<8x2xf32>
      tpu.vector_store %arg20[%swap3A_504, %swap3A_505], %add3A_503 {strides = array<i32>} : memref<8x2xf32, #tpu.memory_space<vmem>>, vector<8x2xf32>,
    } else {
    }
    return
  }
  func.func @transform_0(%arg0: i32) -> (i32, i32) {
    %c0_i32 = arith.constant 0 : i32
    %c0_i32_0 = arith.constant 0 : i32
    return %arg0, %c0_i32 : i32, i32
  }
  func.func @transform_1(%arg0: i32) -> (i32, i32) {
    %c0_i32 = arith.constant 0 : i32
    %c0_i32_0 = arith.constant 0 : i32
    return %arg0, %c0_i32 : i32, i32
  }
  func.func @transform_2(%arg0: i32) -> (i32, i32) {
    %c0_i32 = arith.constant 0 : i32
    %c0_i32_0 = arith.constant 0 : i32
    return %arg0, %c0_i32 : i32, i32
  }
  func.func @transform_3(%arg0: i32) -> (i32, i32) {
    %c0_i32 = arith.constant 0 : i32
    %c0_i32_0 = arith.constant 0 : i32
    return %arg0, %c0_i32 : i32, i32
  }
  func.func @transform_4(%arg0: i32) -> (i32, i32) {
    %c0_i32 = arith.constant 0 : i32
    %c0_i32_0 = arith.constant 0 : i32
    %c0_i32_1 = arith.constant 0 : i32
    return %c0_i32, %c0_i32_0 : i32, i32
  }
  func.func @transform_5(%arg0: i32) -> (i32, i32) {
    %c0_i32 = arith.constant 0 : i32
    %c0_i32_0 = arith.constant 0 : i32
    %c0_i32_1 = arith.constant 0 : i32
    return %c0_i32, %c0_i32_0 : i32, i32
  }
  func.func @transform_6(%arg0: i32) -> (i32, i32) {
    %c0_i32 = arith.constant 0 : i32
    %c0_i32_0 = arith.constant 0 : i32
    %c0_i32_1 = arith.constant 0 : i32
    return %c0_i32, %c0_i32_0 : i32, i32
  }
  func.func @transform_7(%arg0: i32) -> (i32, i32) {
    %c0_i32 = arith.constant 0 : i32
    %c0_i32_0 = arith.constant 0 : i32
    return %arg0, %c0_i32 : i32, i32
  }
  func.func @transform_8(%arg0: i32) -> (i32, i32) {
    %c0_i32 = arith.constant 0 : i32
    %c0_i32_0 = arith.constant 0 : i32
    %c0_i32_1 = arith.constant 0 : i32
    return %c0_i32, %c0_i32_0 : i32, i32
  }
  func.func @transform_9(%arg0: i32) -> (i32, i32) {
    %c0_i32 = arith.constant 0 : i32
    %c0_i32_0 = arith.constant 0 : i32
    %c0_i32_1 = arith.constant 0 : i32
    return %c0_i32, %c0_i32_0 : i32, i32
  }
  func.func @transform_10(%arg0: i32) -> (i32, i32) {
    %c0_i32 = arith.constant 0 : i32
    %c0_i32_0 = arith.constant 0 : i32
    %c0_i32_1 = arith.constant 0 : i32
    return %c0_i32, %c0_i32_0 : i32, i32
  }
  func.func @transform_11(%arg0: i32) -> (i32, i32) {
    %c0_i32 = arith.constant 0 : i32
    %c0_i32_0 = arith.constant 0 : i32
    %c0_i32_1 = arith.constant 0 : i32
    return %c0_i32, %c0_i32_0 : i32, i32
  }
  func.func @transform_12(%arg0: i32) -> (i32, i32) {
    %c0_i32 = arith.constant 0 : i32
    %c0_i32_0 = arith.constant 0 : i32
    %c0_i32_1 = arith.constant 0 : i32
    return %c0_i32, %c0_i32_0 : i32, i32
  }
  func.func @transform_13(%arg0: i32) -> (i32, i32) {
    %c0_i32 = arith.constant 0 : i32
    %c0_i32_0 = arith.constant 0 : i32
    %c0_i32_1 = arith.constant 0 : i32
    return %c0_i32, %c0_i32_0 : i32, i32
  }
  func.func @transform_14(%arg0: i32) -> (i32, i32) {
    %c0_i32 = arith.constant 0 : i32
    %c0_i32_0 = arith.constant 0 : i32
    %c0_i32_1 = arith.constant 0 : i32
    return %c0_i32, %c0_i32_0 : i32, i32
  }
  func.func @transform_15(%arg0: i32) -> (i32, i32) {
    %c0_i32 = arith.constant 0 : i32
    %c0_i32_0 = arith.constant 0 : i32
    %c0_i32_1 = arith.constant 0 : i32
    return %c0_i32, %c0_i32_0 : i32, i32
  }
  func.func @transform_16(%arg0: i32) -> (i32, i32) {
    %c0_i32 = arith.constant 0 : i32
    %c0_i32_0 = arith.constant 0 : i32
    %c0_i32_1 = arith.constant 0 : i32
    return %c0_i32, %c0_i32_0 : i32, i32
  }
  func.func @transform_17(%arg0: i32) -> (i32, i32) {
    %c0_i32 = arith.constant 0 : i32
    %c0_i32_0 = arith.constant 0 : i32
    %c0_i32_1 = arith.constant 0 : i32
    return %c0_i32, %c0_i32_0 : i32, i32
  }
  func.func @transform_18(%arg0: i32) -> (i32, i32) {
    %c0_i32 = arith.constant 0 : i32
    %c0_i32_0 = arith.constant 0 : i32
    %c0_i32_1 = arith.constant 0 : i32
    return %c0_i32, %c0_i32_0 : i32, i32
  }
  func.func @transform_19(%arg0: i32) -> (i32, i32) {
    %c0_i32 = arith.constant 0 : i32
    %c0_i32_0 = arith.constant 0 : i32
    %c0_i32_1 = arith.constant 0 : i32
    return %c0_i32, %c0_i32_0 : i32, i32
  }
}

</mosaic_0001>

<sc_bundles>
// kernel: kernel.13.cloned.1.call-start
scs
__scs_entry_jumppad:
0x0: {  	(pc) =	sbr.rel $0x88, $3  }
0x1: {  	(tag) =	ssettag $0x0;
	lr =	simm.s32 $0x1  }
0x2: {  	[smem:$0x3F8B] =	sst lr;
	_ =	strace $0xD0000000  }
0x3: {  	_ = 	snop  }
0x4: {  	_ = 	snop  }
0x5: {  	_ = 	snop  }
0x6: {  	_ = 	snop  }
0x7: {  	_ = 	snop  }
__scs_overlays_trampoline_lowered:
0x8: {  	[smem:$0x3F9A] =	sst s0  }
0x9: {  	[smem:$0x3F9B] =	sst s1  }
0xa: {  	[smem:$0x3F9C] =	sst s2  }
0xb: {  	[smem:$0x3F9D] =	sst s3  }
0xc: {  	[smem:$0x3F9E] =	sst s4  }
0xd: {  	[smem:$0x3F9F] =	sst s5  }
0xe: {  	[smem:$0x3FA0] =	sst s6  }
0xf: {  	[smem:$0x3FA1] =	sst s7  }
0x10: {  	[smem:$0x3FA2] =	sst s8  }
0x11: {  	[smem:$0x3FA3] =	sst s9;
	s0 =	simm.s32 @!p0 $0x0  }
0x12: {  	s1 =	sld [smem:$0x3F89];
	s0 =	simm.s32 @p0 $0x1  }
0x13: {  	[smem:$0x3FA4] =	sst s0;
	s0 =	simm.s32 @!p1 $0x0  }
0x14: {  	s2 =	sld [smem:$0x3F88];
	s0 =	simm.s32 @p1 $0x1  }
0x15: {  	[smem:$0x3FA5] =	sst s0;
	s0 =	simm.s32 @!p2 $0x0  }
0x16: {  	s3 =	sld [smem:$0x3FDB];
	s0 =	simm.s32 @p2 $0x1  }
0x17: {  	s4 =	simm.s32 $0x1BF5;
	[smem:$0x3FA7] =	sst s0  }
0x18: {  	s0 =	sld [smem:$0x3F8A];
	_ =	swait.ge [sflag:s4], $0x0  }
0x19: {  	s7 =	sld [smem:$0x3F8B]  }
0x1a: {  	s8 =	sadd.s32 $0xFFFFE003, lr  }
0x1b: {  	s9 =	sadd.s32 $0xFFFFFEF7, lr;
	s5 =	simm.s32 $0xFFFFFFFF;
	p2 =	slt.u32 s8, $0xFFFFF086  }
0x1c: {  	p1 =	slt.u32 s9, $0xF7A;
	s5 =	simm.s32 @!p2 $0x0  }
0x1d: {  	s5 =	simm.s32 @p1 $0x1;
	p0 =	seq.s32 s7, s2  }
0x1e: {  	s7 =	smul.u32 @!p0 $0xF7A, s2;
	p2 =	seq.s32 @!p0 s5, $0x0  }
0x1f: {  	s9 =	smul.u32 $0xF7A, s1;
	s8 =	simm.s32 @!p0 $0x1BF5;
	p2 =	por !p2, p0  }
0x20: {  	[sflag:s8] =	ssyncset.s32 @!p0 $0xFFFFF086;
	s6 =	sadd.s32 @!p0 s3, s7;
	s7 =	simm.s32 @!p0 $0x108  }
0x21: {  	s3 =	sadd.s32 s3, s9;
	s6 =	sadd.s32 @!p0 $0x88, s6;
	s7 =	simm.s32 @p2 $0x1082  }
0x22: {  	[simem:s7], [sflag:s8] =	dma.local @!p0 [hbm:s6], $0xF7A  }
0x23: {  	s9 =	sor.u32 $0xD0000000, s2;
	s6 =	simm.s32 $0x108;
	_ =	swait.ge @!p0 [sflag:s8], $0x0  }
0x24: {  	s3 =	sadd.s32 $0x88, s3;
	s6 =	simm.s32 @!p1 $0x1082;
	[sflag:s4] =	ssyncset.s32 $0xFFFFF086  }
0x25: {  	[simem:s6], [sflag:s4] =	dma.local [hbm:s3], $0xF7A  }
0x26: {  	[smem:$0x3F8B] =	sst s1;
	(tag) =	ssettag s2;
	_ =	strace s9  }
0x27: {  	s1 =	sld [smem:$0x3F9B]  }
0x28: {  	s2 =	sld [smem:$0x3F9C]  }
0x29: {  	s4 =	sld [smem:$0x3F9E]  }
0x2a: {  	p0 =	seq.s32 s5, $0x0;
	s5 =	sld [smem:$0x3F9F]  }
0x2b: {  	s6 =	sld [smem:$0x3FA0]  }
0x2c: {  	s7 =	sld [smem:$0x3FA1]  }
0x2d: {  	s3 =	simm.s32 $0x108;
	s8 =	sld [smem:$0x3FA2]  }
0x2e: {  	s3 =	simm.s32 @!p0 $0x1082;
	s9 =	sld [smem:$0x3FA3]  }
0x2f: {  	lr =	sadd.s32 s0, s3;
	s0 =	sld [smem:$0x3F9A]  }
0x30: {  	s3 =	sld [smem:$0x3F9D]  }
0x31: {  	[smem:$0x3FA6] =	sst s10  }
0x32: {  	s10 =	sld [smem:$0x3FA4];
	_ =	sdelay $0x3  }
0x33: {  	p0 =	seq.s32 s10, $0x1;
	s10 =	sld [smem:$0x3FA6];
	_ =	sdelay $0x3  }
0x34: {  	[smem:$0x3FA6] =	sst s10  }
0x35: {  	s10 =	sld [smem:$0x3FA5];
	_ =	sdelay $0x3  }
0x36: {  	p1 =	seq.s32 s10, $0x1;
	s10 =	sld [smem:$0x3FA6];
	_ =	sdelay $0x3  }
0x37: {  	[smem:$0x3FA6] =	sst s10  }
0x38: {  	s10 =	sld [smem:$0x3FA7]  }
0x39: {  	_ = 	snop;
	(pc) =	sbr.ind lr, $3  }
0x3a: {  	_ = 	snop  }
0x3b: {  	_ = 	snop  }
0x3c: {  	p2 =	seq.s32 s10, $0x1;
	s10 =	sld [smem:$0x3FA6]  }
0x3d: {  	_ =	shalt  }
0x3e: {  	_ =	shalt  }
0x3f: {  	_ =	shalt  }
0x40: {  	_ =	shalt  }
0x41: {  	_ =	shalt  }
0x42: {  	_ =	shalt  }
0x43: {  	_ =	shalt  }
0x44: {  	_ =	shalt  }
0x45: {  	_ =	shalt  }
0x46: {  	_ =	shalt  }
0x47: {  	_ =	shalt  }
0x48: {  	_ =	shalt  }
0x49: {  	_ =	shalt  }
0x4a: {  	_ =	shalt  }
0x4b: {  	_ =	shalt  }
0x4c: {  	_ =	shalt  }
0x4d: {  	_ =	shalt  }
0x4e: {  	_ =	shalt  }
0x4f: {  	_ =	shalt  }
0x50: {  	_ =	shalt  }
0x51: {  	_ =	shalt  }
0x52: {  	_ =	shalt  }
0x53: {  	_ =	shalt  }
0x54: {  	_ =	shalt  }
0x55: {  	_ =	shalt  }
0x56: {  	_ =	shalt  }
0x57: {  	_ =	shalt  }
0x58: {  	_ =	shalt  }
0x59: {  	_ =	shalt  }
0x5a: {  	_ =	shalt  }
0x5b: {  	_ =	shalt  }
0x5c: {  	_ =	shalt  }
0x5d: {  	_ =	shalt  }
0x5e: {  	_ =	shalt  }
0x5f: {  	_ =	shalt  }
0x60: {  	_ =	shalt  }
0x61: {  	_ =	shalt  }
0x62: {  	_ =	shalt  }
0x63: {  	_ =	shalt  }
0x64: {  	_ =	shalt  }
0x65: {  	_ =	shalt  }
0x66: {  	_ =	shalt  }
0x67: {  	_ =	shalt  }
0x68: {  	_ =	shalt  }
0x69: {  	_ =	shalt  }
0x6a: {  	_ =	shalt  }
0x6b: {  	_ =	shalt  }
0x6c: {  	_ =	shalt  }
0x6d: {  	_ =	shalt  }
0x6e: {  	_ =	shalt  }
0x6f: {  	_ =	shalt  }
0x70: {  	_ =	shalt  }
0x71: {  	_ =	shalt  }
0x72: {  	_ =	shalt  }
0x73: {  	_ =	shalt  }
0x74: {  	_ =	shalt  }
0x75: {  	_ =	shalt  }
0x76: {  	_ =	shalt  }
0x77: {  	_ =	shalt  }
0x78: {  	_ =	shalt  }
0x79: {  	_ =	shalt  }
0x7a: {  	_ =	shalt  }
0x7b: {  	_ =	shalt  }
0x7c: {  	_ =	shalt  }
0x7d: {  	_ =	shalt  }
0x7e: {  	_ =	shalt  }
0x7f: {  	_ =	shalt  }
0x80: {  	_ =	shalt  }
0x81: {  	_ =	shalt  }
0x82: {  	_ =	shalt  }
0x83: {  	_ =	shalt  }
0x84: {  	_ =	shalt  }
0x85: {  	_ =	shalt  }
0x86: {  	_ =	shalt  }
0x87: {  	_ =	shalt  }
.Lfunc_end0:
.L_simem_size_0:
called_computation_lowered:
.L_overlay_start_0:
0x88: {  	s2 =	sld [smem:$0x3FD9]  }
0x89: {  	s3 =	sld [smem:$0x3FFE];
	_ =	sdelay $0x1  }
0x8a: {  	s1 =	srdreg.scid  }
0x8b: {  	s0 =	sand.u32 $0x1, s1  }
0x8c: {  	s16 =	sshll.u32 s0, $0xA;
	s2 =	sadd.s32 s3, s2  }
0x8d: {  	s2 =	sadd.s32 s2, s16  }
0x8e: {  	[smem:$0x3FB2] =	sst s2  }
0x8f: {  	_ = 	snop  }
0x90: {  	(tm) =	ssettm $0x1  }
0x91: {  	s17 =	sld [smem:$0x3FFB];
	_ =	sdelay $0x3  }
0x92: {  	_ =	strace s17  }
0x93: {  	s2 =	sld [smem:$0x3FFC];
	_ =	sdelay $0x3  }
0x94: {  	_ =	strace s2  }
0x95: {  	s2 =	sld [smem:$0x3FFD];
	_ =	sdelay $0x3  }
0x96: {  	_ =	strace s2  }
0x97: {  	_ =	strace $0x8FFFFFFF  }
0x98: {  	s18 =	sld [smem:$0x3FDB];
	_ =	sdelay $0x1  }
0x99: {  	s19 =	simm.s32 $_scs_section_size  }
0x9a: {  	s4 =	simm.s32 $_size__tile_overlayer_lowered;
	s5 =	simm.s32 $_tile_overlayer_lowered  }
0x9b: {  	s22 =	simm.s32 $0x1BFF;
	s21 =	sshll.u32 s5, $0x1;
	s2 =	sadd.s32 s19, s18  }
0x9c: {  	s6 =	simm.s32 $0x0;
	s20 =	sshll.u32 s4, $0x1;
	s4 =	sadd.s32 s21, s2  }
0x9d: {  	[timem:s6], [sflag:s22] =	dma.local [hbm:s4], s20  }
0x9e: {  	_ =	swait.ge [sflag:s22], s20  }
0x9f: {  	s3 =	ssub.s32 $0x0, s20;
	[sflag:s22] =	ssyncset.done $0x0  }
0xa0: {  	[sflag:s22] =	ssyncadd.s32 s3;
	_ =	sdelay $0x1  }
0xa1: {  	s23 =	simm.s32 $0x1B8B  }
0xa2: {  	_ =	swait.ge [sflag:s23], $0x1  }
0xa3: {  	[sflag:s23] =	ssyncset.done $0x0  }
0xa4: {  	s25 =	simm.s32 $0x1B8E;
	s24 =	sld [smem:$0x3FFE];
	[sflag:s23] =	ssyncadd.s32 $0xFFFFFFFF  }
0xa5: {  	s26 =	simm.s32 $execute0_lowered;
	[smem:$0x3FD2] =	sst s25  }
0xa6: {  	s4 =	sshll.u32 s26, $0x1;
	_ =	strace $0x80000046;
	[dreg:$0x1] =	wrdreg $0xFFFFFFFF  }
0xa7: {  	s28 =	simm.s32 $_size_execute0_lowered;
	s2 =	sadd.s32 s2, s4;
	[dreg:$0x0] =	wrdreg $0x0  }
0xa8: {  	s4 =	sshll.u32 s28, $0x1;
	[dreg:$0x2] =	wrdreg s2  }
0xa9: {  	[dreg:$0x3] =	wrdreg s4  }
0xaa: {  	[dreg:$0x4] =	wrdreg $0xC0  }
0xab: {  	_ =	task [dreg:s6], $0x5FFFF  }
0xac: {  	[dreg:$0x1] =	wrdreg $0xFFFFFFFF  }
0xad: {  	[dreg:$0x0] =	wrdreg $0x60  }
0xae: {  	[dreg:$0x2] =	wrdreg s24  }
0xaf: {  	[dreg:$0x3] =	wrdreg $0x68000  }
0xb0: {  	[dreg:$0x4] =	wrdreg $0x9  }
0xb1: {  	_ =	task.clear_ibuf [dreg:s6], $0x5FFFF;
	_ =	strace $0x90000046  }
0xb2: {  	s29 =	simm.s32 $0x9;
	_ =	strace $0x80000048  }
0xb3: {  	_ =	swait.ge [sflag:s29], $0x1  }
0xb4: {  	[sflag:s29] =	ssyncadd.s32 $0xFFFFFFFF  }
0xb5: {  	_ =	strace $0x90000048  }
0xb6: {  	_ =	sfence  }
0xb7: {  	s30 =	sld [smem:$0x0];
	_ =	sdelay $0x2  }
0xb8: {  	s31 =	sshll.u32 s1, $0xD;
	s1 =	sshrl.u32 s1, $0x2  }
0xb9: {  	s3 =	sand.u32 $0x4000, s31;
	s1 =	sadd.s32 s1, s30  }
0xba: {  	s0 =	sor.u32 s3, s0;
	s1 =	sshll.u32 s1, $0x11  }
0xbb: {  	s0 =	sor.u32 s1, s0  }
0xbc: {  	s0 =	sadd.s32 $0x8F2B, s0  }
0xbd: {  	[sflag:s0] =	ssyncadd.remote.s32 $0x1  }
0xbe: {  	_ =	sfence.sel $0xFFFF  }
0xbf: {  	[dreg:$0x0] =	wrdreg $0xFFFFFFFF;
	(pc) =	sbr.abs _section_cstart, $3  }
0xc0: {  	[dreg:$0x1] =	wrdreg $0xFFFFFFFF  }
0xc1: {  	_ =	task.clear_ibuf [dreg:s6], $0x2FFFF;
	_ =	strace $0x9FFFFFFF  }
0xc2: {  	(tm) =	ssettm $0x7FFFFFFF  }
0xc3: {  	_ =	shalt  }
tec
execute0_lowered:
.L_overlay_start_1:
0x0: {  	(tag) =	ssettag $0x1  }
0x1: {  	s0 =	srdreg.scid  }
0x2: {  	s6 =	rddreg [dreg:$0x0];
	s11 =	stileid.u32  }
0x3: {  	s1 =	rddreg [dreg:$0x1];
	s2 =	simm.s32 $0x0;
	s16 =	simm.s32 $0x0  }
0x4: {  	s4 =	sand.u32 $0x1, s0;
	[smem:$0x7FF] =	sst s2;
	s7 =	smul.u32 $0x13800, s11  }
0x5: {  	s10 =	smul.u32 $0x4E000, s11;
	s12 =	sadd.s32 $0x39600, s6;
	s29 =	sshll.u32 s11, $0x6  }
0x6: {  	s15 =	sadd.s32 $0x138000, s1;
	p0 =	sne.s32 s11, $0x0;
	s0 =	sshll.u32 s4, $0x4  }
0x7: {  	s9 =	ssub.s32 $0x2, s4;
	s28 =	smul.u32 $0x138800, s4;
	s3 =	sor.u32 s11, s0  }
0x8: {  	s0 =	rddreg [dreg:$0x2];
	_ =	strace $0x80000047;
	s5 =	sshrl.u32 s7, $0x3  }
0x9: {  	s13 =	sshrl.u32 s9, $0x1;
	s26 =	sshrl.u32 s10, $0x2;
	s3 =	smul.u32 $0x500, s3  }
0xa: {  	s5 =	sadd.s32 s5, s6;
	s13 =	ssub.s32 s9, s13;
	s14 =	sadd.s32 s26, s1  }
0xb: {  	s7 =	sadd.s32 s7, s28;
	s10 =	sshrl.u32 s28, $0x3;
	s4 =	sadd.s32 $0x11C00, s5  }
0xc: {  	s5 =	sor.u32 $0x1C01, s29;
	s30 =	sshrl.u32 s7, $0x3;
	s31 =	sadd.s32 s12, s10  }
0xd: {  	s10 =	smax.u32 s13, $0x1;
	s11 =	sshrl.u32 s14, $0x3;
	s13 =	sshrl.u32 @!p0 s15, $0x3  }
0xe: {  	s14 =	simm.s32 $0x2800;
	s15 =	simm.s32 $0x80;
	s8 =	sadd.s32 s3, s6  }
0xf: {  	s3 =	sadd.s32 $0x38E00, s6;
	s6 =	sadd.s32 $0x38C00, s6;
	s9 =	sadd.s32 $0x27000, s31  }
0x10: {  	s7 =	sadd.s32 $0x7C00, s8;
	s8 =	sadd.s32 s12, s30;
	s12 =	simm.s32 $0x1  }
.LBB2_1:
0x11: {  	[spmem:s11], [sflag:s5] =	dma.local [hbm:s4], $0x2700  }
0x12: {  	_ =	swait.ge [sflag:s12], $0x2700  }
0x13: {  	[sflag:s12] =	ssyncset.done $0x0  }
0x14: {  	s17 =	simm.s32 @!p0 $0x1;
	[sflag:s12] =	ssyncadd.s32 $0xFFFFD900  }
0x15: {  	[spmem:s13], [sflag:s5] =	dma.local @!p0 [hbm:s6], $0x180  }
0x16: {  	_ =	swait.ge @!p0 [sflag:s17], $0x180  }
0x17: {  	[sflag:s17] =	ssyncset.done @!p0 $0x0  }
0x18: {  	[sflag:s17] =	ssyncadd.s32 @!p0 $0xFFFFFE80  }
0x19: {  	[tilespmem:s14], [sflag:$0x1] =	stream.linear.gather [hbm4b:s3+s2], $0x4000, $0x38;
	[tilespmem:$0x1A0C0] =	vst v63  }
0x1a: {  	_ =	swait.ge [sflag:s12], $0x4000  }
0x1b: {  	[sflag:s12] =	ssyncset.done $0x0  }
0x1c: {  	[sflag:s12] =	ssyncadd.s32 $0xFFFFC000  }
0x1d: {  	[tilespmem:s2], [sflag:$0x1] =	stream.linear.gather [hbm4b:s7+s2], $0x2780, $0x38;
	[tilespmem:$0x1A0C0] =	vst v63  }
0x1e: {  	_ =	swait.ge [sflag:s12], $0x2780  }
0x1f: {  	[sflag:s12] =	ssyncset.done $0x0  }
0x20: {  	[sflag:s12] =	ssyncadd.s32 $0xFFFFD880  }
0x21: {  	s31 =	simm.s32 $0x0;
	[bflag:$0x0] =	sbarrier.arrive $0xFFFF  }
0x22: {  	[spmem:s1] =	stream.indirect.scatter.add.f32 [tilespmem:s14], [sflag:$0x1], $0x80, s31, s15, $0xb8;
	[tilespmem:$0x1A0C0] =	vst v63  }
0x23: {  	_ =	swait.ge [sflag:s12], $0x4000  }
0x24: {  	s17 =	simm.s32 $0x200;
	[sflag:s12] =	ssyncset.done $0x0  }
.LBB2_2:
0x25: {  	s18 =	sshra.s32 s17, $0x2;
	[sflag:s12] =	ssyncadd.s32 $0xFFFFC000;
	p1 =	sne.s32 s17, $0x9C00  }
0x26: {  	[spmem:s1] =	stream.indirect.scatter.add.f32 [tilespmem:s14], [sflag:$0x1], $0x80, s18, s15, $0xb8;
	[tilespmem:$0x1A0C0] =	vst v63  }
.Ltmp0:
0x27: {  	_ = 	snop;
	(pc) =	sbr.rel @p1 .LBB2_2-.Ltmp0, $4  }
0x28: {  	_ = 	snop  }
0x29: {  	s17 =	sadd.s32 $0x200, s17  }
0x2a: {  	_ =	swait.ge [sflag:s12], $0x4000  }
0x2b: {  	[sflag:s12] =	ssyncset.done $0x0  }
0x2c: {  	[sflag:s12] =	ssyncadd.s32 $0xFFFFC000  }
0x2d: {  	[bflag:$0x0] =	sbarrier.arrive $0xFFFF  }
0x2e: {  	[hbm:s8], [sflag:s5] =	dma.local [spmem:s11], $0x2700  }
0x2f: {  	s16 =	sadd.s32 $0x1, s16;
	_ =	swait.ge [sflag:s12], $0x2700  }
0x30: {  	p1 =	sne.s32 s16, s10;
	[sflag:s12] =	ssyncset.done $0x0  }
.Ltmp1:
0x31: {  	s17 =	simm.s32 @!p0 $0x1;
	[sflag:s12] =	ssyncadd.s32 $0xFFFFD900;
	(pc) =	sbr.rel @p1 .LBB2_1-.Ltmp1, $4  }
0x32: {  	[hbm:s9], [sflag:s5] =	dma.local @!p0 [spmem:s13], $0x100  }
0x33: {  	_ =	swait.ge @!p0 [sflag:s17], $0x100  }
0x34: {  	[sflag:s17] =	ssyncset.done @!p0 $0x0  }
0x35: {  	[sflag:s17] =	ssyncadd.s32 @!p0 $0xFFFFFF00  }
0x36: {  	_ =	sfence.sel $0x180000  }
0x37: {  	[bflag:$0x0] =	sbarrier.arrive $0xFFFF  }
0x38: {  	_ =	strace $0x90000047  }
0x39: {  	s0 =	sadd.s32 @!p0 $0x100000, s0;
	[bflag:$0x2] =	sbarrier.arrive $0xFFFF  }
0x3a: {  	[sflag:s0] =	ssyncadd.tile.s32 @!p0 $0x1;
	_ =	shalt  }
.Lfunc_end2:
_tile_overlayer_lowered:
.L_overlay_start_2:
0x3b: {  	(tag) =	ssettag $0x2  }
0x3c: {  	s0 =	rddreg [dreg:$0x0];
	s2 =	stileid.u32  }
0x3d: {  	s1 =	rddreg [dreg:$0x1];
	p0 =	sne.s32 s2, $0x0  }
0x3e: {  	s3 =	rddreg [dreg:$0x2];
	[bflag:$0x3] =	sbarrier.arrive $0xFFFF;
	s2 =	simm.s32 @!p0 $0x1C01  }
0x3f: {  	[timem:s3], [sflag:s2] =	dma.local @!p0 [hbm:s0], s1  }
0x40: {  	s0 =	simm.s32 @!p0 $0x1  }
0x41: {  	_ =	swait.ge @!p0 [sflag:s0], s1  }
0x42: {  	s1 =	ssub.s32 @!p0 $0x0, s1;
	[sflag:s0] =	ssyncset.done @!p0 $0x0  }
0x43: {  	[sflag:s0] =	ssyncadd.s32 @!p0 s1  }
0x44: {  	[bflag:$0x3] =	sbarrier.arrive $0xFFFF  }
0x45: {  	_ =	shalt  }

// kernel: kernel.16.cloned.1.call-start
scs
__scs_entry_jumppad:
0x0: {  	(pc) =	sbr.rel $0x88, $3  }
0x1: {  	(tag) =	ssettag $0x0;
	lr =	simm.s32 $0x1  }
0x2: {  	[smem:$0x3F8B] =	sst lr;
	_ =	strace $0xD0000000  }
0x3: {  	_ = 	snop  }
0x4: {  	_ = 	snop  }
0x5: {  	_ = 	snop  }
0x6: {  	_ = 	snop  }
0x7: {  	_ = 	snop  }
__scs_overlays_trampoline_lowered:
0x8: {  	[smem:$0x3F9A] =	sst s0  }
0x9: {  	[smem:$0x3F9B] =	sst s1  }
0xa: {  	[smem:$0x3F9C] =	sst s2  }
0xb: {  	[smem:$0x3F9D] =	sst s3  }
0xc: {  	[smem:$0x3F9E] =	sst s4  }
0xd: {  	[smem:$0x3F9F] =	sst s5  }
0xe: {  	[smem:$0x3FA0] =	sst s6  }
0xf: {  	[smem:$0x3FA1] =	sst s7  }
0x10: {  	[smem:$0x3FA2] =	sst s8  }
0x11: {  	[smem:$0x3FA3] =	sst s9;
	s0 =	simm.s32 @!p0 $0x0  }
0x12: {  	s1 =	sld [smem:$0x3F89];
	s0 =	simm.s32 @p0 $0x1  }
0x13: {  	[smem:$0x3FA4] =	sst s0;
	s0 =	simm.s32 @!p1 $0x0  }
0x14: {  	s2 =	sld [smem:$0x3F88];
	s0 =	simm.s32 @p1 $0x1  }
0x15: {  	[smem:$0x3FA5] =	sst s0;
	s0 =	simm.s32 @!p2 $0x0  }
0x16: {  	s3 =	sld [smem:$0x3FDB];
	s0 =	simm.s32 @p2 $0x1  }
0x17: {  	s4 =	simm.s32 $0x1BF5;
	[smem:$0x3FA7] =	sst s0  }
0x18: {  	s0 =	sld [smem:$0x3F8A];
	_ =	swait.ge [sflag:s4], $0x0  }
0x19: {  	s7 =	sld [smem:$0x3F8B]  }
0x1a: {  	s8 =	sadd.s32 $0xFFFFE003, lr  }
0x1b: {  	s9 =	sadd.s32 $0xFFFFFEF7, lr;
	s5 =	simm.s32 $0xFFFFFFFF;
	p2 =	slt.u32 s8, $0xFFFFF086  }
0x1c: {  	p1 =	slt.u32 s9, $0xF7A;
	s5 =	simm.s32 @!p2 $0x0  }
0x1d: {  	s5 =	simm.s32 @p1 $0x1;
	p0 =	seq.s32 s7, s2  }
0x1e: {  	s7 =	smul.u32 @!p0 $0xF7A, s2;
	p2 =	seq.s32 @!p0 s5, $0x0  }
0x1f: {  	s9 =	smul.u32 $0xF7A, s1;
	s8 =	simm.s32 @!p0 $0x1BF5;
	p2 =	por !p2, p0  }
0x20: {  	[sflag:s8] =	ssyncset.s32 @!p0 $0xFFFFF086;
	s6 =	sadd.s32 @!p0 s3, s7;
	s7 =	simm.s32 @!p0 $0x108  }
0x21: {  	s3 =	sadd.s32 s3, s9;
	s6 =	sadd.s32 @!p0 $0x88, s6;
	s7 =	simm.s32 @p2 $0x1082  }
0x22: {  	[simem:s7], [sflag:s8] =	dma.local @!p0 [hbm:s6], $0xF7A  }
0x23: {  	s9 =	sor.u32 $0xD0000000, s2;
	s6 =	simm.s32 $0x108;
	_ =	swait.ge @!p0 [sflag:s8], $0x0  }
0x24: {  	s3 =	sadd.s32 $0x88, s3;
	s6 =	simm.s32 @!p1 $0x1082;
	[sflag:s4] =	ssyncset.s32 $0xFFFFF086  }
0x25: {  	[simem:s6], [sflag:s4] =	dma.local [hbm:s3], $0xF7A  }
0x26: {  	[smem:$0x3F8B] =	sst s1;
	(tag) =	ssettag s2;
	_ =	strace s9  }
0x27: {  	s1 =	sld [smem:$0x3F9B]  }
0x28: {  	s2 =	sld [smem:$0x3F9C]  }
0x29: {  	s4 =	sld [smem:$0x3F9E]  }
0x2a: {  	p0 =	seq.s32 s5, $0x0;
	s5 =	sld [smem:$0x3F9F]  }
0x2b: {  	s6 =	sld [smem:$0x3FA0]  }
0x2c: {  	s7 =	sld [smem:$0x3FA1]  }
0x2d: {  	s3 =	simm.s32 $0x108;
	s8 =	sld [smem:$0x3FA2]  }
0x2e: {  	s3 =	simm.s32 @!p0 $0x1082;
	s9 =	sld [smem:$0x3FA3]  }
0x2f: {  	lr =	sadd.s32 s0, s3;
	s0 =	sld [smem:$0x3F9A]  }
0x30: {  	s3 =	sld [smem:$0x3F9D]  }
0x31: {  	[smem:$0x3FA6] =	sst s10  }
0x32: {  	s10 =	sld [smem:$0x3FA4];
	_ =	sdelay $0x3  }
0x33: {  	p0 =	seq.s32 s10, $0x1;
	s10 =	sld [smem:$0x3FA6];
	_ =	sdelay $0x3  }
0x34: {  	[smem:$0x3FA6] =	sst s10  }
0x35: {  	s10 =	sld [smem:$0x3FA5];
	_ =	sdelay $0x3  }
0x36: {  	p1 =	seq.s32 s10, $0x1;
	s10 =	sld [smem:$0x3FA6];
	_ =	sdelay $0x3  }
0x37: {  	[smem:$0x3FA6] =	sst s10  }
0x38: {  	s10 =	sld [smem:$0x3FA7]  }
0x39: {  	_ = 	snop;
	(pc) =	sbr.ind lr, $3  }
0x3a: {  	_ = 	snop  }
0x3b: {  	_ = 	snop  }
0x3c: {  	p2 =	seq.s32 s10, $0x1;
	s10 =	sld [smem:$0x3FA6]  }
0x3d: {  	_ =	shalt  }
0x3e: {  	_ =	shalt  }
0x3f: {  	_ =	shalt  }
0x40: {  	_ =	shalt  }
0x41: {  	_ =	shalt  }
0x42: {  	_ =	shalt  }
0x43: {  	_ =	shalt  }
0x44: {  	_ =	shalt  }
0x45: {  	_ =	shalt  }
0x46: {  	_ =	shalt  }
0x47: {  	_ =	shalt  }
0x48: {  	_ =	shalt  }
0x49: {  	_ =	shalt  }
0x4a: {  	_ =	shalt  }
0x4b: {  	_ =	shalt  }
0x4c: {  	_ =	shalt  }
0x4d: {  	_ =	shalt  }
0x4e: {  	_ =	shalt  }
0x4f: {  	_ =	shalt  }
0x50: {  	_ =	shalt  }
0x51: {  	_ =	shalt  }
0x52: {  	_ =	shalt  }
0x53: {  	_ =	shalt  }
0x54: {  	_ =	shalt  }
0x55: {  	_ =	shalt  }
0x56: {  	_ =	shalt  }
0x57: {  	_ =	shalt  }
0x58: {  	_ =	shalt  }
0x59: {  	_ =	shalt  }
0x5a: {  	_ =	shalt  }
0x5b: {  	_ =	shalt  }
0x5c: {  	_ =	shalt  }
0x5d: {  	_ =	shalt  }
0x5e: {  	_ =	shalt  }
0x5f: {  	_ =	shalt  }
0x60: {  	_ =	shalt  }
0x61: {  	_ =	shalt  }
0x62: {  	_ =	shalt  }
0x63: {  	_ =	shalt  }
0x64: {  	_ =	shalt  }
0x65: {  	_ =	shalt  }
0x66: {  	_ =	shalt  }
0x67: {  	_ =	shalt  }
0x68: {  	_ =	shalt  }
0x69: {  	_ =	shalt  }
0x6a: {  	_ =	shalt  }
0x6b: {  	_ =	shalt  }
0x6c: {  	_ =	shalt  }
0x6d: {  	_ =	shalt  }
0x6e: {  	_ =	shalt  }
0x6f: {  	_ =	shalt  }
0x70: {  	_ =	shalt  }
0x71: {  	_ =	shalt  }
0x72: {  	_ =	shalt  }
0x73: {  	_ =	shalt  }
0x74: {  	_ =	shalt  }
0x75: {  	_ =	shalt  }
0x76: {  	_ =	shalt  }
0x77: {  	_ =	shalt  }
0x78: {  	_ =	shalt  }
0x79: {  	_ =	shalt  }
0x7a: {  	_ =	shalt  }
0x7b: {  	_ =	shalt  }
0x7c: {  	_ =	shalt  }
0x7d: {  	_ =	shalt  }
0x7e: {  	_ =	shalt  }
0x7f: {  	_ =	shalt  }
0x80: {  	_ =	shalt  }
0x81: {  	_ =	shalt  }
0x82: {  	_ =	shalt  }
0x83: {  	_ =	shalt  }
0x84: {  	_ =	shalt  }
0x85: {  	_ =	shalt  }
0x86: {  	_ =	shalt  }
0x87: {  	_ =	shalt  }
.Lfunc_end0:
.L_simem_size_0:
called_computation.1_lowered:
.L_overlay_start_0:
0x88: {  	s2 =	sld [smem:$0x3FD9]  }
0x89: {  	s3 =	sld [smem:$0x3FFE];
	_ =	sdelay $0x1  }
0x8a: {  	s1 =	srdreg.scid  }
0x8b: {  	s0 =	sand.u32 $0x1, s1  }
0x8c: {  	s16 =	sshll.u32 s0, $0xA;
	s2 =	sadd.s32 s3, s2  }
0x8d: {  	s2 =	sadd.s32 s2, s16  }
0x8e: {  	[smem:$0x3FB2] =	sst s2  }
0x8f: {  	_ = 	snop  }
0x90: {  	(tm) =	ssettm $0x1  }
0x91: {  	s17 =	sld [smem:$0x3FFB];
	_ =	sdelay $0x3  }
0x92: {  	_ =	strace s17  }
0x93: {  	s2 =	sld [smem:$0x3FFC];
	_ =	sdelay $0x3  }
0x94: {  	_ =	strace s2  }
0x95: {  	s2 =	sld [smem:$0x3FFD];
	_ =	sdelay $0x3  }
0x96: {  	_ =	strace s2  }
0x97: {  	_ =	strace $0x8FFFFFFF  }
0x98: {  	s18 =	sld [smem:$0x3FDB];
	_ =	sdelay $0x1  }
0x99: {  	s19 =	simm.s32 $_scs_section_size  }
0x9a: {  	s4 =	simm.s32 $_size__tile_overlayer_lowered;
	s5 =	simm.s32 $_tile_overlayer_lowered  }
0x9b: {  	s22 =	simm.s32 $0x1BFF;
	s21 =	sshll.u32 s5, $0x1;
	s2 =	sadd.s32 s19, s18  }
0x9c: {  	s6 =	simm.s32 $0x0;
	s20 =	sshll.u32 s4, $0x1;
	s4 =	sadd.s32 s21, s2  }
0x9d: {  	[timem:s6], [sflag:s22] =	dma.local [hbm:s4], s20  }
0x9e: {  	_ =	swait.ge [sflag:s22], s20  }
0x9f: {  	s3 =	ssub.s32 $0x0, s20;
	[sflag:s22] =	ssyncset.done $0x0  }
0xa0: {  	[sflag:s22] =	ssyncadd.s32 s3;
	_ =	sdelay $0x1  }
0xa1: {  	s23 =	simm.s32 $0x1B8B  }
0xa2: {  	_ =	swait.ge [sflag:s23], $0x1  }
0xa3: {  	[sflag:s23] =	ssyncset.done $0x0  }
0xa4: {  	s25 =	simm.s32 $0x1B8E;
	s24 =	sld [smem:$0x3FFE];
	[sflag:s23] =	ssyncadd.s32 $0xFFFFFFFF  }
0xa5: {  	s26 =	simm.s32 $execute0_lowered;
	[smem:$0x3FD2] =	sst s25  }
0xa6: {  	s4 =	sshll.u32 s26, $0x1;
	_ =	strace $0x80000049;
	[dreg:$0x1] =	wrdreg $0xFFFFFFFF  }
0xa7: {  	s28 =	simm.s32 $_size_execute0_lowered;
	s2 =	sadd.s32 s2, s4;
	[dreg:$0x0] =	wrdreg $0x0  }
0xa8: {  	s4 =	sshll.u32 s28, $0x1;
	[dreg:$0x2] =	wrdreg s2  }
0xa9: {  	[dreg:$0x3] =	wrdreg s4  }
0xaa: {  	[dreg:$0x4] =	wrdreg $0xC0  }
0xab: {  	_ =	task [dreg:s6], $0x5FFFF  }
0xac: {  	[dreg:$0x1] =	wrdreg $0xFFFFFFFF  }
0xad: {  	[dreg:$0x0] =	wrdreg $0x60  }
0xae: {  	[dreg:$0x2] =	wrdreg s24  }
0xaf: {  	[dreg:$0x3] =	wrdreg $0x90000  }
0xb0: {  	[dreg:$0x4] =	wrdreg $0x9  }
0xb1: {  	_ =	task.clear_ibuf [dreg:s6], $0x5FFFF;
	_ =	strace $0x90000049  }
0xb2: {  	s29 =	simm.s32 $0x9;
	_ =	strace $0x8000004B  }
0xb3: {  	_ =	swait.ge [sflag:s29], $0x1  }
0xb4: {  	[sflag:s29] =	ssyncadd.s32 $0xFFFFFFFF  }
0xb5: {  	_ =	strace $0x9000004B  }
0xb6: {  	_ =	sfence  }
0xb7: {  	s30 =	sld [smem:$0x0];
	_ =	sdelay $0x2  }
0xb8: {  	s31 =	sshll.u32 s1, $0xD;
	s1 =	sshrl.u32 s1, $0x2  }
0xb9: {  	s3 =	sand.u32 $0x4000, s31;
	s1 =	sadd.s32 s1, s30  }
0xba: {  	s0 =	sor.u32 s3, s0;
	s1 =	sshll.u32 s1, $0x11  }
0xbb: {  	s0 =	sor.u32 s1, s0  }
0xbc: {  	s0 =	sadd.s32 $0x8F2B, s0  }
0xbd: {  	[sflag:s0] =	ssyncadd.remote.s32 $0x1  }
0xbe: {  	_ =	sfence.sel $0xFFFF  }
0xbf: {  	[dreg:$0x0] =	wrdreg $0xFFFFFFFF;
	(pc) =	sbr.abs _section_cstart, $3  }
0xc0: {  	[dreg:$0x1] =	wrdreg $0xFFFFFFFF  }
0xc1: {  	_ =	task.clear_ibuf [dreg:s6], $0x2FFFF;
	_ =	strace $0x9FFFFFFF  }
0xc2: {  	(tm) =	ssettm $0x7FFFFFFF  }
0xc3: {  	_ =	shalt  }
tec
execute0_lowered:
.L_overlay_start_1:
0x0: {  	(tag) =	ssettag $0x1  }
0x1: {  	s0 =	srdreg.scid;
	s7 =	rddreg [dreg:$0x0]  }
0x2: {  	s1 =	rddreg [dreg:$0x1];
	s13 =	stileid.u32;
	s2 =	simm.s32 $0x0  }
0x3: {  	s19 =	simm.s32 $0x5000;
	s20 =	simm.s32 $0x1;
	s21 =	simm.s32 $0x0  }
0x4: {  	s5 =	sand.u32 $0x1, s0;
	s0 =	rddreg [dreg:$0x2];
	s6 =	smul.u32 $0x4E000, s13  }
0x5: {  	[smem:$0x7FF] =	sst s2;
	s11 =	smul.u32 $0x13800, s13;
	s12 =	sadd.s32 $0x91800, s7  }
0x6: {  	s29 =	sshll.u32 s13, $0x6;
	s16 =	sadd.s32 $0x138000, s1;
	s17 =	sadd.s32 $0x138800, s1  }
0x7: {  	p0 =	sne.s32 s13, $0x0;
	s3 =	sshll.u32 s5, $0x4;
	_ =	strace $0x8000004A  }
0x8: {  	s8 =	ssub.s32 $0x2, s5;
	s30 =	smul.u32 $0x138800, s5;
	s3 =	sor.u32 s13, s3  }
0x9: {  	s10 =	sshrl.u32 s8, $0x1;
	s6 =	sshrl.u32 s6, $0x2;
	s28 =	sshrl.u32 s11, $0x3  }
0xa: {  	s4 =	smul.u32 $0x500, s3;
	s3 =	sadd.s32 $0x11C00, s7;
	s14 =	ssub.s32 s8, s10  }
0xb: {  	s15 =	sadd.s32 s6, s1;
	s6 =	sor.u32 $0x1C02, s29;
	s11 =	sadd.s32 s11, s30  }
0xc: {  	s18 =	sshrl.u32 s30, $0x3;
	s5 =	sadd.s32 s3, s28;
	s11 =	sshrl.u32 s11, $0x3  }
0xd: {  	s31 =	sadd.s32 s12, s18;
	s13 =	sshrl.u32 s15, $0x3;
	s15 =	sshrl.u32 @!p0 s16, $0x3  }
0xe: {  	s16 =	sshrl.u32 @!p0 s17, $0x3;
	s17 =	simm.s32 $0x2800;
	s18 =	simm.s32 $0x80  }
0xf: {  	s9 =	sadd.s32 s4, s7;
	s4 =	sadd.s32 $0x60000, s7;
	s7 =	sadd.s32 $0x38C00, s7  }
0x10: {  	s10 =	sadd.s32 s12, s11;
	s11 =	sadd.s32 $0x27000, s31;
	s12 =	smax.u32 s14, $0x1  }
0x11: {  	s14 =	simm.s32 $0x2;
	s8 =	sadd.s32 $0x87800, s9;
	s9 =	sadd.s32 $0x7C00, s9  }
.LBB2_1:
0x12: {  	[spmem:s13], [sflag:s6] =	dma.local [hbm:s5], $0x2700  }
0x13: {  	_ =	swait.ge [sflag:s14], $0x2700  }
0x14: {  	[sflag:s14] =	ssyncset.done $0x0  }
0x15: {  	s22 =	simm.s32 @!p0 $0x2;
	[sflag:s14] =	ssyncadd.s32 $0xFFFFD900  }
0x16: {  	[spmem:s15], [sflag:s6] =	dma.local @!p0 [hbm:s7], $0x100  }
0x17: {  	_ =	swait.ge @!p0 [sflag:s22], $0x100  }
0x18: {  	[sflag:s22] =	ssyncset.done @!p0 $0x0  }
0x19: {  	[sflag:s22] =	ssyncadd.s32 @!p0 $0xFFFFFF00  }
0x1a: {  	[spmem:s16], [sflag:s6] =	dma.local @!p0 [hbm:s4], $0x80  }
0x1b: {  	_ =	swait.ge @!p0 [sflag:s22], $0x80  }
0x1c: {  	[sflag:s22] =	ssyncset.done @!p0 $0x0  }
0x1d: {  	[sflag:s22] =	ssyncadd.s32 @!p0 $0xFFFFFF80  }
0x1e: {  	[tilespmem:s2], [sflag:$0x2] =	stream.linear.gather [hbm4b:s8+s2], $0x2780, $0x38;
	[tilespmem:$0x1C8C0] =	vst v63  }
0x1f: {  	_ =	swait.ge [sflag:s14], $0x2780  }
0x20: {  	[sflag:s14] =	ssyncset.done $0x0  }
0x21: {  	[sflag:s14] =	ssyncadd.s32 $0xFFFFD880  }
0x22: {  	[tilespmem:s17], [sflag:$0x2] =	stream.linear.gather [hbm4b:s9+s2], $0x2780, $0x38;
	[tilespmem:$0x1C8C0] =	vst v63  }
0x23: {  	_ =	swait.ge [sflag:s14], $0x2780  }
0x24: {  	[sflag:s14] =	ssyncset.done $0x0  }
0x25: {  	[sflag:s14] =	ssyncadd.s32 $0xFFFFD880  }
0x26: {  	s30 =	simm.s32 $0x0;
	[bflag:$0x0] =	sbarrier.arrive $0xFFFF  }
0x27: {  	[tilespmem:s19], [sflag:$0x1] =	stream.indirect.gather [hbm4b:s3+s18], $0x80, s30, s18, $0xb8;
	[tilespmem:$0x1C8C0] =	vst v63  }
0x28: {  	_ =	swait.ge [sflag:s20], $0x4000  }
0x29: {  	[sflag:s20] =	ssyncset.done $0x0  }
0x2a: {  	s31 =	simm.s32 $0x2800;
	[sflag:s20] =	ssyncadd.s32 $0xFFFFC000  }
0x2b: {  	[spmem:s1] =	stream.indirect.scatter.add.f32 [tilespmem:s19], [sflag:$0x2], $0x80, s31, s18, $0xb8;
	[tilespmem:$0x1C8C0] =	vst v63  }
0x2c: {  	_ =	swait.ge [sflag:s14], $0x4000  }
0x2d: {  	s23 =	simm.s32 $0x400;
	s22 =	simm.s32 $0x200;
	[sflag:s14] =	ssyncset.done $0x0  }
.LBB2_2:
0x2e: {  	s24 =	sshra.s32 s22, $0x2  }
0x2f: {  	[sflag:s14] =	ssyncadd.s32 $0xFFFFC000;
	s22 =	smov.u32 s23;
	s25 =	sadd.s32 $0x200, s23  }
0x30: {  	[tilespmem:s19], [sflag:$0x1] =	stream.indirect.gather [hbm4b:s3+s18], $0x80, s24, s18, $0xb8;
	[tilespmem:$0x1C8C0] =	vst v63  }
0x31: {  	p1 =	sne.s32 s23, $0x9C00;
	_ =	swait.ge [sflag:s20], $0x4000  }
.Ltmp0:
0x32: {  	[sflag:s20] =	ssyncset.done $0x0;
	(pc) =	sbr.rel @p1 .LBB2_2-.Ltmp0, $4  }
0x33: {  	s23 =	sadd.s32 $0x2800, s24;
	[sflag:s20] =	ssyncadd.s32 $0xFFFFC000  }
0x34: {  	[spmem:s1] =	stream.indirect.scatter.add.f32 [tilespmem:s19], [sflag:$0x2], $0x80, s23, s18, $0xb8;
	[tilespmem:$0x1C8C0] =	vst v63  }
0x35: {  	_ =	swait.ge [sflag:s14], $0x4000  }
0x36: {  	s23 =	smov.u32 s25;
	[sflag:s14] =	ssyncset.done $0x0  }
0x37: {  	s22 =	sshra.s32 s22, $0x2;
	[sflag:s14] =	ssyncadd.s32 $0xFFFFC000  }
0x38: {  	[tilespmem:s19], [sflag:$0x1] =	stream.indirect.gather [hbm4b:s3+s18], $0x80, s22, s18, $0xb8;
	[tilespmem:$0x1C8C0] =	vst v63  }
0x39: {  	_ =	swait.ge [sflag:s20], $0x4000  }
0x3a: {  	[sflag:s20] =	ssyncset.done $0x0  }
0x3b: {  	s22 =	sadd.s32 $0x2800, s22;
	[sflag:s20] =	ssyncadd.s32 $0xFFFFC000  }
0x3c: {  	[spmem:s1] =	stream.indirect.scatter.add.f32 [tilespmem:s19], [sflag:$0x2], $0x80, s22, s18, $0xb8;
	[tilespmem:$0x1C8C0] =	vst v63  }
0x3d: {  	_ =	swait.ge [sflag:s14], $0x4000  }
0x3e: {  	[sflag:s14] =	ssyncset.done $0x0  }
0x3f: {  	[sflag:s14] =	ssyncadd.s32 $0xFFFFC000  }
0x40: {  	[bflag:$0x0] =	sbarrier.arrive $0xFFFF  }
0x41: {  	[hbm:s10], [sflag:s6] =	dma.local [spmem:s13], $0x2700  }
0x42: {  	s21 =	sadd.s32 $0x1, s21;
	_ =	swait.ge [sflag:s14], $0x2700  }
0x43: {  	p1 =	sne.s32 s21, s12;
	[sflag:s14] =	ssyncset.done $0x0  }
.Ltmp1:
0x44: {  	s22 =	simm.s32 @!p0 $0x2;
	[sflag:s14] =	ssyncadd.s32 $0xFFFFD900;
	(pc) =	sbr.rel @p1 .LBB2_1-.Ltmp1, $4  }
0x45: {  	[hbm:s11], [sflag:s6] =	dma.local @!p0 [spmem:s15], $0x100  }
0x46: {  	_ =	swait.ge @!p0 [sflag:s22], $0x100  }
0x47: {  	[sflag:s22] =	ssyncset.done @!p0 $0x0  }
0x48: {  	[sflag:s22] =	ssyncadd.s32 @!p0 $0xFFFFFF00  }
0x49: {  	_ =	sfence.sel $0x180000  }
0x4a: {  	[bflag:$0x0] =	sbarrier.arrive $0xFFFF  }
0x4b: {  	_ =	strace $0x9000004A  }
0x4c: {  	s0 =	sadd.s32 @!p0 $0x100000, s0;
	[bflag:$0x2] =	sbarrier.arrive $0xFFFF  }
0x4d: {  	[sflag:s0] =	ssyncadd.tile.s32 @!p0 $0x1;
	_ =	shalt  }
.Lfunc_end2:
_tile_overlayer_lowered:
.L_overlay_start_2:
0x4e: {  	(tag) =	ssettag $0x2  }
0x4f: {  	s0 =	rddreg [dreg:$0x0];
	s2 =	stileid.u32  }
0x50: {  	s1 =	rddreg [dreg:$0x1];
	p0 =	sne.s32 s2, $0x0  }
0x51: {  	s3 =	rddreg [dreg:$0x2];
	[bflag:$0x3] =	sbarrier.arrive $0xFFFF;
	s2 =	simm.s32 @!p0 $0x1C02  }
0x52: {  	[timem:s3], [sflag:s2] =	dma.local @!p0 [hbm:s0], s1  }
0x53: {  	s0 =	simm.s32 @!p0 $0x2  }
0x54: {  	_ =	swait.ge @!p0 [sflag:s0], s1  }
0x55: {  	s1 =	ssub.s32 @!p0 $0x0, s1;
	[sflag:s0] =	ssyncset.done @!p0 $0x0  }
0x56: {  	[sflag:s0] =	ssyncadd.s32 @!p0 s1  }
0x57: {  	[bflag:$0x3] =	sbarrier.arrive $0xFFFF  }
0x58: {  	_ =	shalt  }

// kernel: kernel.19.cloned.1.call-start
scs
__scs_entry_jumppad:
0x0: {  	(pc) =	sbr.rel $0x88, $3  }
0x1: {  	(tag) =	ssettag $0x0;
	lr =	simm.s32 $0x1  }
0x2: {  	[smem:$0x3F8B] =	sst lr;
	_ =	strace $0xD0000000  }
0x3: {  	_ = 	snop  }
0x4: {  	_ = 	snop  }
0x5: {  	_ = 	snop  }
0x6: {  	_ = 	snop  }
0x7: {  	_ = 	snop  }
__scs_overlays_trampoline_lowered:
0x8: {  	[smem:$0x3F9A] =	sst s0  }
0x9: {  	[smem:$0x3F9B] =	sst s1  }
0xa: {  	[smem:$0x3F9C] =	sst s2  }
0xb: {  	[smem:$0x3F9D] =	sst s3  }
0xc: {  	[smem:$0x3F9E] =	sst s4  }
0xd: {  	[smem:$0x3F9F] =	sst s5  }
0xe: {  	[smem:$0x3FA0] =	sst s6  }
0xf: {  	[smem:$0x3FA1] =	sst s7  }
0x10: {  	[smem:$0x3FA2] =	sst s8  }
0x11: {  	[smem:$0x3FA3] =	sst s9;
	s0 =	simm.s32 @!p0 $0x0  }
0x12: {  	s1 =	sld [smem:$0x3F89];
	s0 =	simm.s32 @p0 $0x1  }
0x13: {  	[smem:$0x3FA4] =	sst s0;
	s0 =	simm.s32 @!p1 $0x0  }
0x14: {  	s2 =	sld [smem:$0x3F88];
	s0 =	simm.s32 @p1 $0x1  }
0x15: {  	[smem:$0x3FA5] =	sst s0;
	s0 =	simm.s32 @!p2 $0x0  }
0x16: {  	s3 =	sld [smem:$0x3FDB];
	s0 =	simm.s32 @p2 $0x1  }
0x17: {  	s4 =	simm.s32 $0x1BF5;
	[smem:$0x3FA7] =	sst s0  }
0x18: {  	s0 =	sld [smem:$0x3F8A];
	_ =	swait.ge [sflag:s4], $0x0  }
0x19: {  	s7 =	sld [smem:$0x3F8B]  }
0x1a: {  	s8 =	sadd.s32 $0xFFFFE003, lr  }
0x1b: {  	s9 =	sadd.s32 $0xFFFFFEF7, lr;
	s5 =	simm.s32 $0xFFFFFFFF;
	p2 =	slt.u32 s8, $0xFFFFF086  }
0x1c: {  	p1 =	slt.u32 s9, $0xF7A;
	s5 =	simm.s32 @!p2 $0x0  }
0x1d: {  	s5 =	simm.s32 @p1 $0x1;
	p0 =	seq.s32 s7, s2  }
0x1e: {  	s7 =	smul.u32 @!p0 $0xF7A, s2;
	p2 =	seq.s32 @!p0 s5, $0x0  }
0x1f: {  	s9 =	smul.u32 $0xF7A, s1;
	s8 =	simm.s32 @!p0 $0x1BF5;
	p2 =	por !p2, p0  }
0x20: {  	[sflag:s8] =	ssyncset.s32 @!p0 $0xFFFFF086;
	s6 =	sadd.s32 @!p0 s3, s7;
	s7 =	simm.s32 @!p0 $0x108  }
0x21: {  	s3 =	sadd.s32 s3, s9;
	s6 =	sadd.s32 @!p0 $0x88, s6;
	s7 =	simm.s32 @p2 $0x1082  }
0x22: {  	[simem:s7], [sflag:s8] =	dma.local @!p0 [hbm:s6], $0xF7A  }
0x23: {  	s9 =	sor.u32 $0xD0000000, s2;
	s6 =	simm.s32 $0x108;
	_ =	swait.ge @!p0 [sflag:s8], $0x0  }
0x24: {  	s3 =	sadd.s32 $0x88, s3;
	s6 =	simm.s32 @!p1 $0x1082;
	[sflag:s4] =	ssyncset.s32 $0xFFFFF086  }
0x25: {  	[simem:s6], [sflag:s4] =	dma.local [hbm:s3], $0xF7A  }
0x26: {  	[smem:$0x3F8B] =	sst s1;
	(tag) =	ssettag s2;
	_ =	strace s9  }
0x27: {  	s1 =	sld [smem:$0x3F9B]  }
0x28: {  	s2 =	sld [smem:$0x3F9C]  }
0x29: {  	s4 =	sld [smem:$0x3F9E]  }
0x2a: {  	p0 =	seq.s32 s5, $0x0;
	s5 =	sld [smem:$0x3F9F]  }
0x2b: {  	s6 =	sld [smem:$0x3FA0]  }
0x2c: {  	s7 =	sld [smem:$0x3FA1]  }
0x2d: {  	s3 =	simm.s32 $0x108;
	s8 =	sld [smem:$0x3FA2]  }
0x2e: {  	s3 =	simm.s32 @!p0 $0x1082;
	s9 =	sld [smem:$0x3FA3]  }
0x2f: {  	lr =	sadd.s32 s0, s3;
	s0 =	sld [smem:$0x3F9A]  }
0x30: {  	s3 =	sld [smem:$0x3F9D]  }
0x31: {  	[smem:$0x3FA6] =	sst s10  }
0x32: {  	s10 =	sld [smem:$0x3FA4];
	_ =	sdelay $0x3  }
0x33: {  	p0 =	seq.s32 s10, $0x1;
	s10 =	sld [smem:$0x3FA6];
	_ =	sdelay $0x3  }
0x34: {  	[smem:$0x3FA6] =	sst s10  }
0x35: {  	s10 =	sld [smem:$0x3FA5];
	_ =	sdelay $0x3  }
0x36: {  	p1 =	seq.s32 s10, $0x1;
	s10 =	sld [smem:$0x3FA6];
	_ =	sdelay $0x3  }
0x37: {  	[smem:$0x3FA6] =	sst s10  }
0x38: {  	s10 =	sld [smem:$0x3FA7]  }
0x39: {  	_ = 	snop;
	(pc) =	sbr.ind lr, $3  }
0x3a: {  	_ = 	snop  }
0x3b: {  	_ = 	snop  }
0x3c: {  	p2 =	seq.s32 s10, $0x1;
	s10 =	sld [smem:$0x3FA6]  }
0x3d: {  	_ =	shalt  }
0x3e: {  	_ =	shalt  }
0x3f: {  	_ =	shalt  }
0x40: {  	_ =	shalt  }
0x41: {  	_ =	shalt  }
0x42: {  	_ =	shalt  }
0x43: {  	_ =	shalt  }
0x44: {  	_ =	shalt  }
0x45: {  	_ =	shalt  }
0x46: {  	_ =	shalt  }
0x47: {  	_ =	shalt  }
0x48: {  	_ =	shalt  }
0x49: {  	_ =	shalt  }
0x4a: {  	_ =	shalt  }
0x4b: {  	_ =	shalt  }
0x4c: {  	_ =	shalt  }
0x4d: {  	_ =	shalt  }
0x4e: {  	_ =	shalt  }
0x4f: {  	_ =	shalt  }
0x50: {  	_ =	shalt  }
0x51: {  	_ =	shalt  }
0x52: {  	_ =	shalt  }
0x53: {  	_ =	shalt  }
0x54: {  	_ =	shalt  }
0x55: {  	_ =	shalt  }
0x56: {  	_ =	shalt  }
0x57: {  	_ =	shalt  }
0x58: {  	_ =	shalt  }
0x59: {  	_ =	shalt  }
0x5a: {  	_ =	shalt  }
0x5b: {  	_ =	shalt  }
0x5c: {  	_ =	shalt  }
0x5d: {  	_ =	shalt  }
0x5e: {  	_ =	shalt  }
0x5f: {  	_ =	shalt  }
0x60: {  	_ =	shalt  }
0x61: {  	_ =	shalt  }
0x62: {  	_ =	shalt  }
0x63: {  	_ =	shalt  }
0x64: {  	_ =	shalt  }
0x65: {  	_ =	shalt  }
0x66: {  	_ =	shalt  }
0x67: {  	_ =	shalt  }
0x68: {  	_ =	shalt  }
0x69: {  	_ =	shalt  }
0x6a: {  	_ =	shalt  }
0x6b: {  	_ =	shalt  }
0x6c: {  	_ =	shalt  }
0x6d: {  	_ =	shalt  }
0x6e: {  	_ =	shalt  }
0x6f: {  	_ =	shalt  }
0x70: {  	_ =	shalt  }
0x71: {  	_ =	shalt  }
0x72: {  	_ =	shalt  }
0x73: {  	_ =	shalt  }
0x74: {  	_ =	shalt  }
0x75: {  	_ =	shalt  }
0x76: {  	_ =	shalt  }
0x77: {  	_ =	shalt  }
0x78: {  	_ =	shalt  }
0x79: {  	_ =	shalt  }
0x7a: {  	_ =	shalt  }
0x7b: {  	_ =	shalt  }
0x7c: {  	_ =	shalt  }
0x7d: {  	_ =	shalt  }
0x7e: {  	_ =	shalt  }
0x7f: {  	_ =	shalt  }
0x80: {  	_ =	shalt  }
0x81: {  	_ =	shalt  }
0x82: {  	_ =	shalt  }
0x83: {  	_ =	shalt  }
0x84: {  	_ =	shalt  }
0x85: {  	_ =	shalt  }
0x86: {  	_ =	shalt  }
0x87: {  	_ =	shalt  }
.Lfunc_end0:
.L_simem_size_0:
called_computation.2_lowered:
.L_overlay_start_0:
0x88: {  	s2 =	sld [smem:$0x3FD9]  }
0x89: {  	s3 =	sld [smem:$0x3FFE];
	_ =	sdelay $0x1  }
0x8a: {  	s1 =	srdreg.scid  }
0x8b: {  	s0 =	sand.u32 $0x1, s1  }
0x8c: {  	s16 =	sshll.u32 s0, $0xA;
	s2 =	sadd.s32 s3, s2  }
0x8d: {  	s2 =	sadd.s32 s2, s16  }
0x8e: {  	[smem:$0x3FB2] =	sst s2  }
0x8f: {  	_ = 	snop  }
0x90: {  	(tm) =	ssettm $0x1  }
0x91: {  	s17 =	sld [smem:$0x3FFB];
	_ =	sdelay $0x3  }
0x92: {  	_ =	strace s17  }
0x93: {  	s2 =	sld [smem:$0x3FFC];
	_ =	sdelay $0x3  }
0x94: {  	_ =	strace s2  }
0x95: {  	s2 =	sld [smem:$0x3FFD];
	_ =	sdelay $0x3  }
0x96: {  	_ =	strace s2  }
0x97: {  	_ =	strace $0x8FFFFFFF  }
0x98: {  	s18 =	sld [smem:$0x3FDB];
	_ =	sdelay $0x1  }
0x99: {  	s19 =	simm.s32 $_scs_section_size  }
0x9a: {  	s4 =	simm.s32 $_size__tile_overlayer_lowered;
	s5 =	simm.s32 $_tile_overlayer_lowered  }
0x9b: {  	s22 =	simm.s32 $0x1BFF;
	s21 =	sshll.u32 s5, $0x1;
	s2 =	sadd.s32 s19, s18  }
0x9c: {  	s6 =	simm.s32 $0x0;
	s20 =	sshll.u32 s4, $0x1;
	s4 =	sadd.s32 s21, s2  }
0x9d: {  	[timem:s6], [sflag:s22] =	dma.local [hbm:s4], s20  }
0x9e: {  	_ =	swait.ge [sflag:s22], s20  }
0x9f: {  	s3 =	ssub.s32 $0x0, s20;
	[sflag:s22] =	ssyncset.done $0x0  }
0xa0: {  	[sflag:s22] =	ssyncadd.s32 s3;
	_ =	sdelay $0x1  }
0xa1: {  	s23 =	simm.s32 $0x1B8B  }
0xa2: {  	_ =	swait.ge [sflag:s23], $0x1  }
0xa3: {  	[sflag:s23] =	ssyncset.done $0x0  }
0xa4: {  	s25 =	simm.s32 $0x1B8E;
	s24 =	sld [smem:$0x3FFE];
	[sflag:s23] =	ssyncadd.s32 $0xFFFFFFFF  }
0xa5: {  	s26 =	simm.s32 $execute0_lowered;
	[smem:$0x3FD2] =	sst s25  }
0xa6: {  	s4 =	sshll.u32 s26, $0x1;
	_ =	strace $0x8000004C;
	[dreg:$0x1] =	wrdreg $0xFFFFFFFF  }
0xa7: {  	s28 =	simm.s32 $_size_execute0_lowered;
	s2 =	sadd.s32 s2, s4;
	[dreg:$0x0] =	wrdreg $0x0  }
0xa8: {  	s4 =	sshll.u32 s28, $0x1;
	[dreg:$0x2] =	wrdreg s2  }
0xa9: {  	[dreg:$0x3] =	wrdreg s4  }
0xaa: {  	[dreg:$0x4] =	wrdreg $0xC0  }
0xab: {  	_ =	task [dreg:s6], $0x5FFFF  }
0xac: {  	[dreg:$0x1] =	wrdreg $0xFFFFFFFF  }
0xad: {  	[dreg:$0x0] =	wrdreg $0x60  }
0xae: {  	[dreg:$0x2] =	wrdreg s24  }
0xaf: {  	[dreg:$0x3] =	wrdreg $0x90000  }
0xb0: {  	[dreg:$0x4] =	wrdreg $0x9  }
0xb1: {  	_ =	task.clear_ibuf [dreg:s6], $0x5FFFF;
	_ =	strace $0x9000004C  }
0xb2: {  	s29 =	simm.s32 $0x9;
	_ =	strace $0x8000004E  }
0xb3: {  	_ =	swait.ge [sflag:s29], $0x1  }
0xb4: {  	[sflag:s29] =	ssyncadd.s32 $0xFFFFFFFF  }
0xb5: {  	_ =	strace $0x9000004E  }
0xb6: {  	_ =	sfence  }
0xb7: {  	s30 =	sld [smem:$0x0];
	_ =	sdelay $0x2  }
0xb8: {  	s31 =	sshll.u32 s1, $0xD;
	s1 =	sshrl.u32 s1, $0x2  }
0xb9: {  	s3 =	sand.u32 $0x4000, s31;
	s1 =	sadd.s32 s1, s30  }
0xba: {  	s0 =	sor.u32 s3, s0;
	s1 =	sshll.u32 s1, $0x11  }
0xbb: {  	s0 =	sor.u32 s1, s0  }
0xbc: {  	s0 =	sadd.s32 $0x8F2B, s0  }
0xbd: {  	[sflag:s0] =	ssyncadd.remote.s32 $0x1  }
0xbe: {  	_ =	sfence.sel $0xFFFF  }
0xbf: {  	[dreg:$0x0] =	wrdreg $0xFFFFFFFF;
	(pc) =	sbr.abs _section_cstart, $3  }
0xc0: {  	[dreg:$0x1] =	wrdreg $0xFFFFFFFF  }
0xc1: {  	_ =	task.clear_ibuf [dreg:s6], $0x2FFFF;
	_ =	strace $0x9FFFFFFF  }
0xc2: {  	(tm) =	ssettm $0x7FFFFFFF  }
0xc3: {  	_ =	shalt  }
tec
execute0_lowered:
.L_overlay_start_1:
0x0: {  	(tag) =	ssettag $0x1  }
0x1: {  	s0 =	srdreg.scid;
	s7 =	rddreg [dreg:$0x0]  }
0x2: {  	s1 =	rddreg [dreg:$0x1];
	s13 =	stileid.u32;
	s2 =	simm.s32 $0x0  }
0x3: {  	s19 =	simm.s32 $0x5000;
	s20 =	simm.s32 $0x1;
	s21 =	simm.s32 $0x0  }
0x4: {  	s5 =	sand.u32 $0x1, s0;
	s0 =	rddreg [dreg:$0x2];
	s6 =	smul.u32 $0x4E000, s13  }
0x5: {  	[smem:$0x7FF] =	sst s2;
	s11 =	smul.u32 $0x13800, s13;
	s12 =	sadd.s32 $0x91800, s7  }
0x6: {  	s29 =	sshll.u32 s13, $0x6;
	s16 =	sadd.s32 $0x138000, s1;
	s17 =	sadd.s32 $0x138800, s1  }
0x7: {  	p0 =	sne.s32 s13, $0x0;
	s3 =	sshll.u32 s5, $0x4;
	_ =	strace $0x8000004D  }
0x8: {  	s8 =	ssub.s32 $0x2, s5;
	s30 =	smul.u32 $0x138800, s5;
	s3 =	sor.u32 s13, s3  }
0x9: {  	s10 =	sshrl.u32 s8, $0x1;
	s6 =	sshrl.u32 s6, $0x2;
	s28 =	sshrl.u32 s11, $0x3  }
0xa: {  	s4 =	smul.u32 $0x500, s3;
	s3 =	sadd.s32 $0x11C00, s7;
	s14 =	ssub.s32 s8, s10  }
0xb: {  	s15 =	sadd.s32 s6, s1;
	s6 =	sor.u32 $0x1C02, s29;
	s11 =	sadd.s32 s11, s30  }
0xc: {  	s18 =	sshrl.u32 s30, $0x3;
	s5 =	sadd.s32 s3, s28;
	s11 =	sshrl.u32 s11, $0x3  }
0xd: {  	s31 =	sadd.s32 s12, s18;
	s13 =	sshrl.u32 s15, $0x3;
	s15 =	sshrl.u32 @!p0 s16, $0x3  }
0xe: {  	s16 =	sshrl.u32 @!p0 s17, $0x3;
	s17 =	simm.s32 $0x2800;
	s18 =	simm.s32 $0x80  }
0xf: {  	s9 =	sadd.s32 s4, s7;
	s4 =	sadd.s32 $0x60000, s7;
	s7 =	sadd.s32 $0x38C00, s7  }
0x10: {  	s10 =	sadd.s32 s12, s11;
	s11 =	sadd.s32 $0x27000, s31;
	s12 =	smax.u32 s14, $0x1  }
0x11: {  	s14 =	simm.s32 $0x2;
	s8 =	sadd.s32 $0x87800, s9;
	s9 =	sadd.s32 $0x7C00, s9  }
.LBB2_1:
0x12: {  	[spmem:s13], [sflag:s6] =	dma.local [hbm:s5], $0x2700  }
0x13: {  	_ =	swait.ge [sflag:s14], $0x2700  }
0x14: {  	[sflag:s14] =	ssyncset.done $0x0  }
0x15: {  	s22 =	simm.s32 @!p0 $0x2;
	[sflag:s14] =	ssyncadd.s32 $0xFFFFD900  }
0x16: {  	[spmem:s15], [sflag:s6] =	dma.local @!p0 [hbm:s7], $0x100  }
0x17: {  	_ =	swait.ge @!p0 [sflag:s22], $0x100  }
0x18: {  	[sflag:s22] =	ssyncset.done @!p0 $0x0  }
0x19: {  	[sflag:s22] =	ssyncadd.s32 @!p0 $0xFFFFFF00  }
0x1a: {  	[spmem:s16], [sflag:s6] =	dma.local @!p0 [hbm:s4], $0x80  }
0x1b: {  	_ =	swait.ge @!p0 [sflag:s22], $0x80  }
0x1c: {  	[sflag:s22] =	ssyncset.done @!p0 $0x0  }
0x1d: {  	[sflag:s22] =	ssyncadd.s32 @!p0 $0xFFFFFF80  }
0x1e: {  	[tilespmem:s2], [sflag:$0x2] =	stream.linear.gather [hbm4b:s8+s2], $0x2780, $0x38;
	[tilespmem:$0x1C8C0] =	vst v63  }
0x1f: {  	_ =	swait.ge [sflag:s14], $0x2780  }
0x20: {  	[sflag:s14] =	ssyncset.done $0x0  }
0x21: {  	[sflag:s14] =	ssyncadd.s32 $0xFFFFD880  }
0x22: {  	[tilespmem:s17], [sflag:$0x2] =	stream.linear.gather [hbm4b:s9+s2], $0x2780, $0x38;
	[tilespmem:$0x1C8C0] =	vst v63  }
0x23: {  	_ =	swait.ge [sflag:s14], $0x2780  }
0x24: {  	[sflag:s14] =	ssyncset.done $0x0  }
0x25: {  	[sflag:s14] =	ssyncadd.s32 $0xFFFFD880  }
0x26: {  	s30 =	simm.s32 $0x0;
	[bflag:$0x0] =	sbarrier.arrive $0xFFFF  }
0x27: {  	[tilespmem:s19], [sflag:$0x1] =	stream.indirect.gather [hbm4b:s3+s18], $0x80, s30, s18, $0xb8;
	[tilespmem:$0x1C8C0] =	vst v63  }
0x28: {  	_ =	swait.ge [sflag:s20], $0x4000  }
0x29: {  	[sflag:s20] =	ssyncset.done $0x0  }
0x2a: {  	s31 =	simm.s32 $0x2800;
	[sflag:s20] =	ssyncadd.s32 $0xFFFFC000  }
0x2b: {  	[spmem:s1] =	stream.indirect.scatter.add.f32 [tilespmem:s19], [sflag:$0x2], $0x80, s31, s18, $0xb8;
	[tilespmem:$0x1C8C0] =	vst v63  }
0x2c: {  	_ =	swait.ge [sflag:s14], $0x4000  }
0x2d: {  	s23 =	simm.s32 $0x400;
	s22 =	simm.s32 $0x200;
	[sflag:s14] =	ssyncset.done $0x0  }
.LBB2_2:
0x2e: {  	s24 =	sshra.s32 s22, $0x2  }
0x2f: {  	[sflag:s14] =	ssyncadd.s32 $0xFFFFC000;
	s22 =	smov.u32 s23;
	s25 =	sadd.s32 $0x200, s23  }
0x30: {  	[tilespmem:s19], [sflag:$0x1] =	stream.indirect.gather [hbm4b:s3+s18], $0x80, s24, s18, $0xb8;
	[tilespmem:$0x1C8C0] =	vst v63  }
0x31: {  	p1 =	sne.s32 s23, $0x9C00;
	_ =	swait.ge [sflag:s20], $0x4000  }
.Ltmp0:
0x32: {  	[sflag:s20] =	ssyncset.done $0x0;
	(pc) =	sbr.rel @p1 .LBB2_2-.Ltmp0, $4  }
0x33: {  	s23 =	sadd.s32 $0x2800, s24;
	[sflag:s20] =	ssyncadd.s32 $0xFFFFC000  }
0x34: {  	[spmem:s1] =	stream.indirect.scatter.add.f32 [tilespmem:s19], [sflag:$0x2], $0x80, s23, s18, $0xb8;
	[tilespmem:$0x1C8C0] =	vst v63  }
0x35: {  	_ =	swait.ge [sflag:s14], $0x4000  }
0x36: {  	s23 =	smov.u32 s25;
	[sflag:s14] =	ssyncset.done $0x0  }
0x37: {  	s22 =	sshra.s32 s22, $0x2;
	[sflag:s14] =	ssyncadd.s32 $0xFFFFC000  }
0x38: {  	[tilespmem:s19], [sflag:$0x1] =	stream.indirect.gather [hbm4b:s3+s18], $0x80, s22, s18, $0xb8;
	[tilespmem:$0x1C8C0] =	vst v63  }
0x39: {  	_ =	swait.ge [sflag:s20], $0x4000  }
0x3a: {  	[sflag:s20] =	ssyncset.done $0x0  }
0x3b: {  	s22 =	sadd.s32 $0x2800, s22;
	[sflag:s20] =	ssyncadd.s32 $0xFFFFC000  }
0x3c: {  	[spmem:s1] =	stream.indirect.scatter.add.f32 [tilespmem:s19], [sflag:$0x2], $0x80, s22, s18, $0xb8;
	[tilespmem:$0x1C8C0] =	vst v63  }
0x3d: {  	_ =	swait.ge [sflag:s14], $0x4000  }
0x3e: {  	[sflag:s14] =	ssyncset.done $0x0  }
0x3f: {  	[sflag:s14] =	ssyncadd.s32 $0xFFFFC000  }
0x40: {  	[bflag:$0x0] =	sbarrier.arrive $0xFFFF  }
0x41: {  	[hbm:s10], [sflag:s6] =	dma.local [spmem:s13], $0x2700  }
0x42: {  	s21 =	sadd.s32 $0x1, s21;
	_ =	swait.ge [sflag:s14], $0x2700  }
0x43: {  	p1 =	sne.s32 s21, s12;
	[sflag:s14] =	ssyncset.done $0x0  }
.Ltmp1:
0x44: {  	s22 =	simm.s32 @!p0 $0x2;
	[sflag:s14] =	ssyncadd.s32 $0xFFFFD900;
	(pc) =	sbr.rel @p1 .LBB2_1-.Ltmp1, $4  }
0x45: {  	[hbm:s11], [sflag:s6] =	dma.local @!p0 [spmem:s15], $0x100  }
0x46: {  	_ =	swait.ge @!p0 [sflag:s22], $0x100  }
0x47: {  	[sflag:s22] =	ssyncset.done @!p0 $0x0  }
0x48: {  	[sflag:s22] =	ssyncadd.s32 @!p0 $0xFFFFFF00  }
0x49: {  	_ =	sfence.sel $0x180000  }
0x4a: {  	[bflag:$0x0] =	sbarrier.arrive $0xFFFF  }
0x4b: {  	_ =	strace $0x9000004D  }
0x4c: {  	s0 =	sadd.s32 @!p0 $0x100000, s0;
	[bflag:$0x2] =	sbarrier.arrive $0xFFFF  }
0x4d: {  	[sflag:s0] =	ssyncadd.tile.s32 @!p0 $0x1;
	_ =	shalt  }
.Lfunc_end2:
_tile_overlayer_lowered:
.L_overlay_start_2:
0x4e: {  	(tag) =	ssettag $0x2  }
0x4f: {  	s0 =	rddreg [dreg:$0x0];
	s2 =	stileid.u32  }
0x50: {  	s1 =	rddreg [dreg:$0x1];
	p0 =	sne.s32 s2, $0x0  }
0x51: {  	s3 =	rddreg [dreg:$0x2];
	[bflag:$0x3] =	sbarrier.arrive $0xFFFF;
	s2 =	simm.s32 @!p0 $0x1C02  }
0x52: {  	[timem:s3], [sflag:s2] =	dma.local @!p0 [hbm:s0], s1  }
0x53: {  	s0 =	simm.s32 @!p0 $0x2  }
0x54: {  	_ =	swait.ge @!p0 [sflag:s0], s1  }
0x55: {  	s1 =	ssub.s32 @!p0 $0x0, s1;
	[sflag:s0] =	ssyncset.done @!p0 $0x0  }
0x56: {  	[sflag:s0] =	ssyncadd.s32 @!p0 s1  }
0x57: {  	[bflag:$0x3] =	sbarrier.arrive $0xFFFF  }
0x58: {  	_ =	shalt  }

// kernel: kernel.22.cloned.1.call-start
scs
__scs_entry_jumppad:
0x0: {  	(pc) =	sbr.rel $0x88, $3  }
0x1: {  	(tag) =	ssettag $0x0;
	lr =	simm.s32 $0x1  }
0x2: {  	[smem:$0x3F8B] =	sst lr;
	_ =	strace $0xD0000000  }
0x3: {  	_ = 	snop  }
0x4: {  	_ = 	snop  }
0x5: {  	_ = 	snop  }
0x6: {  	_ = 	snop  }
0x7: {  	_ = 	snop  }
__scs_overlays_trampoline_lowered:
0x8: {  	[smem:$0x3F9A] =	sst s0  }
0x9: {  	[smem:$0x3F9B] =	sst s1  }
0xa: {  	[smem:$0x3F9C] =	sst s2  }
0xb: {  	[smem:$0x3F9D] =	sst s3  }
0xc: {  	[smem:$0x3F9E] =	sst s4  }
0xd: {  	[smem:$0x3F9F] =	sst s5  }
0xe: {  	[smem:$0x3FA0] =	sst s6  }
0xf: {  	[smem:$0x3FA1] =	sst s7  }
0x10: {  	[smem:$0x3FA2] =	sst s8  }
0x11: {  	[smem:$0x3FA3] =	sst s9;
	s0 =	simm.s32 @!p0 $0x0  }
0x12: {  	s1 =	sld [smem:$0x3F89];
	s0 =	simm.s32 @p0 $0x1  }
0x13: {  	[smem:$0x3FA4] =	sst s0;
	s0 =	simm.s32 @!p1 $0x0  }
0x14: {  	s2 =	sld [smem:$0x3F88];
	s0 =	simm.s32 @p1 $0x1  }
0x15: {  	[smem:$0x3FA5] =	sst s0;
	s0 =	simm.s32 @!p2 $0x0  }
0x16: {  	s3 =	sld [smem:$0x3FDB];
	s0 =	simm.s32 @p2 $0x1  }
0x17: {  	s4 =	simm.s32 $0x1BF5;
	[smem:$0x3FA7] =	sst s0  }
0x18: {  	s0 =	sld [smem:$0x3F8A];
	_ =	swait.ge [sflag:s4], $0x0  }
0x19: {  	s7 =	sld [smem:$0x3F8B]  }
0x1a: {  	s8 =	sadd.s32 $0xFFFFE003, lr  }
0x1b: {  	s9 =	sadd.s32 $0xFFFFFEF7, lr;
	s5 =	simm.s32 $0xFFFFFFFF;
	p2 =	slt.u32 s8, $0xFFFFF086  }
0x1c: {  	p1 =	slt.u32 s9, $0xF7A;
	s5 =	simm.s32 @!p2 $0x0  }
0x1d: {  	s5 =	simm.s32 @p1 $0x1;
	p0 =	seq.s32 s7, s2  }
0x1e: {  	s7 =	smul.u32 @!p0 $0xF7A, s2;
	p2 =	seq.s32 @!p0 s5, $0x0  }
0x1f: {  	s9 =	smul.u32 $0xF7A, s1;
	s8 =	simm.s32 @!p0 $0x1BF5;
	p2 =	por !p2, p0  }
0x20: {  	[sflag:s8] =	ssyncset.s32 @!p0 $0xFFFFF086;
	s6 =	sadd.s32 @!p0 s3, s7;
	s7 =	simm.s32 @!p0 $0x108  }
0x21: {  	s3 =	sadd.s32 s3, s9;
	s6 =	sadd.s32 @!p0 $0x88, s6;
	s7 =	simm.s32 @p2 $0x1082  }
0x22: {  	[simem:s7], [sflag:s8] =	dma.local @!p0 [hbm:s6], $0xF7A  }
0x23: {  	s9 =	sor.u32 $0xD0000000, s2;
	s6 =	simm.s32 $0x108;
	_ =	swait.ge @!p0 [sflag:s8], $0x0  }
0x24: {  	s3 =	sadd.s32 $0x88, s3;
	s6 =	simm.s32 @!p1 $0x1082;
	[sflag:s4] =	ssyncset.s32 $0xFFFFF086  }
0x25: {  	[simem:s6], [sflag:s4] =	dma.local [hbm:s3], $0xF7A  }
0x26: {  	[smem:$0x3F8B] =	sst s1;
	(tag) =	ssettag s2;
	_ =	strace s9  }
0x27: {  	s1 =	sld [smem:$0x3F9B]  }
0x28: {  	s2 =	sld [smem:$0x3F9C]  }
0x29: {  	s4 =	sld [smem:$0x3F9E]  }
0x2a: {  	p0 =	seq.s32 s5, $0x0;
	s5 =	sld [smem:$0x3F9F]  }
0x2b: {  	s6 =	sld [smem:$0x3FA0]  }
0x2c: {  	s7 =	sld [smem:$0x3FA1]  }
0x2d: {  	s3 =	simm.s32 $0x108;
	s8 =	sld [smem:$0x3FA2]  }
0x2e: {  	s3 =	simm.s32 @!p0 $0x1082;
	s9 =	sld [smem:$0x3FA3]  }
0x2f: {  	lr =	sadd.s32 s0, s3;
	s0 =	sld [smem:$0x3F9A]  }
0x30: {  	s3 =	sld [smem:$0x3F9D]  }
0x31: {  	[smem:$0x3FA6] =	sst s10  }
0x32: {  	s10 =	sld [smem:$0x3FA4];
	_ =	sdelay $0x3  }
0x33: {  	p0 =	seq.s32 s10, $0x1;
	s10 =	sld [smem:$0x3FA6];
	_ =	sdelay $0x3  }
0x34: {  	[smem:$0x3FA6] =	sst s10  }
0x35: {  	s10 =	sld [smem:$0x3FA5];
	_ =	sdelay $0x3  }
0x36: {  	p1 =	seq.s32 s10, $0x1;
	s10 =	sld [smem:$0x3FA6];
	_ =	sdelay $0x3  }
0x37: {  	[smem:$0x3FA6] =	sst s10  }
0x38: {  	s10 =	sld [smem:$0x3FA7]  }
0x39: {  	_ = 	snop;
	(pc) =	sbr.ind lr, $3  }
0x3a: {  	_ = 	snop  }
0x3b: {  	_ = 	snop  }
0x3c: {  	p2 =	seq.s32 s10, $0x1;
	s10 =	sld [smem:$0x3FA6]  }
0x3d: {  	_ =	shalt  }
0x3e: {  	_ =	shalt  }
0x3f: {  	_ =	shalt  }
0x40: {  	_ =	shalt  }
0x41: {  	_ =	shalt  }
0x42: {  	_ =	shalt  }
0x43: {  	_ =	shalt  }
0x44: {  	_ =	shalt  }
0x45: {  	_ =	shalt  }
0x46: {  	_ =	shalt  }
0x47: {  	_ =	shalt  }
0x48: {  	_ =	shalt  }
0x49: {  	_ =	shalt  }
0x4a: {  	_ =	shalt  }
0x4b: {  	_ =	shalt  }
0x4c: {  	_ =	shalt  }
0x4d: {  	_ =	shalt  }
0x4e: {  	_ =	shalt  }
0x4f: {  	_ =	shalt  }
0x50: {  	_ =	shalt  }
0x51: {  	_ =	shalt  }
0x52: {  	_ =	shalt  }
0x53: {  	_ =	shalt  }
0x54: {  	_ =	shalt  }
0x55: {  	_ =	shalt  }
0x56: {  	_ =	shalt  }
0x57: {  	_ =	shalt  }
0x58: {  	_ =	shalt  }
0x59: {  	_ =	shalt  }
0x5a: {  	_ =	shalt  }
0x5b: {  	_ =	shalt  }
0x5c: {  	_ =	shalt  }
0x5d: {  	_ =	shalt  }
0x5e: {  	_ =	shalt  }
0x5f: {  	_ =	shalt  }
0x60: {  	_ =	shalt  }
0x61: {  	_ =	shalt  }
0x62: {  	_ =	shalt  }
0x63: {  	_ =	shalt  }
0x64: {  	_ =	shalt  }
0x65: {  	_ =	shalt  }
0x66: {  	_ =	shalt  }
0x67: {  	_ =	shalt  }
0x68: {  	_ =	shalt  }
0x69: {  	_ =	shalt  }
0x6a: {  	_ =	shalt  }
0x6b: {  	_ =	shalt  }
0x6c: {  	_ =	shalt  }
0x6d: {  	_ =	shalt  }
0x6e: {  	_ =	shalt  }
0x6f: {  	_ =	shalt  }
0x70: {  	_ =	shalt  }
0x71: {  	_ =	shalt  }
0x72: {  	_ =	shalt  }
0x73: {  	_ =	shalt  }
0x74: {  	_ =	shalt  }
0x75: {  	_ =	shalt  }
0x76: {  	_ =	shalt  }
0x77: {  	_ =	shalt  }
0x78: {  	_ =	shalt  }
0x79: {  	_ =	shalt  }
0x7a: {  	_ =	shalt  }
0x7b: {  	_ =	shalt  }
0x7c: {  	_ =	shalt  }
0x7d: {  	_ =	shalt  }
0x7e: {  	_ =	shalt  }
0x7f: {  	_ =	shalt  }
0x80: {  	_ =	shalt  }
0x81: {  	_ =	shalt  }
0x82: {  	_ =	shalt  }
0x83: {  	_ =	shalt  }
0x84: {  	_ =	shalt  }
0x85: {  	_ =	shalt  }
0x86: {  	_ =	shalt  }
0x87: {  	_ =	shalt  }
.Lfunc_end0:
.L_simem_size_0:
called_computation.3_lowered:
.L_overlay_start_0:
0x88: {  	s2 =	sld [smem:$0x3FD9]  }
0x89: {  	s3 =	sld [smem:$0x3FFE];
	_ =	sdelay $0x1  }
0x8a: {  	s1 =	srdreg.scid  }
0x8b: {  	s0 =	sand.u32 $0x1, s1  }
0x8c: {  	s16 =	sshll.u32 s0, $0xA;
	s2 =	sadd.s32 s3, s2  }
0x8d: {  	s2 =	sadd.s32 s2, s16  }
0x8e: {  	[smem:$0x3FB2] =	sst s2  }
0x8f: {  	_ = 	snop  }
0x90: {  	(tm) =	ssettm $0x1  }
0x91: {  	s17 =	sld [smem:$0x3FFB];
	_ =	sdelay $0x3  }
0x92: {  	_ =	strace s17  }
0x93: {  	s2 =	sld [smem:$0x3FFC];
	_ =	sdelay $0x3  }
0x94: {  	_ =	strace s2  }
0x95: {  	s2 =	sld [smem:$0x3FFD];
	_ =	sdelay $0x3  }
0x96: {  	_ =	strace s2  }
0x97: {  	_ =	strace $0x8FFFFFFF  }
0x98: {  	s18 =	sld [smem:$0x3FDB];
	_ =	sdelay $0x1  }
0x99: {  	s19 =	simm.s32 $_scs_section_size  }
0x9a: {  	s4 =	simm.s32 $_size__tile_overlayer_lowered;
	s5 =	simm.s32 $_tile_overlayer_lowered  }
0x9b: {  	s22 =	simm.s32 $0x1BFF;
	s21 =	sshll.u32 s5, $0x1;
	s2 =	sadd.s32 s19, s18  }
0x9c: {  	s6 =	simm.s32 $0x0;
	s20 =	sshll.u32 s4, $0x1;
	s4 =	sadd.s32 s21, s2  }
0x9d: {  	[timem:s6], [sflag:s22] =	dma.local [hbm:s4], s20  }
0x9e: {  	_ =	swait.ge [sflag:s22], s20  }
0x9f: {  	s3 =	ssub.s32 $0x0, s20;
	[sflag:s22] =	ssyncset.done $0x0  }
0xa0: {  	[sflag:s22] =	ssyncadd.s32 s3;
	_ =	sdelay $0x1  }
0xa1: {  	s23 =	simm.s32 $0x1B8B  }
0xa2: {  	_ =	swait.ge [sflag:s23], $0x1  }
0xa3: {  	[sflag:s23] =	ssyncset.done $0x0  }
0xa4: {  	s25 =	simm.s32 $0x1B8E;
	s24 =	sld [smem:$0x3FFE];
	[sflag:s23] =	ssyncadd.s32 $0xFFFFFFFF  }
0xa5: {  	s26 =	simm.s32 $execute0_lowered;
	[smem:$0x3FD2] =	sst s25  }
0xa6: {  	s4 =	sshll.u32 s26, $0x1;
	_ =	strace $0x8000004F;
	[dreg:$0x1] =	wrdreg $0xFFFFFFFF  }
0xa7: {  	s28 =	simm.s32 $_size_execute0_lowered;
	s2 =	sadd.s32 s2, s4;
	[dreg:$0x0] =	wrdreg $0x0  }
0xa8: {  	s4 =	sshll.u32 s28, $0x1;
	[dreg:$0x2] =	wrdreg s2  }
0xa9: {  	[dreg:$0x3] =	wrdreg s4  }
0xaa: {  	[dreg:$0x4] =	wrdreg $0xC0  }
0xab: {  	_ =	task [dreg:s6], $0x5FFFF  }
0xac: {  	[dreg:$0x1] =	wrdreg $0xFFFFFFFF  }
0xad: {  	[dreg:$0x0] =	wrdreg $0x60  }
0xae: {  	[dreg:$0x2] =	wrdreg s24  }
0xaf: {  	[dreg:$0x3] =	wrdreg $0x90000  }
0xb0: {  	[dreg:$0x4] =	wrdreg $0x9  }
0xb1: {  	_ =	task.clear_ibuf [dreg:s6], $0x5FFFF;
	_ =	strace $0x9000004F  }
0xb2: {  	s29 =	simm.s32 $0x9;
	_ =	strace $0x80000051  }
0xb3: {  	_ =	swait.ge [sflag:s29], $0x1  }
0xb4: {  	[sflag:s29] =	ssyncadd.s32 $0xFFFFFFFF  }
0xb5: {  	_ =	strace $0x90000051  }
0xb6: {  	_ =	sfence  }
0xb7: {  	s30 =	sld [smem:$0x0];
	_ =	sdelay $0x2  }
0xb8: {  	s31 =	sshll.u32 s1, $0xD;
	s1 =	sshrl.u32 s1, $0x2  }
0xb9: {  	s3 =	sand.u32 $0x4000, s31;
	s1 =	sadd.s32 s1, s30  }
0xba: {  	s0 =	sor.u32 s3, s0;
	s1 =	sshll.u32 s1, $0x11  }
0xbb: {  	s0 =	sor.u32 s1, s0  }
0xbc: {  	s0 =	sadd.s32 $0x8F2B, s0  }
0xbd: {  	[sflag:s0] =	ssyncadd.remote.s32 $0x1  }
0xbe: {  	_ =	sfence.sel $0xFFFF  }
0xbf: {  	[dreg:$0x0] =	wrdreg $0xFFFFFFFF;
	(pc) =	sbr.abs _section_cstart, $3  }
0xc0: {  	[dreg:$0x1] =	wrdreg $0xFFFFFFFF  }
0xc1: {  	_ =	task.clear_ibuf [dreg:s6], $0x2FFFF;
	_ =	strace $0x9FFFFFFF  }
0xc2: {  	(tm) =	ssettm $0x7FFFFFFF  }
0xc3: {  	_ =	shalt  }
tec
execute0_lowered:
.L_overlay_start_1:
0x0: {  	(tag) =	ssettag $0x1  }
0x1: {  	s0 =	srdreg.scid;
	s7 =	rddreg [dreg:$0x0]  }
0x2: {  	s1 =	rddreg [dreg:$0x1];
	s13 =	stileid.u32;
	s2 =	simm.s32 $0x0  }
0x3: {  	s19 =	simm.s32 $0x5000;
	s20 =	simm.s32 $0x1;
	s21 =	simm.s32 $0x0  }
0x4: {  	s5 =	sand.u32 $0x1, s0;
	s0 =	rddreg [dreg:$0x2];
	s6 =	smul.u32 $0x4E000, s13  }
0x5: {  	[smem:$0x7FF] =	sst s2;
	s11 =	smul.u32 $0x13800, s13;
	s12 =	sadd.s32 $0x91800, s7  }
0x6: {  	s29 =	sshll.u32 s13, $0x6;
	s16 =	sadd.s32 $0x138000, s1;
	s17 =	sadd.s32 $0x138800, s1  }
0x7: {  	p0 =	sne.s32 s13, $0x0;
	s3 =	sshll.u32 s5, $0x4;
	_ =	strace $0x80000050  }
0x8: {  	s8 =	ssub.s32 $0x2, s5;
	s30 =	smul.u32 $0x138800, s5;
	s3 =	sor.u32 s13, s3  }
0x9: {  	s10 =	sshrl.u32 s8, $0x1;
	s6 =	sshrl.u32 s6, $0x2;
	s28 =	sshrl.u32 s11, $0x3  }
0xa: {  	s4 =	smul.u32 $0x500, s3;
	s3 =	sadd.s32 $0x11C00, s7;
	s14 =	ssub.s32 s8, s10  }
0xb: {  	s15 =	sadd.s32 s6, s1;
	s6 =	sor.u32 $0x1C02, s29;
	s11 =	sadd.s32 s11, s30  }
0xc: {  	s18 =	sshrl.u32 s30, $0x3;
	s5 =	sadd.s32 s3, s28;
	s11 =	sshrl.u32 s11, $0x3  }
0xd: {  	s31 =	sadd.s32 s12, s18;
	s13 =	sshrl.u32 s15, $0x3;
	s15 =	sshrl.u32 @!p0 s16, $0x3  }
0xe: {  	s16 =	sshrl.u32 @!p0 s17, $0x3;
	s17 =	simm.s32 $0x2800;
	s18 =	simm.s32 $0x80  }
0xf: {  	s9 =	sadd.s32 s4, s7;
	s4 =	sadd.s32 $0x60000, s7;
	s7 =	sadd.s32 $0x38C00, s7  }
0x10: {  	s10 =	sadd.s32 s12, s11;
	s11 =	sadd.s32 $0x27000, s31;
	s12 =	smax.u32 s14, $0x1  }
0x11: {  	s14 =	simm.s32 $0x2;
	s8 =	sadd.s32 $0x87800, s9;
	s9 =	sadd.s32 $0x7C00, s9  }
.LBB2_1:
0x12: {  	[spmem:s13], [sflag:s6] =	dma.local [hbm:s5], $0x2700  }
0x13: {  	_ =	swait.ge [sflag:s14], $0x2700  }
0x14: {  	[sflag:s14] =	ssyncset.done $0x0  }
0x15: {  	s22 =	simm.s32 @!p0 $0x2;
	[sflag:s14] =	ssyncadd.s32 $0xFFFFD900  }
0x16: {  	[spmem:s15], [sflag:s6] =	dma.local @!p0 [hbm:s7], $0x100  }
0x17: {  	_ =	swait.ge @!p0 [sflag:s22], $0x100  }
0x18: {  	[sflag:s22] =	ssyncset.done @!p0 $0x0  }
0x19: {  	[sflag:s22] =	ssyncadd.s32 @!p0 $0xFFFFFF00  }
0x1a: {  	[spmem:s16], [sflag:s6] =	dma.local @!p0 [hbm:s4], $0x80  }
0x1b: {  	_ =	swait.ge @!p0 [sflag:s22], $0x80  }
0x1c: {  	[sflag:s22] =	ssyncset.done @!p0 $0x0  }
0x1d: {  	[sflag:s22] =	ssyncadd.s32 @!p0 $0xFFFFFF80  }
0x1e: {  	[tilespmem:s2], [sflag:$0x2] =	stream.linear.gather [hbm4b:s8+s2], $0x2780, $0x38;
	[tilespmem:$0x1C8C0] =	vst v63  }
0x1f: {  	_ =	swait.ge [sflag:s14], $0x2780  }
0x20: {  	[sflag:s14] =	ssyncset.done $0x0  }
0x21: {  	[sflag:s14] =	ssyncadd.s32 $0xFFFFD880  }
0x22: {  	[tilespmem:s17], [sflag:$0x2] =	stream.linear.gather [hbm4b:s9+s2], $0x2780, $0x38;
	[tilespmem:$0x1C8C0] =	vst v63  }
0x23: {  	_ =	swait.ge [sflag:s14], $0x2780  }
0x24: {  	[sflag:s14] =	ssyncset.done $0x0  }
0x25: {  	[sflag:s14] =	ssyncadd.s32 $0xFFFFD880  }
0x26: {  	s30 =	simm.s32 $0x0;
	[bflag:$0x0] =	sbarrier.arrive $0xFFFF  }
0x27: {  	[tilespmem:s19], [sflag:$0x1] =	stream.indirect.gather [hbm4b:s3+s18], $0x80, s30, s18, $0xb8;
	[tilespmem:$0x1C8C0] =	vst v63  }
0x28: {  	_ =	swait.ge [sflag:s20], $0x4000  }
0x29: {  	[sflag:s20] =	ssyncset.done $0x0  }
0x2a: {  	s31 =	simm.s32 $0x2800;
	[sflag:s20] =	ssyncadd.s32 $0xFFFFC000  }
0x2b: {  	[spmem:s1] =	stream.indirect.scatter.add.f32 [tilespmem:s19], [sflag:$0x2], $0x80, s31, s18, $0xb8;
	[tilespmem:$0x1C8C0] =	vst v63  }
0x2c: {  	_ =	swait.ge [sflag:s14], $0x4000  }
0x2d: {  	s23 =	simm.s32 $0x400;
	s22 =	simm.s32 $0x200;
	[sflag:s14] =	ssyncset.done $0x0  }
.LBB2_2:
0x2e: {  	s24 =	sshra.s32 s22, $0x2  }
0x2f: {  	[sflag:s14] =	ssyncadd.s32 $0xFFFFC000;
	s22 =	smov.u32 s23;
	s25 =	sadd.s32 $0x200, s23  }
0x30: {  	[tilespmem:s19], [sflag:$0x1] =	stream.indirect.gather [hbm4b:s3+s18], $0x80, s24, s18, $0xb8;
	[tilespmem:$0x1C8C0] =	vst v63  }
0x31: {  	p1 =	sne.s32 s23, $0x9C00;
	_ =	swait.ge [sflag:s20], $0x4000  }
.Ltmp0:
0x32: {  	[sflag:s20] =	ssyncset.done $0x0;
	(pc) =	sbr.rel @p1 .LBB2_2-.Ltmp0, $4  }
0x33: {  	s23 =	sadd.s32 $0x2800, s24;
	[sflag:s20] =	ssyncadd.s32 $0xFFFFC000  }
0x34: {  	[spmem:s1] =	stream.indirect.scatter.add.f32 [tilespmem:s19], [sflag:$0x2], $0x80, s23, s18, $0xb8;
	[tilespmem:$0x1C8C0] =	vst v63  }
0x35: {  	_ =	swait.ge [sflag:s14], $0x4000  }
0x36: {  	s23 =	smov.u32 s25;
	[sflag:s14] =	ssyncset.done $0x0  }
0x37: {  	s22 =	sshra.s32 s22, $0x2;
	[sflag:s14] =	ssyncadd.s32 $0xFFFFC000  }
0x38: {  	[tilespmem:s19], [sflag:$0x1] =	stream.indirect.gather [hbm4b:s3+s18], $0x80, s22, s18, $0xb8;
	[tilespmem:$0x1C8C0] =	vst v63  }
0x39: {  	_ =	swait.ge [sflag:s20], $0x4000  }
0x3a: {  	[sflag:s20] =	ssyncset.done $0x0  }
0x3b: {  	s22 =	sadd.s32 $0x2800, s22;
	[sflag:s20] =	ssyncadd.s32 $0xFFFFC000  }
0x3c: {  	[spmem:s1] =	stream.indirect.scatter.add.f32 [tilespmem:s19], [sflag:$0x2], $0x80, s22, s18, $0xb8;
	[tilespmem:$0x1C8C0] =	vst v63  }
0x3d: {  	_ =	swait.ge [sflag:s14], $0x4000  }
0x3e: {  	[sflag:s14] =	ssyncset.done $0x0  }
0x3f: {  	[sflag:s14] =	ssyncadd.s32 $0xFFFFC000  }
0x40: {  	[bflag:$0x0] =	sbarrier.arrive $0xFFFF  }
0x41: {  	[hbm:s10], [sflag:s6] =	dma.local [spmem:s13], $0x2700  }
0x42: {  	s21 =	sadd.s32 $0x1, s21;
	_ =	swait.ge [sflag:s14], $0x2700  }
0x43: {  	p1 =	sne.s32 s21, s12;
	[sflag:s14] =	ssyncset.done $0x0  }
.Ltmp1:
0x44: {  	s22 =	simm.s32 @!p0 $0x2;
	[sflag:s14] =	ssyncadd.s32 $0xFFFFD900;
	(pc) =	sbr.rel @p1 .LBB2_1-.Ltmp1, $4  }
0x45: {  	[hbm:s11], [sflag:s6] =	dma.local @!p0 [spmem:s15], $0x100  }
0x46: {  	_ =	swait.ge @!p0 [sflag:s22], $0x100  }
0x47: {  	[sflag:s22] =	ssyncset.done @!p0 $0x0  }
0x48: {  	[sflag:s22] =	ssyncadd.s32 @!p0 $0xFFFFFF00  }
0x49: {  	_ =	sfence.sel $0x180000  }
0x4a: {  	[bflag:$0x0] =	sbarrier.arrive $0xFFFF  }
0x4b: {  	_ =	strace $0x90000050  }
0x4c: {  	s0 =	sadd.s32 @!p0 $0x100000, s0;
	[bflag:$0x2] =	sbarrier.arrive $0xFFFF  }
0x4d: {  	[sflag:s0] =	ssyncadd.tile.s32 @!p0 $0x1;
	_ =	shalt  }
.Lfunc_end2:
_tile_overlayer_lowered:
.L_overlay_start_2:
0x4e: {  	(tag) =	ssettag $0x2  }
0x4f: {  	s0 =	rddreg [dreg:$0x0];
	s2 =	stileid.u32  }
0x50: {  	s1 =	rddreg [dreg:$0x1];
	p0 =	sne.s32 s2, $0x0  }
0x51: {  	s3 =	rddreg [dreg:$0x2];
	[bflag:$0x3] =	sbarrier.arrive $0xFFFF;
	s2 =	simm.s32 @!p0 $0x1C02  }
0x52: {  	[timem:s3], [sflag:s2] =	dma.local @!p0 [hbm:s0], s1  }
0x53: {  	s0 =	simm.s32 @!p0 $0x2  }
0x54: {  	_ =	swait.ge @!p0 [sflag:s0], s1  }
0x55: {  	s1 =	ssub.s32 @!p0 $0x0, s1;
	[sflag:s0] =	ssyncset.done @!p0 $0x0  }
0x56: {  	[sflag:s0] =	ssyncadd.s32 @!p0 s1  }
0x57: {  	[bflag:$0x3] =	sbarrier.arrive $0xFFFF  }
0x58: {  	_ =	shalt  }

// kernel: kernel.25.cloned.1.call-start
scs
__scs_entry_jumppad:
0x0: {  	(pc) =	sbr.rel $0x88, $3  }
0x1: {  	(tag) =	ssettag $0x0;
	lr =	simm.s32 $0x1  }
0x2: {  	[smem:$0x3F8B] =	sst lr;
	_ =	strace $0xD0000000  }
0x3: {  	_ = 	snop  }
0x4: {  	_ = 	snop  }
0x5: {  	_ = 	snop  }
0x6: {  	_ = 	snop  }
0x7: {  	_ = 	snop  }
__scs_overlays_trampoline_lowered:
0x8: {  	[smem:$0x3F9A] =	sst s0  }
0x9: {  	[smem:$0x3F9B] =	sst s1  }
0xa: {  	[smem:$0x3F9C] =	sst s2  }
0xb: {  	[smem:$0x3F9D] =	sst s3  }
0xc: {  	[smem:$0x3F9E] =	sst s4  }
0xd: {  	[smem:$0x3F9F] =	sst s5  }
0xe: {  	[smem:$0x3FA0] =	sst s6  }
0xf: {  	[smem:$0x3FA1] =	sst s7  }
0x10: {  	[smem:$0x3FA2] =	sst s8  }
0x11: {  	[smem:$0x3FA3] =	sst s9;
	s0 =	simm.s32 @!p0 $0x0  }
0x12: {  	s1 =	sld [smem:$0x3F89];
	s0 =	simm.s32 @p0 $0x1  }
0x13: {  	[smem:$0x3FA4] =	sst s0;
	s0 =	simm.s32 @!p1 $0x0  }
0x14: {  	s2 =	sld [smem:$0x3F88];
	s0 =	simm.s32 @p1 $0x1  }
0x15: {  	[smem:$0x3FA5] =	sst s0;
	s0 =	simm.s32 @!p2 $0x0  }
0x16: {  	s3 =	sld [smem:$0x3FDB];
	s0 =	simm.s32 @p2 $0x1  }
0x17: {  	s4 =	simm.s32 $0x1BF5;
	[smem:$0x3FA7] =	sst s0  }
0x18: {  	s0 =	sld [smem:$0x3F8A];
	_ =	swait.ge [sflag:s4], $0x0  }
0x19: {  	s7 =	sld [smem:$0x3F8B]  }
0x1a: {  	s8 =	sadd.s32 $0xFFFFE003, lr  }
0x1b: {  	s9 =	sadd.s32 $0xFFFFFEF7, lr;
	s5 =	simm.s32 $0xFFFFFFFF;
	p2 =	slt.u32 s8, $0xFFFFF086  }
0x1c: {  	p1 =	slt.u32 s9, $0xF7A;
	s5 =	simm.s32 @!p2 $0x0  }
0x1d: {  	s5 =	simm.s32 @p1 $0x1;
	p0 =	seq.s32 s7, s2  }
0x1e: {  	s7 =	smul.u32 @!p0 $0xF7A, s2;
	p2 =	seq.s32 @!p0 s5, $0x0  }
0x1f: {  	s9 =	smul.u32 $0xF7A, s1;
	s8 =	simm.s32 @!p0 $0x1BF5;
	p2 =	por !p2, p0  }
0x20: {  	[sflag:s8] =	ssyncset.s32 @!p0 $0xFFFFF086;
	s6 =	sadd.s32 @!p0 s3, s7;
	s7 =	simm.s32 @!p0 $0x108  }
0x21: {  	s3 =	sadd.s32 s3, s9;
	s6 =	sadd.s32 @!p0 $0x88, s6;
	s7 =	simm.s32 @p2 $0x1082  }
0x22: {  	[simem:s7], [sflag:s8] =	dma.local @!p0 [hbm:s6], $0xF7A  }
0x23: {  	s9 =	sor.u32 $0xD0000000, s2;
	s6 =	simm.s32 $0x108;
	_ =	swait.ge @!p0 [sflag:s8], $0x0  }
0x24: {  	s3 =	sadd.s32 $0x88, s3;
	s6 =	simm.s32 @!p1 $0x1082;
	[sflag:s4] =	ssyncset.s32 $0xFFFFF086  }
0x25: {  	[simem:s6], [sflag:s4] =	dma.local [hbm:s3], $0xF7A  }
0x26: {  	[smem:$0x3F8B] =	sst s1;
	(tag) =	ssettag s2;
	_ =	strace s9  }
0x27: {  	s1 =	sld [smem:$0x3F9B]  }
0x28: {  	s2 =	sld [smem:$0x3F9C]  }
0x29: {  	s4 =	sld [smem:$0x3F9E]  }
0x2a: {  	p0 =	seq.s32 s5, $0x0;
	s5 =	sld [smem:$0x3F9F]  }
0x2b: {  	s6 =	sld [smem:$0x3FA0]  }
0x2c: {  	s7 =	sld [smem:$0x3FA1]  }
0x2d: {  	s3 =	simm.s32 $0x108;
	s8 =	sld [smem:$0x3FA2]  }
0x2e: {  	s3 =	simm.s32 @!p0 $0x1082;
	s9 =	sld [smem:$0x3FA3]  }
0x2f: {  	lr =	sadd.s32 s0, s3;
	s0 =	sld [smem:$0x3F9A]  }
0x30: {  	s3 =	sld [smem:$0x3F9D]  }
0x31: {  	[smem:$0x3FA6] =	sst s10  }
0x32: {  	s10 =	sld [smem:$0x3FA4];
	_ =	sdelay $0x3  }
0x33: {  	p0 =	seq.s32 s10, $0x1;
	s10 =	sld [smem:$0x3FA6];
	_ =	sdelay $0x3  }
0x34: {  	[smem:$0x3FA6] =	sst s10  }
0x35: {  	s10 =	sld [smem:$0x3FA5];
	_ =	sdelay $0x3  }
0x36: {  	p1 =	seq.s32 s10, $0x1;
	s10 =	sld [smem:$0x3FA6];
	_ =	sdelay $0x3  }
0x37: {  	[smem:$0x3FA6] =	sst s10  }
0x38: {  	s10 =	sld [smem:$0x3FA7]  }
0x39: {  	_ = 	snop;
	(pc) =	sbr.ind lr, $3  }
0x3a: {  	_ = 	snop  }
0x3b: {  	_ = 	snop  }
0x3c: {  	p2 =	seq.s32 s10, $0x1;
	s10 =	sld [smem:$0x3FA6]  }
0x3d: {  	_ =	shalt  }
0x3e: {  	_ =	shalt  }
0x3f: {  	_ =	shalt  }
0x40: {  	_ =	shalt  }
0x41: {  	_ =	shalt  }
0x42: {  	_ =	shalt  }
0x43: {  	_ =	shalt  }
0x44: {  	_ =	shalt  }
0x45: {  	_ =	shalt  }
0x46: {  	_ =	shalt  }
0x47: {  	_ =	shalt  }
0x48: {  	_ =	shalt  }
0x49: {  	_ =	shalt  }
0x4a: {  	_ =	shalt  }
0x4b: {  	_ =	shalt  }
0x4c: {  	_ =	shalt  }
0x4d: {  	_ =	shalt  }
0x4e: {  	_ =	shalt  }
0x4f: {  	_ =	shalt  }
0x50: {  	_ =	shalt  }
0x51: {  	_ =	shalt  }
0x52: {  	_ =	shalt  }
0x53: {  	_ =	shalt  }
0x54: {  	_ =	shalt  }
0x55: {  	_ =	shalt  }
0x56: {  	_ =	shalt  }
0x57: {  	_ =	shalt  }
0x58: {  	_ =	shalt  }
0x59: {  	_ =	shalt  }
0x5a: {  	_ =	shalt  }
0x5b: {  	_ =	shalt  }
0x5c: {  	_ =	shalt  }
0x5d: {  	_ =	shalt  }
0x5e: {  	_ =	shalt  }
0x5f: {  	_ =	shalt  }
0x60: {  	_ =	shalt  }
0x61: {  	_ =	shalt  }
0x62: {  	_ =	shalt  }
0x63: {  	_ =	shalt  }
0x64: {  	_ =	shalt  }
0x65: {  	_ =	shalt  }
0x66: {  	_ =	shalt  }
0x67: {  	_ =	shalt  }
0x68: {  	_ =	shalt  }
0x69: {  	_ =	shalt  }
0x6a: {  	_ =	shalt  }
0x6b: {  	_ =	shalt  }
0x6c: {  	_ =	shalt  }
0x6d: {  	_ =	shalt  }
0x6e: {  	_ =	shalt  }
0x6f: {  	_ =	shalt  }
0x70: {  	_ =	shalt  }
0x71: {  	_ =	shalt  }
0x72: {  	_ =	shalt  }
0x73: {  	_ =	shalt  }
0x74: {  	_ =	shalt  }
0x75: {  	_ =	shalt  }
0x76: {  	_ =	shalt  }
0x77: {  	_ =	shalt  }
0x78: {  	_ =	shalt  }
0x79: {  	_ =	shalt  }
0x7a: {  	_ =	shalt  }
0x7b: {  	_ =	shalt  }
0x7c: {  	_ =	shalt  }
0x7d: {  	_ =	shalt  }
0x7e: {  	_ =	shalt  }
0x7f: {  	_ =	shalt  }
0x80: {  	_ =	shalt  }
0x81: {  	_ =	shalt  }
0x82: {  	_ =	shalt  }
0x83: {  	_ =	shalt  }
0x84: {  	_ =	shalt  }
0x85: {  	_ =	shalt  }
0x86: {  	_ =	shalt  }
0x87: {  	_ =	shalt  }
.Lfunc_end0:
.L_simem_size_0:
called_computation.4_lowered:
.L_overlay_start_0:
0x88: {  	s2 =	sld [smem:$0x3FD9]  }
0x89: {  	s3 =	sld [smem:$0x3FFE];
	_ =	sdelay $0x1  }
0x8a: {  	s1 =	srdreg.scid  }
0x8b: {  	s0 =	sand.u32 $0x1, s1  }
0x8c: {  	s16 =	sshll.u32 s0, $0xA;
	s2 =	sadd.s32 s3, s2  }
0x8d: {  	s2 =	sadd.s32 s2, s16  }
0x8e: {  	[smem:$0x3FB2] =	sst s2  }
0x8f: {  	_ = 	snop  }
0x90: {  	(tm) =	ssettm $0x1  }
0x91: {  	s17 =	sld [smem:$0x3FFB];
	_ =	sdelay $0x3  }
0x92: {  	_ =	strace s17  }
0x93: {  	s2 =	sld [smem:$0x3FFC];
	_ =	sdelay $0x3  }
0x94: {  	_ =	strace s2  }
0x95: {  	s2 =	sld [smem:$0x3FFD];
	_ =	sdelay $0x3  }
0x96: {  	_ =	strace s2  }
0x97: {  	_ =	strace $0x8FFFFFFF  }
0x98: {  	s18 =	sld [smem:$0x3FDB];
	_ =	sdelay $0x1  }
0x99: {  	s19 =	simm.s32 $_scs_section_size  }
0x9a: {  	s4 =	simm.s32 $_size__tile_overlayer_lowered;
	s5 =	simm.s32 $_tile_overlayer_lowered  }
0x9b: {  	s22 =	simm.s32 $0x1BFF;
	s21 =	sshll.u32 s5, $0x1;
	s2 =	sadd.s32 s19, s18  }
0x9c: {  	s6 =	simm.s32 $0x0;
	s20 =	sshll.u32 s4, $0x1;
	s4 =	sadd.s32 s21, s2  }
0x9d: {  	[timem:s6], [sflag:s22] =	dma.local [hbm:s4], s20  }
0x9e: {  	_ =	swait.ge [sflag:s22], s20  }
0x9f: {  	s3 =	ssub.s32 $0x0, s20;
	[sflag:s22] =	ssyncset.done $0x0  }
0xa0: {  	[sflag:s22] =	ssyncadd.s32 s3;
	_ =	sdelay $0x1  }
0xa1: {  	s23 =	simm.s32 $0x1B8B  }
0xa2: {  	_ =	swait.ge [sflag:s23], $0x1  }
0xa3: {  	[sflag:s23] =	ssyncset.done $0x0  }
0xa4: {  	s25 =	simm.s32 $0x1B8E;
	s24 =	sld [smem:$0x3FFE];
	[sflag:s23] =	ssyncadd.s32 $0xFFFFFFFF  }
0xa5: {  	s26 =	simm.s32 $execute0_lowered;
	[smem:$0x3FD2] =	sst s25  }
0xa6: {  	s4 =	sshll.u32 s26, $0x1;
	_ =	strace $0x80000052;
	[dreg:$0x1] =	wrdreg $0xFFFFFFFF  }
0xa7: {  	s28 =	simm.s32 $_size_execute0_lowered;
	s2 =	sadd.s32 s2, s4;
	[dreg:$0x0] =	wrdreg $0x0  }
0xa8: {  	s4 =	sshll.u32 s28, $0x1;
	[dreg:$0x2] =	wrdreg s2  }
0xa9: {  	[dreg:$0x3] =	wrdreg s4  }
0xaa: {  	[dreg:$0x4] =	wrdreg $0xC0  }
0xab: {  	_ =	task [dreg:s6], $0x5FFFF  }
0xac: {  	[dreg:$0x1] =	wrdreg $0xFFFFFFFF  }
0xad: {  	[dreg:$0x0] =	wrdreg $0x60  }
0xae: {  	[dreg:$0x2] =	wrdreg s24  }
0xaf: {  	[dreg:$0x3] =	wrdreg $0x90000  }
0xb0: {  	[dreg:$0x4] =	wrdreg $0x9  }
0xb1: {  	_ =	task.clear_ibuf [dreg:s6], $0x5FFFF;
	_ =	strace $0x90000052  }
0xb2: {  	s29 =	simm.s32 $0x9;
	_ =	strace $0x80000054  }
0xb3: {  	_ =	swait.ge [sflag:s29], $0x1  }
0xb4: {  	[sflag:s29] =	ssyncadd.s32 $0xFFFFFFFF  }
0xb5: {  	_ =	strace $0x90000054  }
0xb6: {  	_ =	sfence  }
0xb7: {  	s30 =	sld [smem:$0x0];
	_ =	sdelay $0x2  }
0xb8: {  	s31 =	sshll.u32 s1, $0xD;
	s1 =	sshrl.u32 s1, $0x2  }
0xb9: {  	s3 =	sand.u32 $0x4000, s31;
	s1 =	sadd.s32 s1, s30  }
0xba: {  	s0 =	sor.u32 s3, s0;
	s1 =	sshll.u32 s1, $0x11  }
0xbb: {  	s0 =	sor.u32 s1, s0  }
0xbc: {  	s0 =	sadd.s32 $0x8F2B, s0  }
0xbd: {  	[sflag:s0] =	ssyncadd.remote.s32 $0x1  }
0xbe: {  	_ =	sfence.sel $0xFFFF  }
0xbf: {  	[dreg:$0x0] =	wrdreg $0xFFFFFFFF;
	(pc) =	sbr.abs _section_cstart, $3  }
0xc0: {  	[dreg:$0x1] =	wrdreg $0xFFFFFFFF  }
0xc1: {  	_ =	task.clear_ibuf [dreg:s6], $0x2FFFF;
	_ =	strace $0x9FFFFFFF  }
0xc2: {  	(tm) =	ssettm $0x7FFFFFFF  }
0xc3: {  	_ =	shalt  }
tec
execute0_lowered:
.L_overlay_start_1:
0x0: {  	(tag) =	ssettag $0x1  }
0x1: {  	s0 =	srdreg.scid;
	s7 =	rddreg [dreg:$0x0]  }
0x2: {  	s1 =	rddreg [dreg:$0x1];
	s13 =	stileid.u32;
	s2 =	simm.s32 $0x0  }
0x3: {  	s19 =	simm.s32 $0x5000;
	s20 =	simm.s32 $0x1;
	s21 =	simm.s32 $0x0  }
0x4: {  	s5 =	sand.u32 $0x1, s0;
	s0 =	rddreg [dreg:$0x2];
	s6 =	smul.u32 $0x4E000, s13  }
0x5: {  	[smem:$0x7FF] =	sst s2;
	s11 =	smul.u32 $0x13800, s13;
	s12 =	sadd.s32 $0x91800, s7  }
0x6: {  	s29 =	sshll.u32 s13, $0x6;
	s16 =	sadd.s32 $0x138000, s1;
	s17 =	sadd.s32 $0x138800, s1  }
0x7: {  	p0 =	sne.s32 s13, $0x0;
	s3 =	sshll.u32 s5, $0x4;
	_ =	strace $0x80000053  }
0x8: {  	s8 =	ssub.s32 $0x2, s5;
	s30 =	smul.u32 $0x138800, s5;
	s3 =	sor.u32 s13, s3  }
0x9: {  	s10 =	sshrl.u32 s8, $0x1;
	s6 =	sshrl.u32 s6, $0x2;
	s28 =	sshrl.u32 s11, $0x3  }
0xa: {  	s4 =	smul.u32 $0x500, s3;
	s3 =	sadd.s32 $0x11C00, s7;
	s14 =	ssub.s32 s8, s10  }
0xb: {  	s15 =	sadd.s32 s6, s1;
	s6 =	sor.u32 $0x1C02, s29;
	s11 =	sadd.s32 s11, s30  }
0xc: {  	s18 =	sshrl.u32 s30, $0x3;
	s5 =	sadd.s32 s3, s28;
	s11 =	sshrl.u32 s11, $0x3  }
0xd: {  	s31 =	sadd.s32 s12, s18;
	s13 =	sshrl.u32 s15, $0x3;
	s15 =	sshrl.u32 @!p0 s16, $0x3  }
0xe: {  	s16 =	sshrl.u32 @!p0 s17, $0x3;
	s17 =	simm.s32 $0x2800;
	s18 =	simm.s32 $0x80  }
0xf: {  	s9 =	sadd.s32 s4, s7;
	s4 =	sadd.s32 $0x60000, s7;
	s7 =	sadd.s32 $0x38C00, s7  }
0x10: {  	s10 =	sadd.s32 s12, s11;
	s11 =	sadd.s32 $0x27000, s31;
	s12 =	smax.u32 s14, $0x1  }
0x11: {  	s14 =	simm.s32 $0x2;
	s8 =	sadd.s32 $0x87800, s9;
	s9 =	sadd.s32 $0x7C00, s9  }
.LBB2_1:
0x12: {  	[spmem:s13], [sflag:s6] =	dma.local [hbm:s5], $0x2700  }
0x13: {  	_ =	swait.ge [sflag:s14], $0x2700  }
0x14: {  	[sflag:s14] =	ssyncset.done $0x0  }
0x15: {  	s22 =	simm.s32 @!p0 $0x2;
	[sflag:s14] =	ssyncadd.s32 $0xFFFFD900  }
0x16: {  	[spmem:s15], [sflag:s6] =	dma.local @!p0 [hbm:s7], $0x100  }
0x17: {  	_ =	swait.ge @!p0 [sflag:s22], $0x100  }
0x18: {  	[sflag:s22] =	ssyncset.done @!p0 $0x0  }
0x19: {  	[sflag:s22] =	ssyncadd.s32 @!p0 $0xFFFFFF00  }
0x1a: {  	[spmem:s16], [sflag:s6] =	dma.local @!p0 [hbm:s4], $0x80  }
0x1b: {  	_ =	swait.ge @!p0 [sflag:s22], $0x80  }
0x1c: {  	[sflag:s22] =	ssyncset.done @!p0 $0x0  }
0x1d: {  	[sflag:s22] =	ssyncadd.s32 @!p0 $0xFFFFFF80  }
0x1e: {  	[tilespmem:s2], [sflag:$0x2] =	stream.linear.gather [hbm4b:s8+s2], $0x2780, $0x38;
	[tilespmem:$0x1C8C0] =	vst v63  }
0x1f: {  	_ =	swait.ge [sflag:s14], $0x2780  }
0x20: {  	[sflag:s14] =	ssyncset.done $0x0  }
0x21: {  	[sflag:s14] =	ssyncadd.s32 $0xFFFFD880  }
0x22: {  	[tilespmem:s17], [sflag:$0x2] =	stream.linear.gather [hbm4b:s9+s2], $0x2780, $0x38;
	[tilespmem:$0x1C8C0] =	vst v63  }
0x23: {  	_ =	swait.ge [sflag:s14], $0x2780  }
0x24: {  	[sflag:s14] =	ssyncset.done $0x0  }
0x25: {  	[sflag:s14] =	ssyncadd.s32 $0xFFFFD880  }
0x26: {  	s30 =	simm.s32 $0x0;
	[bflag:$0x0] =	sbarrier.arrive $0xFFFF  }
0x27: {  	[tilespmem:s19], [sflag:$0x1] =	stream.indirect.gather [hbm4b:s3+s18], $0x80, s30, s18, $0xb8;
	[tilespmem:$0x1C8C0] =	vst v63  }
0x28: {  	_ =	swait.ge [sflag:s20], $0x4000  }
0x29: {  	[sflag:s20] =	ssyncset.done $0x0  }
0x2a: {  	s31 =	simm.s32 $0x2800;
	[sflag:s20] =	ssyncadd.s32 $0xFFFFC000  }
0x2b: {  	[spmem:s1] =	stream.indirect.scatter.add.f32 [tilespmem:s19], [sflag:$0x2], $0x80, s31, s18, $0xb8;
	[tilespmem:$0x1C8C0] =	vst v63  }
0x2c: {  	_ =	swait.ge [sflag:s14], $0x4000  }
0x2d: {  	s23 =	simm.s32 $0x400;
	s22 =	simm.s32 $0x200;
	[sflag:s14] =	ssyncset.done $0x0  }
.LBB2_2:
0x2e: {  	s24 =	sshra.s32 s22, $0x2  }
0x2f: {  	[sflag:s14] =	ssyncadd.s32 $0xFFFFC000;
	s22 =	smov.u32 s23;
	s25 =	sadd.s32 $0x200, s23  }
0x30: {  	[tilespmem:s19], [sflag:$0x1] =	stream.indirect.gather [hbm4b:s3+s18], $0x80, s24, s18, $0xb8;
	[tilespmem:$0x1C8C0] =	vst v63  }
0x31: {  	p1 =	sne.s32 s23, $0x9C00;
	_ =	swait.ge [sflag:s20], $0x4000  }
.Ltmp0:
0x32: {  	[sflag:s20] =	ssyncset.done $0x0;
	(pc) =	sbr.rel @p1 .LBB2_2-.Ltmp0, $4  }
0x33: {  	s23 =	sadd.s32 $0x2800, s24;
	[sflag:s20] =	ssyncadd.s32 $0xFFFFC000  }
0x34: {  	[spmem:s1] =	stream.indirect.scatter.add.f32 [tilespmem:s19], [sflag:$0x2], $0x80, s23, s18, $0xb8;
	[tilespmem:$0x1C8C0] =	vst v63  }
0x35: {  	_ =	swait.ge [sflag:s14], $0x4000  }
0x36: {  	s23 =	smov.u32 s25;
	[sflag:s14] =	ssyncset.done $0x0  }
0x37: {  	s22 =	sshra.s32 s22, $0x2;
	[sflag:s14] =	ssyncadd.s32 $0xFFFFC000  }
0x38: {  	[tilespmem:s19], [sflag:$0x1] =	stream.indirect.gather [hbm4b:s3+s18], $0x80, s22, s18, $0xb8;
	[tilespmem:$0x1C8C0] =	vst v63  }
0x39: {  	_ =	swait.ge [sflag:s20], $0x4000  }
0x3a: {  	[sflag:s20] =	ssyncset.done $0x0  }
0x3b: {  	s22 =	sadd.s32 $0x2800, s22;
	[sflag:s20] =	ssyncadd.s32 $0xFFFFC000  }
0x3c: {  	[spmem:s1] =	stream.indirect.scatter.add.f32 [tilespmem:s19], [sflag:$0x2], $0x80, s22, s18, $0xb8;
	[tilespmem:$0x1C8C0] =	vst v63  }
0x3d: {  	_ =	swait.ge [sflag:s14], $0x4000  }
0x3e: {  	[sflag:s14] =	ssyncset.done $0x0  }
0x3f: {  	[sflag:s14] =	ssyncadd.s32 $0xFFFFC000  }
0x40: {  	[bflag:$0x0] =	sbarrier.arrive $0xFFFF  }
0x41: {  	[hbm:s10], [sflag:s6] =	dma.local [spmem:s13], $0x2700  }
0x42: {  	s21 =	sadd.s32 $0x1, s21;
	_ =	swait.ge [sflag:s14], $0x2700  }
0x43: {  	p1 =	sne.s32 s21, s12;
	[sflag:s14] =	ssyncset.done $0x0  }
.Ltmp1:
0x44: {  	s22 =	simm.s32 @!p0 $0x2;
	[sflag:s14] =	ssyncadd.s32 $0xFFFFD900;
	(pc) =	sbr.rel @p1 .LBB2_1-.Ltmp1, $4  }
0x45: {  	[hbm:s11], [sflag:s6] =	dma.local @!p0 [spmem:s15], $0x100  }
0x46: {  	_ =	swait.ge @!p0 [sflag:s22], $0x100  }
0x47: {  	[sflag:s22] =	ssyncset.done @!p0 $0x0  }
0x48: {  	[sflag:s22] =	ssyncadd.s32 @!p0 $0xFFFFFF00  }
0x49: {  	_ =	sfence.sel $0x180000  }
0x4a: {  	[bflag:$0x0] =	sbarrier.arrive $0xFFFF  }
0x4b: {  	_ =	strace $0x90000053  }
0x4c: {  	s0 =	sadd.s32 @!p0 $0x100000, s0;
	[bflag:$0x2] =	sbarrier.arrive $0xFFFF  }
0x4d: {  	[sflag:s0] =	ssyncadd.tile.s32 @!p0 $0x1;
	_ =	shalt  }
.Lfunc_end2:
_tile_overlayer_lowered:
.L_overlay_start_2:
0x4e: {  	(tag) =	ssettag $0x2  }
0x4f: {  	s0 =	rddreg [dreg:$0x0];
	s2 =	stileid.u32  }
0x50: {  	s1 =	rddreg [dreg:$0x1];
	p0 =	sne.s32 s2, $0x0  }
0x51: {  	s3 =	rddreg [dreg:$0x2];
	[bflag:$0x3] =	sbarrier.arrive $0xFFFF;
	s2 =	simm.s32 @!p0 $0x1C02  }
0x52: {  	[timem:s3], [sflag:s2] =	dma.local @!p0 [hbm:s0], s1  }
0x53: {  	s0 =	simm.s32 @!p0 $0x2  }
0x54: {  	_ =	swait.ge @!p0 [sflag:s0], s1  }
0x55: {  	s1 =	ssub.s32 @!p0 $0x0, s1;
	[sflag:s0] =	ssyncset.done @!p0 $0x0  }
0x56: {  	[sflag:s0] =	ssyncadd.s32 @!p0 s1  }
0x57: {  	[bflag:$0x3] =	sbarrier.arrive $0xFFFF  }
0x58: {  	_ =	shalt  }

</sc_bundles>
